<compile_context>
chip_gen: v7x
topology: tpu7x:2x2x1
jax: 0.10.2.dev20260603
libtpu: 0.0.44.dev20260713+nightly
codegen_flags: <defaults>
</compile_context>

<pallas_src>
import functools

import jax
import jax.numpy as jnp
from jax import lax
from jax.experimental import pallas as pl
from jax.experimental.pallas import tpu as pltpu
from jax.experimental.pallas import tpu_sc as plsc

_N = 10000
_E = 160000
_D = 256
_DH = 128
_NSUB = 16
_NCORE = 2
_RPT = 624
_RPT_LAST = _N - (_NSUB - 1) * _RPT
_EDGES_PER_TILE = _E // _NSUB
_B = 80
_NB = _EDGES_PER_TILE // _B
_EDGES_PER_TILE32 = _E // (_NSUB * _NCORE)
_BR = 1000
_RB = _N // _BR

_sc_mesh = plsc.VectorSubcoreMesh(core_axis_name="c", subcore_axis_name="s")


@functools.partial(
    pl.kernel,
    out_type=jax.ShapeDtypeStruct((_NSUB * _NCORE, _N), jnp.float32),
    mesh=_sc_mesh,
    scratch_types=[
        pltpu.VMEM((_N,), jnp.float32),
        pltpu.VMEM((_EDGES_PER_TILE32 + 16,), jnp.int32),
    ],
    compiler_params=pltpu.CompilerParams(needs_layout_passes=False),
)
def _deg_sc(dst_hbm, out_hbm, cnt_v, buf_v):
    c = lax.axis_index("c")
    s = lax.axis_index("s")
    wid = s * _NCORE + c

    def zero_body(i, carry):
        cnt_v[pl.ds(i * 16, 16)] = jnp.zeros((16,), jnp.float32)
        return carry

    lax.fori_loop(0, _N // 16, zero_body, 0)

    pltpu.sync_copy(
        dst_hbm.at[pl.ds(wid * _EDGES_PER_TILE32, _EDGES_PER_TILE32)],
        buf_v.at[pl.ds(0, _EDGES_PER_TILE32)],
    )

    ones = jnp.ones((16,), jnp.float32)
    full = _EDGES_PER_TILE32 // 16
    rem = _EDGES_PER_TILE32 - full * 16

    def body(i, carry):
        idx = buf_v[pl.ds(i * 16, 16)]
        plsc.addupdate_scatter(cnt_v, [idx], ones)
        return carry

    lax.fori_loop(0, full, body, 0)
    if rem:
        lanes = lax.iota(jnp.int32, 16)
        m = lanes < rem
        tail = buf_v[pl.ds(full * 16, 16)]
        tail = jnp.where(m, tail, 0)
        plsc.addupdate_scatter(cnt_v, [tail], ones, mask=m)

    pltpu.sync_copy(cnt_v, out_hbm.at[wid])


@functools.partial(
    pl.kernel,
    out_type=jax.ShapeDtypeStruct((_NCORE * _N, _DH), jnp.float32),
    mesh=_sc_mesh,
    scratch_types=[
        pltpu.VMEM((_B,), jnp.int32),
        pltpu.VMEM((_B,), jnp.int32),
        pltpu.VMEM((_B,), jnp.int32),
        pltpu.VMEM((_B, _DH), jnp.float32),
        pltpu.VMEM_SHARED((_N, _DH), jnp.float32),
        pltpu.SemaphoreType.DMA,
    ],
    compiler_params=pltpu.CompilerParams(needs_layout_passes=False),
)
def _segsum_sc(y_hbm, src_hbm, dst_hbm, zeros_hbm, out_hbm,
               src_v, dst_v, gidx_v, rows_v, acc_sh, sem):
    c = lax.axis_index("c")
    s = lax.axis_index("s")

    last = _NSUB - 1

    @pl.when(s < last)
    def _():
        pltpu.sync_copy(zeros_hbm.at[pl.ds(0, _RPT)],
                        acc_sh.at[pl.ds(s * _RPT, _RPT)])

    @pl.when(s == last)
    def _():
        pltpu.sync_copy(zeros_hbm, acc_sh.at[pl.ds(last * _RPT, _RPT_LAST)])

    plsc.subcore_barrier()

    off = c * _N

    def body(i, carry):
        base = s * _EDGES_PER_TILE + i * _B
        pltpu.sync_copy(src_hbm.at[pl.ds(base, _B)], src_v)
        pltpu.sync_copy(dst_hbm.at[pl.ds(base, _B)], dst_v)
        for k in range(_B // 16):
            gidx_v[pl.ds(k * 16, 16)] = src_v[pl.ds(k * 16, 16)] + off
        pltpu.async_copy(y_hbm.at[gidx_v], rows_v, sem).wait()
        pltpu.sync_copy(rows_v, acc_sh.at[dst_v], add=True)
        return carry

    lax.fori_loop(0, _NB, body, 0)
    plsc.subcore_barrier()

    @pl.when(s < last)
    def _():
        pltpu.sync_copy(acc_sh.at[pl.ds(s * _RPT, _RPT)],
                        out_hbm.at[pl.ds(off + s * _RPT, _RPT)])

    @pl.when(s == last)
    def _():
        pltpu.sync_copy(acc_sh.at[pl.ds(last * _RPT, _RPT_LAST)],
                        out_hbm.at[pl.ds(off + last * _RPT, _RPT_LAST)])


def _dinv_body(p_ref, o_ref):
    deg = 1.0 + jnp.sum(p_ref[...], axis=0)
    o_ref[...] = lax.rsqrt(deg)[:, None]


def _dinv_tc(parts):
    return pl.pallas_call(
        _dinv_body,
        out_shape=jax.ShapeDtypeStruct((_N, 1), jnp.float32),
    )(parts)


def _mm1_body(x_ref, w_ref, dinv_ref, y_ref):
    y_ref[...] = jnp.dot(x_ref[...], w_ref[...],
                         preferred_element_type=jnp.float32) * dinv_ref[...]


def _mm1(x, W, dinv):
    return pl.pallas_call(
        _mm1_body,
        grid=(_RB, _NCORE),
        in_specs=[
            pl.BlockSpec((_BR, _D), lambda b, c: (b, 0)),
            pl.BlockSpec((_D, _DH), lambda b, c: (0, c)),
            pl.BlockSpec((_BR, 1), lambda b, c: (b, 0)),
        ],
        out_specs=pl.BlockSpec((_BR, _DH), lambda b, c: (c * _RB + b, 0)),
        out_shape=jax.ShapeDtypeStruct((_NCORE * _N, _DH), jnp.float32),
    )(x, W, dinv)


def _mm2_body(acc_lo_ref, acc_hi_ref, y_lo_ref, y_hi_ref, dinv_ref, b_ref,
              w_ref, out_ref):
    dinv = dinv_ref[...]
    lo = dinv * (acc_lo_ref[...] + y_lo_ref[...])
    hi = dinv * (acc_hi_ref[...] + y_hi_ref[...])
    h = jnp.concatenate([lo, hi], axis=1) + b_ref[...][None, :]
    h = jnp.maximum(h, 0.0)
    out_ref[...] = jnp.dot(h, w_ref[...],
                           preferred_element_type=jnp.float32) * dinv


def _mm2(acc, y, dinv, bvec, W):
    return pl.pallas_call(
        _mm2_body,
        grid=(_RB, _NCORE),
        in_specs=[
            pl.BlockSpec((_BR, _DH), lambda b, c: (b, 0)),
            pl.BlockSpec((_BR, _DH), lambda b, c: (_RB + b, 0)),
            pl.BlockSpec((_BR, _DH), lambda b, c: (b, 0)),
            pl.BlockSpec((_BR, _DH), lambda b, c: (_RB + b, 0)),
            pl.BlockSpec((_BR, 1), lambda b, c: (b, 0)),
            pl.BlockSpec((_D,), lambda b, c: (0,)),
            pl.BlockSpec((_D, _DH), lambda b, c: (0, c)),
        ],
        out_specs=pl.BlockSpec((_BR, _DH), lambda b, c: (c * _RB + b, 0)),
        out_shape=jax.ShapeDtypeStruct((_NCORE * _N, _DH), jnp.float32),
    )(acc, acc, y, y, dinv, bvec, W)


def _final_body(acc_ref, y_ref, dinv_ref, b_ref, z_ref):
    dinv = dinv_ref[...]
    a = acc_ref[...]
    yv = y_ref[...]
    lo = dinv * (a[:_N] + yv[:_N])
    hi = dinv * (a[_N:] + yv[_N:])
    out = jnp.concatenate([lo, hi], axis=1) + b_ref[...][None, :]
    mu = jnp.mean(out, axis=0)
    d = out - mu[None, :]
    var = jnp.sum(d * d, axis=0) / (_N - 1)
    z_ref[...] = d * lax.rsqrt(var)[None, :]


def _final(acc, y, dinv, bvec):
    return pl.pallas_call(
        _final_body,
        out_shape=jax.ShapeDtypeStruct((_N, _D), jnp.float32),
    )(acc, y, dinv, bvec)


def kernel(x1, edge_index1, x2, edge_index2, W1, b1, W2, b2):
    zeros = jnp.zeros((_RPT_LAST, _DH), jnp.float32)

    def backbone(x, ei):
        src, dst = ei[0], ei[1]
        parts = _deg_sc(dst)
        dinv = _dinv_tc(parts)
        y1 = _mm1(x, W1, dinv)
        acc1 = _segsum_sc(y1, src, dst, zeros)
        y2 = _mm2(acc1, y1, dinv, b1, W2)
        acc2 = _segsum_sc(y2, src, dst, zeros)
        return _final(acc2, y2, dinv, b2)

    return backbone(x1, edge_index1), backbone(x2, edge_index2)

# --- scband reference (transcript-rebuilt; emitter-appended) ---
"""Pipeline reference for scband-sup-clgr-40664750358600 (READ-ONLY COPY).

The authoritative reference and input builder live on the scoring server;
editing this copy changes nothing except your own understanding.
"""

import jax, jax.numpy as jnp
import numpy as np

N = 10000
E = 160000
D_IN = 256
D_HID = 256
D_OUT = 256


def setup_inputs(seed: int = 0) -> dict:
    key = jax.random.key(seed)
    ks = jax.random.split(key, 8)
    x1 = jax.random.normal(ks[0], (N, D_IN), dtype=jnp.float32)
    x2 = jax.random.normal(ks[1], (N, D_IN), dtype=jnp.float32)
    edge_index1 = jax.random.randint(ks[2], (2, E), 0, N, dtype=jnp.int32)
    edge_index2 = jax.random.randint(ks[3], (2, E), 0, N, dtype=jnp.int32)
    W1 = jax.random.normal(ks[4], (D_IN, D_HID), dtype=jnp.float32) * (1.0 / np.sqrt(D_IN))
    b1 = jnp.zeros((D_HID,), dtype=jnp.float32)
    W2 = jax.random.normal(ks[5], (D_HID, D_OUT), dtype=jnp.float32) * (1.0 / np.sqrt(D_HID))
    b2 = jnp.zeros((D_OUT,), dtype=jnp.float32)
    return {"x1": x1, "edge_index1": edge_index1, "x2": x2, "edge_index2": edge_index2,
            "W1": W1, "b1": b1, "W2": W2, "b2": b2}


def gcn_conv(x, src, dst, W, b):
    # GCNConv with symmetric normalization and self-loops:
    # out = D^{-1/2}(A+I)D^{-1/2} (x @ W) + b
    n = x.shape[0]
    loop = jnp.arange(n, dtype=src.dtype)
    s = jnp.concatenate([src, loop])
    d = jnp.concatenate([dst, loop])
    deg = jnp.zeros((n,), dtype=x.dtype).at[d].add(1.0)
    dinv = jnp.where(deg > 0, 1.0 / jnp.sqrt(deg), 0.0)
    norm = dinv[s] * dinv[d]
    xw = x @ W
    msgs = jnp.take(xw, s, axis=0) * norm[:, None]
    out = jnp.zeros((n, W.shape[1]), dtype=x.dtype).at[d].add(msgs)
    return out + b


def backbone(x, edge_index, W1, b1, W2, b2):
    # GCN with n_layers=2: relu(conv1) -> conv2
    src, dst = edge_index[0], edge_index[1]
    h = jax.nn.relu(gcn_conv(x, src, dst, W1, b1))
    h = gcn_conv(h, src, dst, W2, b2)
    return h


def standardize(h):
    # (h - h.mean(0)) / h.std(0); torch std is unbiased (ddof=1)
    return (h - h.mean(axis=0)) / jnp.std(h, axis=0, ddof=1)


def reference(x1, edge_index1, x2, edge_index2, W1, b1, W2, b2):
    h1 = backbone(x1, edge_index1, W1, b1, W2, b2)
    h2 = backbone(x2, edge_index2, W1, b1, W2, b2)
    z1 = standardize(h1)
    z2 = standardize(h2)
    return (z1, z2)

if __name__ == "__main__":
    import jax
    _d = setup_inputs()
    print(jax.jit(kernel)(*tuple(_d.values())))

</pallas_src>

<mosaic_0001>
#map = affine_map<(d0, d1) -> (0)>
#map1 = affine_map<(d0, d1) -> (0, 0)>
module attributes {stable_mosaic.version = 14 : i64} {
  func.func @_deg_sc(%arg0: i32, %arg1: i32, %arg2: memref<160000xi32, #tpu.memory_space<hbm>>, %arg3: memref<32x10000xf32, #tpu.memory_space<hbm>>, %arg4: memref<10000xf32, #tpu.memory_space<vmem>>, %arg5: memref<5016xi32, #tpu.memory_space<vmem>>) attributes {dimension_semantics = [#tpu.dimension_semantics<core_parallel>, #tpu.dimension_semantics<subcore_parallel>], iteration_bounds = array<i64: 2, 16>, scalar_prefetch = 0 : i64, scratch_operands = 2 : i64, tpu.core_type = #tpu.core_type<sc_vector_subcore>, window_params = [{transform_indices = #map}, {transform_indices = #map1}]} {
    %mul3A = arith.constant 2 : i32
    %mul3A_0 = arith.muli %arg1, %mul3A : i32
    %add3A = arith.addi %mul3A_0, %arg0 : i32
    %scan3A = arith.constant 0 : i32
    %scan3A_1 = arith.constant 0 : i32
    %scan3A_2 = arith.constant 625 : i32
    %scan3A_3 = arith.addi %scan3A_1, %scan3A_2 : i32
    %scan3A_4 = arith.constant 1 : i32
    scf.for %scan3A_19 = %scan3A_1 to %scan3A_3 step %scan3A_4  : i32 {
      %broadcast_in_dim3A_20 = arith.constant 0.000000e+00 : f32
      %broadcast_in_dim3A_21 = vector.broadcast %broadcast_in_dim3A_20 : f32 to vector<16xf32>
      %mul3A_22 = arith.constant 16 : i32
      %mul3A_23 = arith.muli %scan3A_19, %mul3A_22 : i32
      %swap3A = arith.index_cast %mul3A_23 : i32 to index
      %swap3A_24 = tpu.vector_load %arg4[%swap3A] {strides = array<i32>} : memref<10000xf32, #tpu.memory_space<vmem>>, vector<16xf32>,
      tpu.vector_store %arg4[%swap3A], %broadcast_in_dim3A_21 {strides = array<i32>} : memref<10000xf32, #tpu.memory_space<vmem>>, vector<16xf32>,
    }
    %scan3A_5 = arith.constant 625 : i32
    %mul3A_6 = arith.constant 5000 : i32
    %mul3A_7 = arith.muli %add3A, %mul3A_6 : i32
    "tpu.region"() ({
      %run_scoped3A = tpu.sem_alloc : memref<!tpu.dma_semaphore, #tpu.memory_space<semaphore_mem>>
      %dma_start3A = arith.constant 0 : i32
      %dma_start3A_19 = tpu.memref_slice %arg5[%dma_start3A] : memref<5016xi32, #tpu.memory_space<vmem>> -> memref<5000xi32, #tpu.memory_space<vmem>>
      %dma_start3A_20 = tpu.memref_slice %arg2[%mul3A_7] : memref<160000xi32, #tpu.memory_space<hbm>> -> memref<5000xi32, #tpu.memory_space<hbm>>
      %dma_start3A_21 = arith.constant 0 : i32
      %dma_start3A_22 = tpu.memref_slice %arg5[%dma_start3A_21] : memref<5016xi32, #tpu.memory_space<vmem>> -> memref<5000xi32, #tpu.memory_space<vmem>>
      %dma_start3A_23 = tpu.memref_slice %arg2[%mul3A_7] : memref<160000xi32, #tpu.memory_space<hbm>> -> memref<5000xi32, #tpu.memory_space<hbm>>
      tpu.enqueue_dma source(%dma_start3A_23 : memref<5000xi32, #tpu.memory_space<hbm>>) target(%dma_start3A_22 : memref<5000xi32, #tpu.memory_space<vmem>>) target_semaphore(%run_scoped3A : memref<!tpu.dma_semaphore, #tpu.memory_space<semaphore_mem>>)
      %dma_wait3A = arith.constant 0 : i32
      %dma_wait3A_24 = tpu.memref_slice %arg5[%dma_wait3A] : memref<5016xi32, #tpu.memory_space<vmem>> -> memref<5000xi32, #tpu.memory_space<vmem>>
      %dma_wait3A_25 = tpu.memref_slice %arg2[%mul3A_7] : memref<160000xi32, #tpu.memory_space<hbm>> -> memref<5000xi32, #tpu.memory_space<hbm>>
      %dma_wait3A_26 = arith.constant 0 : i32
      %dma_wait3A_27 = tpu.memref_slice %arg5[%dma_wait3A_26] : memref<5016xi32, #tpu.memory_space<vmem>> -> memref<5000xi32, #tpu.memory_space<vmem>>
      %dma_wait3A_28 = tpu.memref_slice %arg2[%mul3A_7] : memref<160000xi32, #tpu.memory_space<hbm>> -> memref<5000xi32, #tpu.memory_space<hbm>>
      tpu.wait_dma2 semaphore(%run_scoped3A : memref<!tpu.dma_semaphore, #tpu.memory_space<semaphore_mem>>) src(%dma_wait3A_28 : memref<5000xi32, #tpu.memory_space<hbm>>) dst(%dma_wait3A_27 : memref<5000xi32, #tpu.memory_space<vmem>>)
      tpu.yield
    }) : () -> ()
    %broadcast_in_dim3A = arith.constant 1.000000e+00 : f32
    %broadcast_in_dim3A_8 = vector.broadcast %broadcast_in_dim3A : f32 to vector<16xf32>
    %scan3A_9 = arith.constant 0 : i32
    %scan3A_10 = arith.constant 0 : i32
    %scan3A_11 = arith.constant 312 : i32
    %scan3A_12 = arith.addi %scan3A_10, %scan3A_11 : i32
    %scan3A_13 = arith.constant 1 : i32
    scf.for %scan3A_19 = %scan3A_10 to %scan3A_12 step %scan3A_13  : i32 {
      %mul3A_20 = arith.constant 16 : i32
      %mul3A_21 = arith.muli %scan3A_19, %mul3A_20 : i32
      %get3A_22 = arith.index_cast %mul3A_21 : i32 to index
      %get3A_23 = tpu.vector_load %arg5[%get3A_22] {strides = array<i32>} : memref<5016xi32, #tpu.memory_space<vmem>>, vector<16xi32>,
      tpu.vector_store_idx %arg4[%get3A_23], %broadcast_in_dim3A_8 {add = true} : memref<10000xf32, #tpu.memory_space<vmem>>[vector<16xi32>], vector<16xf32>,
    }
    %scan3A_14 = arith.constant 312 : i32
    %iota3A = tpu.iota {dimensions = array<i32: 0>} : vector<16xi32>
    %lt3A = arith.constant 8 : i32
    %lt3A_15 = vector.broadcast %lt3A : i32 to vector<16xi32>
    %lt3A_16 = arith.cmpi slt, %iota3A, %lt3A_15 : vector<16xi32>
    %get3A = arith.constant 4992 : index
    %get3A_17 = tpu.vector_load %arg5[%get3A] {strides = array<i32>} : memref<5016xi32, #tpu.memory_space<vmem>>, vector<16xi32>,
    %jit3A = arith.constant 0 : i32
    %broadcast_in_dim3A_18 = vector.broadcast %jit3A : i32 to vector<16xi32>
    %select_n3A = arith.select %lt3A_16, %get3A_17, %broadcast_in_dim3A_18 : vector<16xi1>, vector<16xi32>
    tpu.vector_store_idx %arg4[%select_n3A], %broadcast_in_dim3A_8 masked %lt3A_16 {add = true} : memref<10000xf32, #tpu.memory_space<vmem>>[vector<16xi32>], vector<16xf32>, vector<16xi1>
    "tpu.region"() ({
      %run_scoped3A = tpu.sem_alloc : memref<!tpu.dma_semaphore, #tpu.memory_space<semaphore_mem>>
      %dma_start3A = arith.constant 0 : i32
      %dma_start3A_19 = tpu.memref_slice %arg3[%add3A, %dma_start3A] : memref<32x10000xf32, #tpu.memory_space<hbm>> -> memref<1x10000xf32, #tpu.memory_space<hbm>>
      %dma_start3A_20 = tpu.memref_squeeze %dma_start3A_19 : memref<1x10000xf32, #tpu.memory_space<hbm>> -> memref<10000xf32, #tpu.memory_space<hbm>>
      %dma_start3A_21 = arith.constant 0 : i32
      %dma_start3A_22 = tpu.memref_slice %arg3[%add3A, %dma_start3A_21] : memref<32x10000xf32, #tpu.memory_space<hbm>> -> memref<1x10000xf32, #tpu.memory_space<hbm>>
      %dma_start3A_23 = tpu.memref_squeeze %dma_start3A_22 : memref<1x10000xf32, #tpu.memory_space<hbm>> -> memref<10000xf32, #tpu.memory_space<hbm>>
      tpu.enqueue_dma source(%arg4 : memref<10000xf32, #tpu.memory_space<vmem>>) target(%dma_start3A_23 : memref<10000xf32, #tpu.memory_space<hbm>>) target_semaphore(%run_scoped3A : memref<!tpu.dma_semaphore, #tpu.memory_space<semaphore_mem>>)
      %dma_wait3A = arith.constant 0 : i32
      %dma_wait3A_24 = tpu.memref_slice %arg3[%add3A, %dma_wait3A] : memref<32x10000xf32, #tpu.memory_space<hbm>> -> memref<1x10000xf32, #tpu.memory_space<hbm>>
      %dma_wait3A_25 = tpu.memref_squeeze %dma_wait3A_24 : memref<1x10000xf32, #tpu.memory_space<hbm>> -> memref<10000xf32, #tpu.memory_space<hbm>>
      %dma_wait3A_26 = arith.constant 0 : i32
      %dma_wait3A_27 = tpu.memref_slice %arg3[%add3A, %dma_wait3A_26] : memref<32x10000xf32, #tpu.memory_space<hbm>> -> memref<1x10000xf32, #tpu.memory_space<hbm>>
      %dma_wait3A_28 = tpu.memref_squeeze %dma_wait3A_27 : memref<1x10000xf32, #tpu.memory_space<hbm>> -> memref<10000xf32, #tpu.memory_space<hbm>>
      tpu.wait_dma2 semaphore(%run_scoped3A : memref<!tpu.dma_semaphore, #tpu.memory_space<semaphore_mem>>) src(%arg4 : memref<10000xf32, #tpu.memory_space<vmem>>) dst(%dma_wait3A_28 : memref<10000xf32, #tpu.memory_space<hbm>>)
      tpu.yield
    }) : () -> ()
    return
  }
}

#map = affine_map<(d0, d1) -> (0, 0)>
#map1 = affine_map<(d0, d1) -> (0)>
module attributes {stable_mosaic.version = 14 : i64} {
  func.func @_segsum_sc(%arg0: i32, %arg1: i32, %arg2: memref<20000x128xf32, #tpu.memory_space<hbm>>, %arg3: memref<160000xi32, #tpu.memory_space<hbm>>, %arg4: memref<160000xi32, #tpu.memory_space<hbm>>, %arg5: memref<640x128xf32, #tpu.memory_space<hbm>>, %arg6: memref<20000x128xf32, #tpu.memory_space<hbm>>, %arg7: memref<80xi32, #tpu.memory_space<vmem>>, %arg8: memref<80xi32, #tpu.memory_space<vmem>>, %arg9: memref<80xi32, #tpu.memory_space<vmem>>, %arg10: memref<80x128xf32, #tpu.memory_space<vmem>>, %arg11: memref<10000x128xf32, #tpu.memory_space<vmem_shared>>, %arg12: memref<!tpu.dma_semaphore, #tpu.memory_space<semaphore_mem>>) attributes {dimension_semantics = [#tpu.dimension_semantics<core_parallel>, #tpu.dimension_semantics<subcore_parallel>], iteration_bounds = array<i64: 2, 16>, scalar_prefetch = 0 : i64, scratch_operands = 6 : i64, tpu.core_type = #tpu.core_type<sc_vector_subcore>, window_params = [{transform_indices = #map}, {transform_indices = #map1}, {transform_indices = #map1}, {transform_indices = #map}, {transform_indices = #map}]} {
    %lt3A = arith.constant 15 : i32
    %lt3A_0 = arith.cmpi slt, %arg1, %lt3A : i32
    %convert_element_type3A = arith.extui %lt3A_0 : i1 to i32
    %cond3A = arith.constant 0 : i32
    %cond3A_1 = arith.cmpi ne, %convert_element_type3A, %cond3A : i32
    scf.if %cond3A_1 {
      %mul3A_23 = arith.constant 624 : i32
      %mul3A_24 = arith.muli %arg1, %mul3A_23 : i32
      "tpu.region"() ({
        %run_scoped3A = tpu.sem_alloc : memref<!tpu.dma_semaphore, #tpu.memory_space<semaphore_mem>>
        %dma_start3A = arith.constant 0 : i32
        %dma_start3A_25 = tpu.memref_slice %arg11[%mul3A_24, %dma_start3A] : memref<10000x128xf32, #tpu.memory_space<vmem_shared>> -> memref<624x128xf32, #tpu.memory_space<vmem_shared>>
        %dma_start3A_26 = arith.constant 0 : i32
        %dma_start3A_27 = arith.constant 0 : i32
        %dma_start3A_28 = tpu.memref_slice %arg5[%dma_start3A_26, %dma_start3A_27] : memref<640x128xf32, #tpu.memory_space<hbm>> -> memref<624x128xf32, #tpu.memory_space<hbm>>
        tpu.enqueue_dma source(%dma_start3A_28 : memref<624x128xf32, #tpu.memory_space<hbm>>) target(%dma_start3A_25 : memref<624x128xf32, #tpu.memory_space<vmem_shared>>) target_semaphore(%run_scoped3A : memref<!tpu.dma_semaphore, #tpu.memory_space<semaphore_mem>>)
        %dma_wait3A = arith.constant 0 : i32
        %dma_wait3A_29 = tpu.memref_slice %arg11[%mul3A_24, %dma_wait3A] : memref<10000x128xf32, #tpu.memory_space<vmem_shared>> -> memref<624x128xf32, #tpu.memory_space<vmem_shared>>
        %dma_wait3A_30 = arith.constant 0 : i32
        %dma_wait3A_31 = arith.constant 0 : i32
        %dma_wait3A_32 = tpu.memref_slice %arg5[%dma_wait3A_30, %dma_wait3A_31] : memref<640x128xf32, #tpu.memory_space<hbm>> -> memref<624x128xf32, #tpu.memory_space<hbm>>
        tpu.wait_dma2 semaphore(%run_scoped3A : memref<!tpu.dma_semaphore, #tpu.memory_space<semaphore_mem>>) src(%dma_wait3A_32 : memref<624x128xf32, #tpu.memory_space<hbm>>) dst(%dma_wait3A_29 : memref<624x128xf32, #tpu.memory_space<vmem_shared>>)
        tpu.yield
      }) : () -> ()
    } else {
    }
    %eq3A = arith.constant 15 : i32
    %eq3A_2 = arith.cmpi eq, %arg1, %eq3A : i32
    %convert_element_type3A_3 = arith.extui %eq3A_2 : i1 to i32
    %cond3A_4 = arith.constant 0 : i32
    %cond3A_5 = arith.cmpi ne, %convert_element_type3A_3, %cond3A_4 : i32
    scf.if %cond3A_5 {
      "tpu.region"() ({
        %run_scoped3A = tpu.sem_alloc : memref<!tpu.dma_semaphore, #tpu.memory_space<semaphore_mem>>
        %dma_start3A = arith.constant 9360 : i32
        %dma_start3A_23 = arith.constant 0 : i32
        %dma_start3A_24 = tpu.memref_slice %arg11[%dma_start3A, %dma_start3A_23] : memref<10000x128xf32, #tpu.memory_space<vmem_shared>> -> memref<640x128xf32, #tpu.memory_space<vmem_shared>>
        tpu.enqueue_dma source(%arg5 : memref<640x128xf32, #tpu.memory_space<hbm>>) target(%dma_start3A_24 : memref<640x128xf32, #tpu.memory_space<vmem_shared>>) target_semaphore(%run_scoped3A : memref<!tpu.dma_semaphore, #tpu.memory_space<semaphore_mem>>)
        %dma_wait3A = arith.constant 9360 : i32
        %dma_wait3A_25 = arith.constant 0 : i32
        %dma_wait3A_26 = tpu.memref_slice %arg11[%dma_wait3A, %dma_wait3A_25] : memref<10000x128xf32, #tpu.memory_space<vmem_shared>> -> memref<640x128xf32, #tpu.memory_space<vmem_shared>>
        tpu.wait_dma2 semaphore(%run_scoped3A : memref<!tpu.dma_semaphore, #tpu.memory_space<semaphore_mem>>) src(%arg5 : memref<640x128xf32, #tpu.memory_space<hbm>>) dst(%dma_wait3A_26 : memref<640x128xf32, #tpu.memory_space<vmem_shared>>)
        tpu.yield
      }) : () -> ()
    } else {
    }
    %barrier3A = arith.constant 0 : index
    tpu.barrier barrier_id(%barrier3A)
    %mul3A = arith.constant 10000 : i32
    %mul3A_6 = arith.muli %arg0, %mul3A : i32
    %scan3A = arith.constant 0 : i32
    %scan3A_7 = arith.constant 0 : i32
    %scan3A_8 = arith.constant 125 : i32
    %scan3A_9 = arith.addi %scan3A_7, %scan3A_8 : i32
    %scan3A_10 = arith.constant 1 : i32
    scf.for %scan3A_23 = %scan3A_7 to %scan3A_9 step %scan3A_10  : i32 {
      %mul3A_24 = arith.constant 10000 : i32
      %mul3A_25 = arith.muli %arg1, %mul3A_24 : i32
      %mul3A_26 = arith.constant 80 : i32
      %mul3A_27 = arith.muli %scan3A_23, %mul3A_26 : i32
      %add3A = arith.addi %mul3A_25, %mul3A_27 : i32
      "tpu.region"() ({
        %run_scoped3A = tpu.sem_alloc : memref<!tpu.dma_semaphore, #tpu.memory_space<semaphore_mem>>
        %dma_start3A_60 = tpu.memref_slice %arg3[%add3A] : memref<160000xi32, #tpu.memory_space<hbm>> -> memref<80xi32, #tpu.memory_space<hbm>>
        %dma_start3A_61 = tpu.memref_slice %arg3[%add3A] : memref<160000xi32, #tpu.memory_space<hbm>> -> memref<80xi32, #tpu.memory_space<hbm>>
        tpu.enqueue_dma source(%dma_start3A_61 : memref<80xi32, #tpu.memory_space<hbm>>) target(%arg7 : memref<80xi32, #tpu.memory_space<vmem>>) target_semaphore(%run_scoped3A : memref<!tpu.dma_semaphore, #tpu.memory_space<semaphore_mem>>)
        %dma_wait3A_62 = tpu.memref_slice %arg3[%add3A] : memref<160000xi32, #tpu.memory_space<hbm>> -> memref<80xi32, #tpu.memory_space<hbm>>
        %dma_wait3A_63 = tpu.memref_slice %arg3[%add3A] : memref<160000xi32, #tpu.memory_space<hbm>> -> memref<80xi32, #tpu.memory_space<hbm>>
        tpu.wait_dma2 semaphore(%run_scoped3A : memref<!tpu.dma_semaphore, #tpu.memory_space<semaphore_mem>>) src(%dma_wait3A_63 : memref<80xi32, #tpu.memory_space<hbm>>) dst(%arg7 : memref<80xi32, #tpu.memory_space<vmem>>)
        tpu.yield
      }) : () -> ()
      "tpu.region"() ({
        %run_scoped3A = tpu.sem_alloc : memref<!tpu.dma_semaphore, #tpu.memory_space<semaphore_mem>>
        %dma_start3A_60 = tpu.memref_slice %arg4[%add3A] : memref<160000xi32, #tpu.memory_space<hbm>> -> memref<80xi32, #tpu.memory_space<hbm>>
        %dma_start3A_61 = tpu.memref_slice %arg4[%add3A] : memref<160000xi32, #tpu.memory_space<hbm>> -> memref<80xi32, #tpu.memory_space<hbm>>
        tpu.enqueue_dma source(%dma_start3A_61 : memref<80xi32, #tpu.memory_space<hbm>>) target(%arg8 : memref<80xi32, #tpu.memory_space<vmem>>) target_semaphore(%run_scoped3A : memref<!tpu.dma_semaphore, #tpu.memory_space<semaphore_mem>>)
        %dma_wait3A_62 = tpu.memref_slice %arg4[%add3A] : memref<160000xi32, #tpu.memory_space<hbm>> -> memref<80xi32, #tpu.memory_space<hbm>>
        %dma_wait3A_63 = tpu.memref_slice %arg4[%add3A] : memref<160000xi32, #tpu.memory_space<hbm>> -> memref<80xi32, #tpu.memory_space<hbm>>
        tpu.wait_dma2 semaphore(%run_scoped3A : memref<!tpu.dma_semaphore, #tpu.memory_space<semaphore_mem>>) src(%dma_wait3A_63 : memref<80xi32, #tpu.memory_space<hbm>>) dst(%arg8 : memref<80xi32, #tpu.memory_space<vmem>>)
        tpu.yield
      }) : () -> ()
      %get3A = arith.constant 0 : index
      %get3A_28 = tpu.vector_load %arg7[%get3A] {strides = array<i32>} : memref<80xi32, #tpu.memory_space<vmem>>, vector<16xi32>,
      %add3A_29 = vector.broadcast %mul3A_6 : i32 to vector<16xi32>
      %add3A_30 = arith.addi %get3A_28, %add3A_29 : vector<16xi32>
      %swap3A = arith.constant 0 : index
      %swap3A_31 = tpu.vector_load %arg9[%swap3A] {strides = array<i32>} : memref<80xi32, #tpu.memory_space<vmem>>, vector<16xi32>,
      tpu.vector_store %arg9[%swap3A], %add3A_30 {strides = array<i32>} : memref<80xi32, #tpu.memory_space<vmem>>, vector<16xi32>,
      %get3A_32 = arith.constant 16 : index
      %get3A_33 = tpu.vector_load %arg7[%get3A_32] {strides = array<i32>} : memref<80xi32, #tpu.memory_space<vmem>>, vector<16xi32>,
      %add3A_34 = vector.broadcast %mul3A_6 : i32 to vector<16xi32>
      %add3A_35 = arith.addi %get3A_33, %add3A_34 : vector<16xi32>
      %swap3A_36 = arith.constant 16 : index
      %swap3A_37 = tpu.vector_load %arg9[%swap3A_36] {strides = array<i32>} : memref<80xi32, #tpu.memory_space<vmem>>, vector<16xi32>,
      tpu.vector_store %arg9[%swap3A_36], %add3A_35 {strides = array<i32>} : memref<80xi32, #tpu.memory_space<vmem>>, vector<16xi32>,
      %get3A_38 = arith.constant 32 : index
      %get3A_39 = tpu.vector_load %arg7[%get3A_38] {strides = array<i32>} : memref<80xi32, #tpu.memory_space<vmem>>, vector<16xi32>,
      %add3A_40 = vector.broadcast %mul3A_6 : i32 to vector<16xi32>
      %add3A_41 = arith.addi %get3A_39, %add3A_40 : vector<16xi32>
      %swap3A_42 = arith.constant 32 : index
      %swap3A_43 = tpu.vector_load %arg9[%swap3A_42] {strides = array<i32>} : memref<80xi32, #tpu.memory_space<vmem>>, vector<16xi32>,
      tpu.vector_store %arg9[%swap3A_42], %add3A_41 {strides = array<i32>} : memref<80xi32, #tpu.memory_space<vmem>>, vector<16xi32>,
      %get3A_44 = arith.constant 48 : index
      %get3A_45 = tpu.vector_load %arg7[%get3A_44] {strides = array<i32>} : memref<80xi32, #tpu.memory_space<vmem>>, vector<16xi32>,
      %add3A_46 = vector.broadcast %mul3A_6 : i32 to vector<16xi32>
      %add3A_47 = arith.addi %get3A_45, %add3A_46 : vector<16xi32>
      %swap3A_48 = arith.constant 48 : index
      %swap3A_49 = tpu.vector_load %arg9[%swap3A_48] {strides = array<i32>} : memref<80xi32, #tpu.memory_space<vmem>>, vector<16xi32>,
      tpu.vector_store %arg9[%swap3A_48], %add3A_47 {strides = array<i32>} : memref<80xi32, #tpu.memory_space<vmem>>, vector<16xi32>,
      %get3A_50 = arith.constant 64 : index
      %get3A_51 = tpu.vector_load %arg7[%get3A_50] {strides = array<i32>} : memref<80xi32, #tpu.memory_space<vmem>>, vector<16xi32>,
      %add3A_52 = vector.broadcast %mul3A_6 : i32 to vector<16xi32>
      %add3A_53 = arith.addi %get3A_51, %add3A_52 : vector<16xi32>
      %swap3A_54 = arith.constant 64 : index
      %swap3A_55 = tpu.vector_load %arg9[%swap3A_54] {strides = array<i32>} : memref<80xi32, #tpu.memory_space<vmem>>, vector<16xi32>,
      tpu.vector_store %arg9[%swap3A_54], %add3A_53 {strides = array<i32>} : memref<80xi32, #tpu.memory_space<vmem>>, vector<16xi32>,
      %dma_start3A = arith.constant 0 : i32
      %dma_start3A_56 = arith.constant 0 : i32
      %dma_start3A_57 = tpu.memref_slice %arg2[%dma_start3A, %dma_start3A_56] : memref<20000x128xf32, #tpu.memory_space<hbm>> -> memref<20000x128xf32, #tpu.memory_space<hbm>>
      tpu.enqueue_indirect_dma source(%dma_start3A_57 : memref<20000x128xf32, #tpu.memory_space<hbm>>) target(%arg10 : memref<80x128xf32, #tpu.memory_space<vmem>>) offsets(%arg9 : memref<80xi32, #tpu.memory_space<vmem>>) semaphore(%arg12 : memref<!tpu.dma_semaphore, #tpu.memory_space<semaphore_mem>>)
      %dma_wait3A = arith.constant 0 : i32
      %dma_wait3A_58 = arith.constant 0 : i32
      %dma_wait3A_59 = tpu.memref_slice %arg2[%dma_wait3A, %dma_wait3A_58] : memref<20000x128xf32, #tpu.memory_space<hbm>> -> memref<20000x128xf32, #tpu.memory_space<hbm>>
      tpu.wait_indirect_dma semaphore(%arg12 : memref<!tpu.dma_semaphore, #tpu.memory_space<semaphore_mem>>) src(%dma_wait3A_59 : memref<20000x128xf32, #tpu.memory_space<hbm>>) dst(%arg10 : memref<80x128xf32, #tpu.memory_space<vmem>>)
      "tpu.region"() ({
        %run_scoped3A = tpu.sem_alloc : memref<!tpu.dma_semaphore, #tpu.memory_space<semaphore_mem>>
        %dma_start3A_60 = arith.constant 0 : i32
        %dma_start3A_61 = arith.constant 0 : i32
        %dma_start3A_62 = tpu.memref_slice %arg11[%dma_start3A_60, %dma_start3A_61] : memref<10000x128xf32, #tpu.memory_space<vmem_shared>> -> memref<10000x128xf32, #tpu.memory_space<vmem_shared>>
        tpu.enqueue_indirect_dma source(%arg10 : memref<80x128xf32, #tpu.memory_space<vmem>>) target(%dma_start3A_62 : memref<10000x128xf32, #tpu.memory_space<vmem_shared>>) offsets(%arg8 : memref<80xi32, #tpu.memory_space<vmem>>) semaphore(%run_scoped3A : memref<!tpu.dma_semaphore, #tpu.memory_space<semaphore_mem>>) {add = true}
        %dma_wait3A_63 = arith.constant 0 : i32
        %dma_wait3A_64 = arith.constant 0 : i32
        %dma_wait3A_65 = tpu.memref_slice %arg11[%dma_wait3A_63, %dma_wait3A_64] : memref<10000x128xf32, #tpu.memory_space<vmem_shared>> -> memref<10000x128xf32, #tpu.memory_space<vmem_shared>>
        tpu.wait_indirect_dma semaphore(%run_scoped3A : memref<!tpu.dma_semaphore, #tpu.memory_space<semaphore_mem>>) src(%arg10 : memref<80x128xf32, #tpu.memory_space<vmem>>) dst(%dma_wait3A_65 : memref<10000x128xf32, #tpu.memory_space<vmem_shared>>)
        tpu.yield
      }) : () -> ()
    }
    %scan3A_11 = arith.constant 125 : i32
    %barrier3A_12 = arith.constant 0 : index
    tpu.barrier barrier_id(%barrier3A_12)
    %lt3A_13 = arith.constant 15 : i32
    %lt3A_14 = arith.cmpi slt, %arg1, %lt3A_13 : i32
    %convert_element_type3A_15 = arith.extui %lt3A_14 : i1 to i32
    %cond3A_16 = arith.constant 0 : i32
    %cond3A_17 = arith.cmpi ne, %convert_element_type3A_15, %cond3A_16 : i32
    scf.if %cond3A_17 {
      %mul3A_23 = arith.constant 624 : i32
      %mul3A_24 = arith.muli %arg1, %mul3A_23 : i32
      %mul3A_25 = arith.constant 624 : i32
      %mul3A_26 = arith.muli %arg1, %mul3A_25 : i32
      %add3A = arith.addi %mul3A_6, %mul3A_26 : i32
      "tpu.region"() ({
        %run_scoped3A = tpu.sem_alloc : memref<!tpu.dma_semaphore, #tpu.memory_space<semaphore_mem>>
        %dma_start3A = arith.constant 0 : i32
        %dma_start3A_27 = tpu.memref_slice %arg6[%add3A, %dma_start3A] : memref<20000x128xf32, #tpu.memory_space<hbm>> -> memref<624x128xf32, #tpu.memory_space<hbm>>
        %dma_start3A_28 = arith.constant 0 : i32
        %dma_start3A_29 = tpu.memref_slice %arg11[%mul3A_24, %dma_start3A_28] : memref<10000x128xf32, #tpu.memory_space<vmem_shared>> -> memref<624x128xf32, #tpu.memory_space<vmem_shared>>
        tpu.enqueue_dma source(%dma_start3A_29 : memref<624x128xf32, #tpu.memory_space<vmem_shared>>) target(%dma_start3A_27 : memref<624x128xf32, #tpu.memory_space<hbm>>) target_semaphore(%run_scoped3A : memref<!tpu.dma_semaphore, #tpu.memory_space<semaphore_mem>>)
        %dma_wait3A = arith.constant 0 : i32
        %dma_wait3A_30 = tpu.memref_slice %arg6[%add3A, %dma_wait3A] : memref<20000x128xf32, #tpu.memory_space<hbm>> -> memref<624x128xf32, #tpu.memory_space<hbm>>
        %dma_wait3A_31 = arith.constant 0 : i32
        %dma_wait3A_32 = tpu.memref_slice %arg11[%mul3A_24, %dma_wait3A_31] : memref<10000x128xf32, #tpu.memory_space<vmem_shared>> -> memref<624x128xf32, #tpu.memory_space<vmem_shared>>
        tpu.wait_dma2 semaphore(%run_scoped3A : memref<!tpu.dma_semaphore, #tpu.memory_space<semaphore_mem>>) src(%dma_wait3A_32 : memref<624x128xf32, #tpu.memory_space<vmem_shared>>) dst(%dma_wait3A_30 : memref<624x128xf32, #tpu.memory_space<hbm>>)
        tpu.yield
      }) : () -> ()
    } else {
    }
    %eq3A_18 = arith.constant 15 : i32
    %eq3A_19 = arith.cmpi eq, %arg1, %eq3A_18 : i32
    %convert_element_type3A_20 = arith.extui %eq3A_19 : i1 to i32
    %cond3A_21 = arith.constant 0 : i32
    %cond3A_22 = arith.cmpi ne, %convert_element_type3A_20, %cond3A_21 : i32
    scf.if %cond3A_22 {
      %add3A = arith.constant 9360 : i32
      %add3A_23 = arith.addi %mul3A_6, %add3A : i32
      "tpu.region"() ({
        %run_scoped3A = tpu.sem_alloc : memref<!tpu.dma_semaphore, #tpu.memory_space<semaphore_mem>>
        %dma_start3A = arith.constant 0 : i32
        %dma_start3A_24 = tpu.memref_slice %arg6[%add3A_23, %dma_start3A] : memref<20000x128xf32, #tpu.memory_space<hbm>> -> memref<640x128xf32, #tpu.memory_space<hbm>>
        %dma_start3A_25 = arith.constant 9360 : i32
        %dma_start3A_26 = arith.constant 0 : i32
        %dma_start3A_27 = tpu.memref_slice %arg11[%dma_start3A_25, %dma_start3A_26] : memref<10000x128xf32, #tpu.memory_space<vmem_shared>> -> memref<640x128xf32, #tpu.memory_space<vmem_shared>>
        tpu.enqueue_dma source(%dma_start3A_27 : memref<640x128xf32, #tpu.memory_space<vmem_shared>>) target(%dma_start3A_24 : memref<640x128xf32, #tpu.memory_space<hbm>>) target_semaphore(%run_scoped3A : memref<!tpu.dma_semaphore, #tpu.memory_space<semaphore_mem>>)
        %dma_wait3A = arith.constant 0 : i32
        %dma_wait3A_28 = tpu.memref_slice %arg6[%add3A_23, %dma_wait3A] : memref<20000x128xf32, #tpu.memory_space<hbm>> -> memref<640x128xf32, #tpu.memory_space<hbm>>
        %dma_wait3A_29 = arith.constant 9360 : i32
        %dma_wait3A_30 = arith.constant 0 : i32
        %dma_wait3A_31 = tpu.memref_slice %arg11[%dma_wait3A_29, %dma_wait3A_30] : memref<10000x128xf32, #tpu.memory_space<vmem_shared>> -> memref<640x128xf32, #tpu.memory_space<vmem_shared>>
        tpu.wait_dma2 semaphore(%run_scoped3A : memref<!tpu.dma_semaphore, #tpu.memory_space<semaphore_mem>>) src(%dma_wait3A_31 : memref<640x128xf32, #tpu.memory_space<vmem_shared>>) dst(%dma_wait3A_28 : memref<640x128xf32, #tpu.memory_space<hbm>>)
        tpu.yield
      }) : () -> ()
    } else {
    }
    return
  }
}

#map = affine_map<(d0, d1) -> (0)>
#map1 = affine_map<(d0, d1) -> (0, 0)>
module attributes {stable_mosaic.version = 14 : i64} {
  func.func @_deg_sc(%arg0: i32, %arg1: i32, %arg2: memref<160000xi32, #tpu.memory_space<hbm>>, %arg3: memref<32x10000xf32, #tpu.memory_space<hbm>>, %arg4: memref<10000xf32, #tpu.memory_space<vmem>>, %arg5: memref<5016xi32, #tpu.memory_space<vmem>>) attributes {dimension_semantics = [#tpu.dimension_semantics<core_parallel>, #tpu.dimension_semantics<subcore_parallel>], iteration_bounds = array<i64: 2, 16>, scalar_prefetch = 0 : i64, scratch_operands = 2 : i64, tpu.core_type = #tpu.core_type<sc_vector_subcore>, window_params = [{transform_indices = #map}, {transform_indices = #map1}]} {
    %mul3A = arith.constant 2 : i32
    %mul3A_0 = arith.muli %arg1, %mul3A : i32
    %add3A = arith.addi %mul3A_0, %arg0 : i32
    %scan3A = arith.constant 0 : i32
    %scan3A_1 = arith.constant 0 : i32
    %scan3A_2 = arith.constant 625 : i32
    %scan3A_3 = arith.addi %scan3A_1, %scan3A_2 : i32
    %scan3A_4 = arith.constant 1 : i32
    scf.for %scan3A_19 = %scan3A_1 to %scan3A_3 step %scan3A_4  : i32 {
      %broadcast_in_dim3A_20 = arith.constant 0.000000e+00 : f32
      %broadcast_in_dim3A_21 = vector.broadcast %broadcast_in_dim3A_20 : f32 to vector<16xf32>
      %mul3A_22 = arith.constant 16 : i32
      %mul3A_23 = arith.muli %scan3A_19, %mul3A_22 : i32
      %swap3A = arith.index_cast %mul3A_23 : i32 to index
      %swap3A_24 = tpu.vector_load %arg4[%swap3A] {strides = array<i32>} : memref<10000xf32, #tpu.memory_space<vmem>>, vector<16xf32>,
      tpu.vector_store %arg4[%swap3A], %broadcast_in_dim3A_21 {strides = array<i32>} : memref<10000xf32, #tpu.memory_space<vmem>>, vector<16xf32>,
    }
    %scan3A_5 = arith.constant 625 : i32
    %mul3A_6 = arith.constant 5000 : i32
    %mul3A_7 = arith.muli %add3A, %mul3A_6 : i32
    "tpu.region"() ({
      %run_scoped3A = tpu.sem_alloc : memref<!tpu.dma_semaphore, #tpu.memory_space<semaphore_mem>>
      %dma_start3A = arith.constant 0 : i32
      %dma_start3A_19 = tpu.memref_slice %arg5[%dma_start3A] : memref<5016xi32, #tpu.memory_space<vmem>> -> memref<5000xi32, #tpu.memory_space<vmem>>
      %dma_start3A_20 = tpu.memref_slice %arg2[%mul3A_7] : memref<160000xi32, #tpu.memory_space<hbm>> -> memref<5000xi32, #tpu.memory_space<hbm>>
      %dma_start3A_21 = arith.constant 0 : i32
      %dma_start3A_22 = tpu.memref_slice %arg5[%dma_start3A_21] : memref<5016xi32, #tpu.memory_space<vmem>> -> memref<5000xi32, #tpu.memory_space<vmem>>
      %dma_start3A_23 = tpu.memref_slice %arg2[%mul3A_7] : memref<160000xi32, #tpu.memory_space<hbm>> -> memref<5000xi32, #tpu.memory_space<hbm>>
      tpu.enqueue_dma source(%dma_start3A_23 : memref<5000xi32, #tpu.memory_space<hbm>>) target(%dma_start3A_22 : memref<5000xi32, #tpu.memory_space<vmem>>) target_semaphore(%run_scoped3A : memref<!tpu.dma_semaphore, #tpu.memory_space<semaphore_mem>>)
      %dma_wait3A = arith.constant 0 : i32
      %dma_wait3A_24 = tpu.memref_slice %arg5[%dma_wait3A] : memref<5016xi32, #tpu.memory_space<vmem>> -> memref<5000xi32, #tpu.memory_space<vmem>>
      %dma_wait3A_25 = tpu.memref_slice %arg2[%mul3A_7] : memref<160000xi32, #tpu.memory_space<hbm>> -> memref<5000xi32, #tpu.memory_space<hbm>>
      %dma_wait3A_26 = arith.constant 0 : i32
      %dma_wait3A_27 = tpu.memref_slice %arg5[%dma_wait3A_26] : memref<5016xi32, #tpu.memory_space<vmem>> -> memref<5000xi32, #tpu.memory_space<vmem>>
      %dma_wait3A_28 = tpu.memref_slice %arg2[%mul3A_7] : memref<160000xi32, #tpu.memory_space<hbm>> -> memref<5000xi32, #tpu.memory_space<hbm>>
      tpu.wait_dma2 semaphore(%run_scoped3A : memref<!tpu.dma_semaphore, #tpu.memory_space<semaphore_mem>>) src(%dma_wait3A_28 : memref<5000xi32, #tpu.memory_space<hbm>>) dst(%dma_wait3A_27 : memref<5000xi32, #tpu.memory_space<vmem>>)
      tpu.yield
    }) : () -> ()
    %broadcast_in_dim3A = arith.constant 1.000000e+00 : f32
    %broadcast_in_dim3A_8 = vector.broadcast %broadcast_in_dim3A : f32 to vector<16xf32>
    %scan3A_9 = arith.constant 0 : i32
    %scan3A_10 = arith.constant 0 : i32
    %scan3A_11 = arith.constant 312 : i32
    %scan3A_12 = arith.addi %scan3A_10, %scan3A_11 : i32
    %scan3A_13 = arith.constant 1 : i32
    scf.for %scan3A_19 = %scan3A_10 to %scan3A_12 step %scan3A_13  : i32 {
      %mul3A_20 = arith.constant 16 : i32
      %mul3A_21 = arith.muli %scan3A_19, %mul3A_20 : i32
      %get3A_22 = arith.index_cast %mul3A_21 : i32 to index
      %get3A_23 = tpu.vector_load %arg5[%get3A_22] {strides = array<i32>} : memref<5016xi32, #tpu.memory_space<vmem>>, vector<16xi32>,
      tpu.vector_store_idx %arg4[%get3A_23], %broadcast_in_dim3A_8 {add = true} : memref<10000xf32, #tpu.memory_space<vmem>>[vector<16xi32>], vector<16xf32>,
    }
    %scan3A_14 = arith.constant 312 : i32
    %iota3A = tpu.iota {dimensions = array<i32: 0>} : vector<16xi32>
    %lt3A = arith.constant 8 : i32
    %lt3A_15 = vector.broadcast %lt3A : i32 to vector<16xi32>
    %lt3A_16 = arith.cmpi slt, %iota3A, %lt3A_15 : vector<16xi32>
    %get3A = arith.constant 4992 : index
    %get3A_17 = tpu.vector_load %arg5[%get3A] {strides = array<i32>} : memref<5016xi32, #tpu.memory_space<vmem>>, vector<16xi32>,
    %jit3A = arith.constant 0 : i32
    %broadcast_in_dim3A_18 = vector.broadcast %jit3A : i32 to vector<16xi32>
    %select_n3A = arith.select %lt3A_16, %get3A_17, %broadcast_in_dim3A_18 : vector<16xi1>, vector<16xi32>
    tpu.vector_store_idx %arg4[%select_n3A], %broadcast_in_dim3A_8 masked %lt3A_16 {add = true} : memref<10000xf32, #tpu.memory_space<vmem>>[vector<16xi32>], vector<16xf32>, vector<16xi1>
    "tpu.region"() ({
      %run_scoped3A = tpu.sem_alloc : memref<!tpu.dma_semaphore, #tpu.memory_space<semaphore_mem>>
      %dma_start3A = arith.constant 0 : i32
      %dma_start3A_19 = tpu.memref_slice %arg3[%add3A, %dma_start3A] : memref<32x10000xf32, #tpu.memory_space<hbm>> -> memref<1x10000xf32, #tpu.memory_space<hbm>>
      %dma_start3A_20 = tpu.memref_squeeze %dma_start3A_19 : memref<1x10000xf32, #tpu.memory_space<hbm>> -> memref<10000xf32, #tpu.memory_space<hbm>>
      %dma_start3A_21 = arith.constant 0 : i32
      %dma_start3A_22 = tpu.memref_slice %arg3[%add3A, %dma_start3A_21] : memref<32x10000xf32, #tpu.memory_space<hbm>> -> memref<1x10000xf32, #tpu.memory_space<hbm>>
      %dma_start3A_23 = tpu.memref_squeeze %dma_start3A_22 : memref<1x10000xf32, #tpu.memory_space<hbm>> -> memref<10000xf32, #tpu.memory_space<hbm>>
      tpu.enqueue_dma source(%arg4 : memref<10000xf32, #tpu.memory_space<vmem>>) target(%dma_start3A_23 : memref<10000xf32, #tpu.memory_space<hbm>>) target_semaphore(%run_scoped3A : memref<!tpu.dma_semaphore, #tpu.memory_space<semaphore_mem>>)
      %dma_wait3A = arith.constant 0 : i32
      %dma_wait3A_24 = tpu.memref_slice %arg3[%add3A, %dma_wait3A] : memref<32x10000xf32, #tpu.memory_space<hbm>> -> memref<1x10000xf32, #tpu.memory_space<hbm>>
      %dma_wait3A_25 = tpu.memref_squeeze %dma_wait3A_24 : memref<1x10000xf32, #tpu.memory_space<hbm>> -> memref<10000xf32, #tpu.memory_space<hbm>>
      %dma_wait3A_26 = arith.constant 0 : i32
      %dma_wait3A_27 = tpu.memref_slice %arg3[%add3A, %dma_wait3A_26] : memref<32x10000xf32, #tpu.memory_space<hbm>> -> memref<1x10000xf32, #tpu.memory_space<hbm>>
      %dma_wait3A_28 = tpu.memref_squeeze %dma_wait3A_27 : memref<1x10000xf32, #tpu.memory_space<hbm>> -> memref<10000xf32, #tpu.memory_space<hbm>>
      tpu.wait_dma2 semaphore(%run_scoped3A : memref<!tpu.dma_semaphore, #tpu.memory_space<semaphore_mem>>) src(%arg4 : memref<10000xf32, #tpu.memory_space<vmem>>) dst(%dma_wait3A_28 : memref<10000xf32, #tpu.memory_space<hbm>>)
      tpu.yield
    }) : () -> ()
    return
  }
}

#map = affine_map<(d0, d1) -> (0, 0)>
#map1 = affine_map<(d0, d1) -> (0)>
module attributes {stable_mosaic.version = 14 : i64} {
  func.func @_segsum_sc(%arg0: i32, %arg1: i32, %arg2: memref<20000x128xf32, #tpu.memory_space<hbm>>, %arg3: memref<160000xi32, #tpu.memory_space<hbm>>, %arg4: memref<160000xi32, #tpu.memory_space<hbm>>, %arg5: memref<640x128xf32, #tpu.memory_space<hbm>>, %arg6: memref<20000x128xf32, #tpu.memory_space<hbm>>, %arg7: memref<80xi32, #tpu.memory_space<vmem>>, %arg8: memref<80xi32, #tpu.memory_space<vmem>>, %arg9: memref<80xi32, #tpu.memory_space<vmem>>, %arg10: memref<80x128xf32, #tpu.memory_space<vmem>>, %arg11: memref<10000x128xf32, #tpu.memory_space<vmem_shared>>, %arg12: memref<!tpu.dma_semaphore, #tpu.memory_space<semaphore_mem>>) attributes {dimension_semantics = [#tpu.dimension_semantics<core_parallel>, #tpu.dimension_semantics<subcore_parallel>], iteration_bounds = array<i64: 2, 16>, scalar_prefetch = 0 : i64, scratch_operands = 6 : i64, tpu.core_type = #tpu.core_type<sc_vector_subcore>, window_params = [{transform_indices = #map}, {transform_indices = #map1}, {transform_indices = #map1}, {transform_indices = #map}, {transform_indices = #map}]} {
    %lt3A = arith.constant 15 : i32
    %lt3A_0 = arith.cmpi slt, %arg1, %lt3A : i32
    %convert_element_type3A = arith.extui %lt3A_0 : i1 to i32
    %cond3A = arith.constant 0 : i32
    %cond3A_1 = arith.cmpi ne, %convert_element_type3A, %cond3A : i32
    scf.if %cond3A_1 {
      %mul3A_23 = arith.constant 624 : i32
      %mul3A_24 = arith.muli %arg1, %mul3A_23 : i32
      "tpu.region"() ({
        %run_scoped3A = tpu.sem_alloc : memref<!tpu.dma_semaphore, #tpu.memory_space<semaphore_mem>>
        %dma_start3A = arith.constant 0 : i32
        %dma_start3A_25 = tpu.memref_slice %arg11[%mul3A_24, %dma_start3A] : memref<10000x128xf32, #tpu.memory_space<vmem_shared>> -> memref<624x128xf32, #tpu.memory_space<vmem_shared>>
        %dma_start3A_26 = arith.constant 0 : i32
        %dma_start3A_27 = arith.constant 0 : i32
        %dma_start3A_28 = tpu.memref_slice %arg5[%dma_start3A_26, %dma_start3A_27] : memref<640x128xf32, #tpu.memory_space<hbm>> -> memref<624x128xf32, #tpu.memory_space<hbm>>
        tpu.enqueue_dma source(%dma_start3A_28 : memref<624x128xf32, #tpu.memory_space<hbm>>) target(%dma_start3A_25 : memref<624x128xf32, #tpu.memory_space<vmem_shared>>) target_semaphore(%run_scoped3A : memref<!tpu.dma_semaphore, #tpu.memory_space<semaphore_mem>>)
        %dma_wait3A = arith.constant 0 : i32
        %dma_wait3A_29 = tpu.memref_slice %arg11[%mul3A_24, %dma_wait3A] : memref<10000x128xf32, #tpu.memory_space<vmem_shared>> -> memref<624x128xf32, #tpu.memory_space<vmem_shared>>
        %dma_wait3A_30 = arith.constant 0 : i32
        %dma_wait3A_31 = arith.constant 0 : i32
        %dma_wait3A_32 = tpu.memref_slice %arg5[%dma_wait3A_30, %dma_wait3A_31] : memref<640x128xf32, #tpu.memory_space<hbm>> -> memref<624x128xf32, #tpu.memory_space<hbm>>
        tpu.wait_dma2 semaphore(%run_scoped3A : memref<!tpu.dma_semaphore, #tpu.memory_space<semaphore_mem>>) src(%dma_wait3A_32 : memref<624x128xf32, #tpu.memory_space<hbm>>) dst(%dma_wait3A_29 : memref<624x128xf32, #tpu.memory_space<vmem_shared>>)
        tpu.yield
      }) : () -> ()
    } else {
    }
    %eq3A = arith.constant 15 : i32
    %eq3A_2 = arith.cmpi eq, %arg1, %eq3A : i32
    %convert_element_type3A_3 = arith.extui %eq3A_2 : i1 to i32
    %cond3A_4 = arith.constant 0 : i32
    %cond3A_5 = arith.cmpi ne, %convert_element_type3A_3, %cond3A_4 : i32
    scf.if %cond3A_5 {
      "tpu.region"() ({
        %run_scoped3A = tpu.sem_alloc : memref<!tpu.dma_semaphore, #tpu.memory_space<semaphore_mem>>
        %dma_start3A = arith.constant 9360 : i32
        %dma_start3A_23 = arith.constant 0 : i32
        %dma_start3A_24 = tpu.memref_slice %arg11[%dma_start3A, %dma_start3A_23] : memref<10000x128xf32, #tpu.memory_space<vmem_shared>> -> memref<640x128xf32, #tpu.memory_space<vmem_shared>>
        tpu.enqueue_dma source(%arg5 : memref<640x128xf32, #tpu.memory_space<hbm>>) target(%dma_start3A_24 : memref<640x128xf32, #tpu.memory_space<vmem_shared>>) target_semaphore(%run_scoped3A : memref<!tpu.dma_semaphore, #tpu.memory_space<semaphore_mem>>)
        %dma_wait3A = arith.constant 9360 : i32
        %dma_wait3A_25 = arith.constant 0 : i32
        %dma_wait3A_26 = tpu.memref_slice %arg11[%dma_wait3A, %dma_wait3A_25] : memref<10000x128xf32, #tpu.memory_space<vmem_shared>> -> memref<640x128xf32, #tpu.memory_space<vmem_shared>>
        tpu.wait_dma2 semaphore(%run_scoped3A : memref<!tpu.dma_semaphore, #tpu.memory_space<semaphore_mem>>) src(%arg5 : memref<640x128xf32, #tpu.memory_space<hbm>>) dst(%dma_wait3A_26 : memref<640x128xf32, #tpu.memory_space<vmem_shared>>)
        tpu.yield
      }) : () -> ()
    } else {
    }
    %barrier3A = arith.constant 0 : index
    tpu.barrier barrier_id(%barrier3A)
    %mul3A = arith.constant 10000 : i32
    %mul3A_6 = arith.muli %arg0, %mul3A : i32
    %scan3A = arith.constant 0 : i32
    %scan3A_7 = arith.constant 0 : i32
    %scan3A_8 = arith.constant 125 : i32
    %scan3A_9 = arith.addi %scan3A_7, %scan3A_8 : i32
    %scan3A_10 = arith.constant 1 : i32
    scf.for %scan3A_23 = %scan3A_7 to %scan3A_9 step %scan3A_10  : i32 {
      %mul3A_24 = arith.constant 10000 : i32
      %mul3A_25 = arith.muli %arg1, %mul3A_24 : i32
      %mul3A_26 = arith.constant 80 : i32
      %mul3A_27 = arith.muli %scan3A_23, %mul3A_26 : i32
      %add3A = arith.addi %mul3A_25, %mul3A_27 : i32
      "tpu.region"() ({
        %run_scoped3A = tpu.sem_alloc : memref<!tpu.dma_semaphore, #tpu.memory_space<semaphore_mem>>
        %dma_start3A_60 = tpu.memref_slice %arg3[%add3A] : memref<160000xi32, #tpu.memory_space<hbm>> -> memref<80xi32, #tpu.memory_space<hbm>>
        %dma_start3A_61 = tpu.memref_slice %arg3[%add3A] : memref<160000xi32, #tpu.memory_space<hbm>> -> memref<80xi32, #tpu.memory_space<hbm>>
        tpu.enqueue_dma source(%dma_start3A_61 : memref<80xi32, #tpu.memory_space<hbm>>) target(%arg7 : memref<80xi32, #tpu.memory_space<vmem>>) target_semaphore(%run_scoped3A : memref<!tpu.dma_semaphore, #tpu.memory_space<semaphore_mem>>)
        %dma_wait3A_62 = tpu.memref_slice %arg3[%add3A] : memref<160000xi32, #tpu.memory_space<hbm>> -> memref<80xi32, #tpu.memory_space<hbm>>
        %dma_wait3A_63 = tpu.memref_slice %arg3[%add3A] : memref<160000xi32, #tpu.memory_space<hbm>> -> memref<80xi32, #tpu.memory_space<hbm>>
        tpu.wait_dma2 semaphore(%run_scoped3A : memref<!tpu.dma_semaphore, #tpu.memory_space<semaphore_mem>>) src(%dma_wait3A_63 : memref<80xi32, #tpu.memory_space<hbm>>) dst(%arg7 : memref<80xi32, #tpu.memory_space<vmem>>)
        tpu.yield
      }) : () -> ()
      "tpu.region"() ({
        %run_scoped3A = tpu.sem_alloc : memref<!tpu.dma_semaphore, #tpu.memory_space<semaphore_mem>>
        %dma_start3A_60 = tpu.memref_slice %arg4[%add3A] : memref<160000xi32, #tpu.memory_space<hbm>> -> memref<80xi32, #tpu.memory_space<hbm>>
        %dma_start3A_61 = tpu.memref_slice %arg4[%add3A] : memref<160000xi32, #tpu.memory_space<hbm>> -> memref<80xi32, #tpu.memory_space<hbm>>
        tpu.enqueue_dma source(%dma_start3A_61 : memref<80xi32, #tpu.memory_space<hbm>>) target(%arg8 : memref<80xi32, #tpu.memory_space<vmem>>) target_semaphore(%run_scoped3A : memref<!tpu.dma_semaphore, #tpu.memory_space<semaphore_mem>>)
        %dma_wait3A_62 = tpu.memref_slice %arg4[%add3A] : memref<160000xi32, #tpu.memory_space<hbm>> -> memref<80xi32, #tpu.memory_space<hbm>>
        %dma_wait3A_63 = tpu.memref_slice %arg4[%add3A] : memref<160000xi32, #tpu.memory_space<hbm>> -> memref<80xi32, #tpu.memory_space<hbm>>
        tpu.wait_dma2 semaphore(%run_scoped3A : memref<!tpu.dma_semaphore, #tpu.memory_space<semaphore_mem>>) src(%dma_wait3A_63 : memref<80xi32, #tpu.memory_space<hbm>>) dst(%arg8 : memref<80xi32, #tpu.memory_space<vmem>>)
        tpu.yield
      }) : () -> ()
      %get3A = arith.constant 0 : index
      %get3A_28 = tpu.vector_load %arg7[%get3A] {strides = array<i32>} : memref<80xi32, #tpu.memory_space<vmem>>, vector<16xi32>,
      %add3A_29 = vector.broadcast %mul3A_6 : i32 to vector<16xi32>
      %add3A_30 = arith.addi %get3A_28, %add3A_29 : vector<16xi32>
      %swap3A = arith.constant 0 : index
      %swap3A_31 = tpu.vector_load %arg9[%swap3A] {strides = array<i32>} : memref<80xi32, #tpu.memory_space<vmem>>, vector<16xi32>,
      tpu.vector_store %arg9[%swap3A], %add3A_30 {strides = array<i32>} : memref<80xi32, #tpu.memory_space<vmem>>, vector<16xi32>,
      %get3A_32 = arith.constant 16 : index
      %get3A_33 = tpu.vector_load %arg7[%get3A_32] {strides = array<i32>} : memref<80xi32, #tpu.memory_space<vmem>>, vector<16xi32>,
      %add3A_34 = vector.broadcast %mul3A_6 : i32 to vector<16xi32>
      %add3A_35 = arith.addi %get3A_33, %add3A_34 : vector<16xi32>
      %swap3A_36 = arith.constant 16 : index
      %swap3A_37 = tpu.vector_load %arg9[%swap3A_36] {strides = array<i32>} : memref<80xi32, #tpu.memory_space<vmem>>, vector<16xi32>,
      tpu.vector_store %arg9[%swap3A_36], %add3A_35 {strides = array<i32>} : memref<80xi32, #tpu.memory_space<vmem>>, vector<16xi32>,
      %get3A_38 = arith.constant 32 : index
      %get3A_39 = tpu.vector_load %arg7[%get3A_38] {strides = array<i32>} : memref<80xi32, #tpu.memory_space<vmem>>, vector<16xi32>,
      %add3A_40 = vector.broadcast %mul3A_6 : i32 to vector<16xi32>
      %add3A_41 = arith.addi %get3A_39, %add3A_40 : vector<16xi32>
      %swap3A_42 = arith.constant 32 : index
      %swap3A_43 = tpu.vector_load %arg9[%swap3A_42] {strides = array<i32>} : memref<80xi32, #tpu.memory_space<vmem>>, vector<16xi32>,
      tpu.vector_store %arg9[%swap3A_42], %add3A_41 {strides = array<i32>} : memref<80xi32, #tpu.memory_space<vmem>>, vector<16xi32>,
      %get3A_44 = arith.constant 48 : index
      %get3A_45 = tpu.vector_load %arg7[%get3A_44] {strides = array<i32>} : memref<80xi32, #tpu.memory_space<vmem>>, vector<16xi32>,
      %add3A_46 = vector.broadcast %mul3A_6 : i32 to vector<16xi32>
      %add3A_47 = arith.addi %get3A_45, %add3A_46 : vector<16xi32>
      %swap3A_48 = arith.constant 48 : index
      %swap3A_49 = tpu.vector_load %arg9[%swap3A_48] {strides = array<i32>} : memref<80xi32, #tpu.memory_space<vmem>>, vector<16xi32>,
      tpu.vector_store %arg9[%swap3A_48], %add3A_47 {strides = array<i32>} : memref<80xi32, #tpu.memory_space<vmem>>, vector<16xi32>,
      %get3A_50 = arith.constant 64 : index
      %get3A_51 = tpu.vector_load %arg7[%get3A_50] {strides = array<i32>} : memref<80xi32, #tpu.memory_space<vmem>>, vector<16xi32>,
      %add3A_52 = vector.broadcast %mul3A_6 : i32 to vector<16xi32>
      %add3A_53 = arith.addi %get3A_51, %add3A_52 : vector<16xi32>
      %swap3A_54 = arith.constant 64 : index
      %swap3A_55 = tpu.vector_load %arg9[%swap3A_54] {strides = array<i32>} : memref<80xi32, #tpu.memory_space<vmem>>, vector<16xi32>,
      tpu.vector_store %arg9[%swap3A_54], %add3A_53 {strides = array<i32>} : memref<80xi32, #tpu.memory_space<vmem>>, vector<16xi32>,
      %dma_start3A = arith.constant 0 : i32
      %dma_start3A_56 = arith.constant 0 : i32
      %dma_start3A_57 = tpu.memref_slice %arg2[%dma_start3A, %dma_start3A_56] : memref<20000x128xf32, #tpu.memory_space<hbm>> -> memref<20000x128xf32, #tpu.memory_space<hbm>>
      tpu.enqueue_indirect_dma source(%dma_start3A_57 : memref<20000x128xf32, #tpu.memory_space<hbm>>) target(%arg10 : memref<80x128xf32, #tpu.memory_space<vmem>>) offsets(%arg9 : memref<80xi32, #tpu.memory_space<vmem>>) semaphore(%arg12 : memref<!tpu.dma_semaphore, #tpu.memory_space<semaphore_mem>>)
      %dma_wait3A = arith.constant 0 : i32
      %dma_wait3A_58 = arith.constant 0 : i32
      %dma_wait3A_59 = tpu.memref_slice %arg2[%dma_wait3A, %dma_wait3A_58] : memref<20000x128xf32, #tpu.memory_space<hbm>> -> memref<20000x128xf32, #tpu.memory_space<hbm>>
      tpu.wait_indirect_dma semaphore(%arg12 : memref<!tpu.dma_semaphore, #tpu.memory_space<semaphore_mem>>) src(%dma_wait3A_59 : memref<20000x128xf32, #tpu.memory_space<hbm>>) dst(%arg10 : memref<80x128xf32, #tpu.memory_space<vmem>>)
      "tpu.region"() ({
        %run_scoped3A = tpu.sem_alloc : memref<!tpu.dma_semaphore, #tpu.memory_space<semaphore_mem>>
        %dma_start3A_60 = arith.constant 0 : i32
        %dma_start3A_61 = arith.constant 0 : i32
        %dma_start3A_62 = tpu.memref_slice %arg11[%dma_start3A_60, %dma_start3A_61] : memref<10000x128xf32, #tpu.memory_space<vmem_shared>> -> memref<10000x128xf32, #tpu.memory_space<vmem_shared>>
        tpu.enqueue_indirect_dma source(%arg10 : memref<80x128xf32, #tpu.memory_space<vmem>>) target(%dma_start3A_62 : memref<10000x128xf32, #tpu.memory_space<vmem_shared>>) offsets(%arg8 : memref<80xi32, #tpu.memory_space<vmem>>) semaphore(%run_scoped3A : memref<!tpu.dma_semaphore, #tpu.memory_space<semaphore_mem>>) {add = true}
        %dma_wait3A_63 = arith.constant 0 : i32
        %dma_wait3A_64 = arith.constant 0 : i32
        %dma_wait3A_65 = tpu.memref_slice %arg11[%dma_wait3A_63, %dma_wait3A_64] : memref<10000x128xf32, #tpu.memory_space<vmem_shared>> -> memref<10000x128xf32, #tpu.memory_space<vmem_shared>>
        tpu.wait_indirect_dma semaphore(%run_scoped3A : memref<!tpu.dma_semaphore, #tpu.memory_space<semaphore_mem>>) src(%arg10 : memref<80x128xf32, #tpu.memory_space<vmem>>) dst(%dma_wait3A_65 : memref<10000x128xf32, #tpu.memory_space<vmem_shared>>)
        tpu.yield
      }) : () -> ()
    }
    %scan3A_11 = arith.constant 125 : i32
    %barrier3A_12 = arith.constant 0 : index
    tpu.barrier barrier_id(%barrier3A_12)
    %lt3A_13 = arith.constant 15 : i32
    %lt3A_14 = arith.cmpi slt, %arg1, %lt3A_13 : i32
    %convert_element_type3A_15 = arith.extui %lt3A_14 : i1 to i32
    %cond3A_16 = arith.constant 0 : i32
    %cond3A_17 = arith.cmpi ne, %convert_element_type3A_15, %cond3A_16 : i32
    scf.if %cond3A_17 {
      %mul3A_23 = arith.constant 624 : i32
      %mul3A_24 = arith.muli %arg1, %mul3A_23 : i32
      %mul3A_25 = arith.constant 624 : i32
      %mul3A_26 = arith.muli %arg1, %mul3A_25 : i32
      %add3A = arith.addi %mul3A_6, %mul3A_26 : i32
      "tpu.region"() ({
        %run_scoped3A = tpu.sem_alloc : memref<!tpu.dma_semaphore, #tpu.memory_space<semaphore_mem>>
        %dma_start3A = arith.constant 0 : i32
        %dma_start3A_27 = tpu.memref_slice %arg6[%add3A, %dma_start3A] : memref<20000x128xf32, #tpu.memory_space<hbm>> -> memref<624x128xf32, #tpu.memory_space<hbm>>
        %dma_start3A_28 = arith.constant 0 : i32
        %dma_start3A_29 = tpu.memref_slice %arg11[%mul3A_24, %dma_start3A_28] : memref<10000x128xf32, #tpu.memory_space<vmem_shared>> -> memref<624x128xf32, #tpu.memory_space<vmem_shared>>
        tpu.enqueue_dma source(%dma_start3A_29 : memref<624x128xf32, #tpu.memory_space<vmem_shared>>) target(%dma_start3A_27 : memref<624x128xf32, #tpu.memory_space<hbm>>) target_semaphore(%run_scoped3A : memref<!tpu.dma_semaphore, #tpu.memory_space<semaphore_mem>>)
        %dma_wait3A = arith.constant 0 : i32
        %dma_wait3A_30 = tpu.memref_slice %arg6[%add3A, %dma_wait3A] : memref<20000x128xf32, #tpu.memory_space<hbm>> -> memref<624x128xf32, #tpu.memory_space<hbm>>
        %dma_wait3A_31 = arith.constant 0 : i32
        %dma_wait3A_32 = tpu.memref_slice %arg11[%mul3A_24, %dma_wait3A_31] : memref<10000x128xf32, #tpu.memory_space<vmem_shared>> -> memref<624x128xf32, #tpu.memory_space<vmem_shared>>
        tpu.wait_dma2 semaphore(%run_scoped3A : memref<!tpu.dma_semaphore, #tpu.memory_space<semaphore_mem>>) src(%dma_wait3A_32 : memref<624x128xf32, #tpu.memory_space<vmem_shared>>) dst(%dma_wait3A_30 : memref<624x128xf32, #tpu.memory_space<hbm>>)
        tpu.yield
      }) : () -> ()
    } else {
    }
    %eq3A_18 = arith.constant 15 : i32
    %eq3A_19 = arith.cmpi eq, %arg1, %eq3A_18 : i32
    %convert_element_type3A_20 = arith.extui %eq3A_19 : i1 to i32
    %cond3A_21 = arith.constant 0 : i32
    %cond3A_22 = arith.cmpi ne, %convert_element_type3A_20, %cond3A_21 : i32
    scf.if %cond3A_22 {
      %add3A = arith.constant 9360 : i32
      %add3A_23 = arith.addi %mul3A_6, %add3A : i32
      "tpu.region"() ({
        %run_scoped3A = tpu.sem_alloc : memref<!tpu.dma_semaphore, #tpu.memory_space<semaphore_mem>>
        %dma_start3A = arith.constant 0 : i32
        %dma_start3A_24 = tpu.memref_slice %arg6[%add3A_23, %dma_start3A] : memref<20000x128xf32, #tpu.memory_space<hbm>> -> memref<640x128xf32, #tpu.memory_space<hbm>>
        %dma_start3A_25 = arith.constant 9360 : i32
        %dma_start3A_26 = arith.constant 0 : i32
        %dma_start3A_27 = tpu.memref_slice %arg11[%dma_start3A_25, %dma_start3A_26] : memref<10000x128xf32, #tpu.memory_space<vmem_shared>> -> memref<640x128xf32, #tpu.memory_space<vmem_shared>>
        tpu.enqueue_dma source(%dma_start3A_27 : memref<640x128xf32, #tpu.memory_space<vmem_shared>>) target(%dma_start3A_24 : memref<640x128xf32, #tpu.memory_space<hbm>>) target_semaphore(%run_scoped3A : memref<!tpu.dma_semaphore, #tpu.memory_space<semaphore_mem>>)
        %dma_wait3A = arith.constant 0 : i32
        %dma_wait3A_28 = tpu.memref_slice %arg6[%add3A_23, %dma_wait3A] : memref<20000x128xf32, #tpu.memory_space<hbm>> -> memref<640x128xf32, #tpu.memory_space<hbm>>
        %dma_wait3A_29 = arith.constant 9360 : i32
        %dma_wait3A_30 = arith.constant 0 : i32
        %dma_wait3A_31 = tpu.memref_slice %arg11[%dma_wait3A_29, %dma_wait3A_30] : memref<10000x128xf32, #tpu.memory_space<vmem_shared>> -> memref<640x128xf32, #tpu.memory_space<vmem_shared>>
        tpu.wait_dma2 semaphore(%run_scoped3A : memref<!tpu.dma_semaphore, #tpu.memory_space<semaphore_mem>>) src(%dma_wait3A_31 : memref<640x128xf32, #tpu.memory_space<vmem_shared>>) dst(%dma_wait3A_28 : memref<640x128xf32, #tpu.memory_space<hbm>>)
        tpu.yield
      }) : () -> ()
    } else {
    }
    return
  }
}

#map = affine_map<(d0, d1) -> (0, 0)>
#map1 = affine_map<(d0, d1) -> (0)>
module attributes {stable_mosaic.version = 14 : i64} {
  func.func @_segsum_sc(%arg0: i32, %arg1: i32, %arg2: memref<20000x128xf32, #tpu.memory_space<hbm>>, %arg3: memref<160000xi32, #tpu.memory_space<hbm>>, %arg4: memref<160000xi32, #tpu.memory_space<hbm>>, %arg5: memref<640x128xf32, #tpu.memory_space<hbm>>, %arg6: memref<20000x128xf32, #tpu.memory_space<hbm>>, %arg7: memref<80xi32, #tpu.memory_space<vmem>>, %arg8: memref<80xi32, #tpu.memory_space<vmem>>, %arg9: memref<80xi32, #tpu.memory_space<vmem>>, %arg10: memref<80x128xf32, #tpu.memory_space<vmem>>, %arg11: memref<10000x128xf32, #tpu.memory_space<vmem_shared>>, %arg12: memref<!tpu.dma_semaphore, #tpu.memory_space<semaphore_mem>>) attributes {dimension_semantics = [#tpu.dimension_semantics<core_parallel>, #tpu.dimension_semantics<subcore_parallel>], iteration_bounds = array<i64: 2, 16>, scalar_prefetch = 0 : i64, scratch_operands = 6 : i64, tpu.core_type = #tpu.core_type<sc_vector_subcore>, window_params = [{transform_indices = #map}, {transform_indices = #map1}, {transform_indices = #map1}, {transform_indices = #map}, {transform_indices = #map}]} {
    %lt3A = arith.constant 15 : i32
    %lt3A_0 = arith.cmpi slt, %arg1, %lt3A : i32
    %convert_element_type3A = arith.extui %lt3A_0 : i1 to i32
    %cond3A = arith.constant 0 : i32
    %cond3A_1 = arith.cmpi ne, %convert_element_type3A, %cond3A : i32
    scf.if %cond3A_1 {
      %mul3A_23 = arith.constant 624 : i32
      %mul3A_24 = arith.muli %arg1, %mul3A_23 : i32
      "tpu.region"() ({
        %run_scoped3A = tpu.sem_alloc : memref<!tpu.dma_semaphore, #tpu.memory_space<semaphore_mem>>
        %dma_start3A = arith.constant 0 : i32
        %dma_start3A_25 = tpu.memref_slice %arg11[%mul3A_24, %dma_start3A] : memref<10000x128xf32, #tpu.memory_space<vmem_shared>> -> memref<624x128xf32, #tpu.memory_space<vmem_shared>>
        %dma_start3A_26 = arith.constant 0 : i32
        %dma_start3A_27 = arith.constant 0 : i32
        %dma_start3A_28 = tpu.memref_slice %arg5[%dma_start3A_26, %dma_start3A_27] : memref<640x128xf32, #tpu.memory_space<hbm>> -> memref<624x128xf32, #tpu.memory_space<hbm>>
        tpu.enqueue_dma source(%dma_start3A_28 : memref<624x128xf32, #tpu.memory_space<hbm>>) target(%dma_start3A_25 : memref<624x128xf32, #tpu.memory_space<vmem_shared>>) target_semaphore(%run_scoped3A : memref<!tpu.dma_semaphore, #tpu.memory_space<semaphore_mem>>)
        %dma_wait3A = arith.constant 0 : i32
        %dma_wait3A_29 = tpu.memref_slice %arg11[%mul3A_24, %dma_wait3A] : memref<10000x128xf32, #tpu.memory_space<vmem_shared>> -> memref<624x128xf32, #tpu.memory_space<vmem_shared>>
        %dma_wait3A_30 = arith.constant 0 : i32
        %dma_wait3A_31 = arith.constant 0 : i32
        %dma_wait3A_32 = tpu.memref_slice %arg5[%dma_wait3A_30, %dma_wait3A_31] : memref<640x128xf32, #tpu.memory_space<hbm>> -> memref<624x128xf32, #tpu.memory_space<hbm>>
        tpu.wait_dma2 semaphore(%run_scoped3A : memref<!tpu.dma_semaphore, #tpu.memory_space<semaphore_mem>>) src(%dma_wait3A_32 : memref<624x128xf32, #tpu.memory_space<hbm>>) dst(%dma_wait3A_29 : memref<624x128xf32, #tpu.memory_space<vmem_shared>>)
        tpu.yield
      }) : () -> ()
    } else {
    }
    %eq3A = arith.constant 15 : i32
    %eq3A_2 = arith.cmpi eq, %arg1, %eq3A : i32
    %convert_element_type3A_3 = arith.extui %eq3A_2 : i1 to i32
    %cond3A_4 = arith.constant 0 : i32
    %cond3A_5 = arith.cmpi ne, %convert_element_type3A_3, %cond3A_4 : i32
    scf.if %cond3A_5 {
      "tpu.region"() ({
        %run_scoped3A = tpu.sem_alloc : memref<!tpu.dma_semaphore, #tpu.memory_space<semaphore_mem>>
        %dma_start3A = arith.constant 9360 : i32
        %dma_start3A_23 = arith.constant 0 : i32
        %dma_start3A_24 = tpu.memref_slice %arg11[%dma_start3A, %dma_start3A_23] : memref<10000x128xf32, #tpu.memory_space<vmem_shared>> -> memref<640x128xf32, #tpu.memory_space<vmem_shared>>
        tpu.enqueue_dma source(%arg5 : memref<640x128xf32, #tpu.memory_space<hbm>>) target(%dma_start3A_24 : memref<640x128xf32, #tpu.memory_space<vmem_shared>>) target_semaphore(%run_scoped3A : memref<!tpu.dma_semaphore, #tpu.memory_space<semaphore_mem>>)
        %dma_wait3A = arith.constant 9360 : i32
        %dma_wait3A_25 = arith.constant 0 : i32
        %dma_wait3A_26 = tpu.memref_slice %arg11[%dma_wait3A, %dma_wait3A_25] : memref<10000x128xf32, #tpu.memory_space<vmem_shared>> -> memref<640x128xf32, #tpu.memory_space<vmem_shared>>
        tpu.wait_dma2 semaphore(%run_scoped3A : memref<!tpu.dma_semaphore, #tpu.memory_space<semaphore_mem>>) src(%arg5 : memref<640x128xf32, #tpu.memory_space<hbm>>) dst(%dma_wait3A_26 : memref<640x128xf32, #tpu.memory_space<vmem_shared>>)
        tpu.yield
      }) : () -> ()
    } else {
    }
    %barrier3A = arith.constant 0 : index
    tpu.barrier barrier_id(%barrier3A)
    %mul3A = arith.constant 10000 : i32
    %mul3A_6 = arith.muli %arg0, %mul3A : i32
    %scan3A = arith.constant 0 : i32
    %scan3A_7 = arith.constant 0 : i32
    %scan3A_8 = arith.constant 125 : i32
    %scan3A_9 = arith.addi %scan3A_7, %scan3A_8 : i32
    %scan3A_10 = arith.constant 1 : i32
    scf.for %scan3A_23 = %scan3A_7 to %scan3A_9 step %scan3A_10  : i32 {
      %mul3A_24 = arith.constant 10000 : i32
      %mul3A_25 = arith.muli %arg1, %mul3A_24 : i32
      %mul3A_26 = arith.constant 80 : i32
      %mul3A_27 = arith.muli %scan3A_23, %mul3A_26 : i32
      %add3A = arith.addi %mul3A_25, %mul3A_27 : i32
      "tpu.region"() ({
        %run_scoped3A = tpu.sem_alloc : memref<!tpu.dma_semaphore, #tpu.memory_space<semaphore_mem>>
        %dma_start3A_60 = tpu.memref_slice %arg3[%add3A] : memref<160000xi32, #tpu.memory_space<hbm>> -> memref<80xi32, #tpu.memory_space<hbm>>
        %dma_start3A_61 = tpu.memref_slice %arg3[%add3A] : memref<160000xi32, #tpu.memory_space<hbm>> -> memref<80xi32, #tpu.memory_space<hbm>>
        tpu.enqueue_dma source(%dma_start3A_61 : memref<80xi32, #tpu.memory_space<hbm>>) target(%arg7 : memref<80xi32, #tpu.memory_space<vmem>>) target_semaphore(%run_scoped3A : memref<!tpu.dma_semaphore, #tpu.memory_space<semaphore_mem>>)
        %dma_wait3A_62 = tpu.memref_slice %arg3[%add3A] : memref<160000xi32, #tpu.memory_space<hbm>> -> memref<80xi32, #tpu.memory_space<hbm>>
        %dma_wait3A_63 = tpu.memref_slice %arg3[%add3A] : memref<160000xi32, #tpu.memory_space<hbm>> -> memref<80xi32, #tpu.memory_space<hbm>>
        tpu.wait_dma2 semaphore(%run_scoped3A : memref<!tpu.dma_semaphore, #tpu.memory_space<semaphore_mem>>) src(%dma_wait3A_63 : memref<80xi32, #tpu.memory_space<hbm>>) dst(%arg7 : memref<80xi32, #tpu.memory_space<vmem>>)
        tpu.yield
      }) : () -> ()
      "tpu.region"() ({
        %run_scoped3A = tpu.sem_alloc : memref<!tpu.dma_semaphore, #tpu.memory_space<semaphore_mem>>
        %dma_start3A_60 = tpu.memref_slice %arg4[%add3A] : memref<160000xi32, #tpu.memory_space<hbm>> -> memref<80xi32, #tpu.memory_space<hbm>>
        %dma_start3A_61 = tpu.memref_slice %arg4[%add3A] : memref<160000xi32, #tpu.memory_space<hbm>> -> memref<80xi32, #tpu.memory_space<hbm>>
        tpu.enqueue_dma source(%dma_start3A_61 : memref<80xi32, #tpu.memory_space<hbm>>) target(%arg8 : memref<80xi32, #tpu.memory_space<vmem>>) target_semaphore(%run_scoped3A : memref<!tpu.dma_semaphore, #tpu.memory_space<semaphore_mem>>)
        %dma_wait3A_62 = tpu.memref_slice %arg4[%add3A] : memref<160000xi32, #tpu.memory_space<hbm>> -> memref<80xi32, #tpu.memory_space<hbm>>
        %dma_wait3A_63 = tpu.memref_slice %arg4[%add3A] : memref<160000xi32, #tpu.memory_space<hbm>> -> memref<80xi32, #tpu.memory_space<hbm>>
        tpu.wait_dma2 semaphore(%run_scoped3A : memref<!tpu.dma_semaphore, #tpu.memory_space<semaphore_mem>>) src(%dma_wait3A_63 : memref<80xi32, #tpu.memory_space<hbm>>) dst(%arg8 : memref<80xi32, #tpu.memory_space<vmem>>)
        tpu.yield
      }) : () -> ()
      %get3A = arith.constant 0 : index
      %get3A_28 = tpu.vector_load %arg7[%get3A] {strides = array<i32>} : memref<80xi32, #tpu.memory_space<vmem>>, vector<16xi32>,
      %add3A_29 = vector.broadcast %mul3A_6 : i32 to vector<16xi32>
      %add3A_30 = arith.addi %get3A_28, %add3A_29 : vector<16xi32>
      %swap3A = arith.constant 0 : index
      %swap3A_31 = tpu.vector_load %arg9[%swap3A] {strides = array<i32>} : memref<80xi32, #tpu.memory_space<vmem>>, vector<16xi32>,
      tpu.vector_store %arg9[%swap3A], %add3A_30 {strides = array<i32>} : memref<80xi32, #tpu.memory_space<vmem>>, vector<16xi32>,
      %get3A_32 = arith.constant 16 : index
      %get3A_33 = tpu.vector_load %arg7[%get3A_32] {strides = array<i32>} : memref<80xi32, #tpu.memory_space<vmem>>, vector<16xi32>,
      %add3A_34 = vector.broadcast %mul3A_6 : i32 to vector<16xi32>
      %add3A_35 = arith.addi %get3A_33, %add3A_34 : vector<16xi32>
      %swap3A_36 = arith.constant 16 : index
      %swap3A_37 = tpu.vector_load %arg9[%swap3A_36] {strides = array<i32>} : memref<80xi32, #tpu.memory_space<vmem>>, vector<16xi32>,
      tpu.vector_store %arg9[%swap3A_36], %add3A_35 {strides = array<i32>} : memref<80xi32, #tpu.memory_space<vmem>>, vector<16xi32>,
      %get3A_38 = arith.constant 32 : index
      %get3A_39 = tpu.vector_load %arg7[%get3A_38] {strides = array<i32>} : memref<80xi32, #tpu.memory_space<vmem>>, vector<16xi32>,
      %add3A_40 = vector.broadcast %mul3A_6 : i32 to vector<16xi32>
      %add3A_41 = arith.addi %get3A_39, %add3A_40 : vector<16xi32>
      %swap3A_42 = arith.constant 32 : index
      %swap3A_43 = tpu.vector_load %arg9[%swap3A_42] {strides = array<i32>} : memref<80xi32, #tpu.memory_space<vmem>>, vector<16xi32>,
      tpu.vector_store %arg9[%swap3A_42], %add3A_41 {strides = array<i32>} : memref<80xi32, #tpu.memory_space<vmem>>, vector<16xi32>,
      %get3A_44 = arith.constant 48 : index
      %get3A_45 = tpu.vector_load %arg7[%get3A_44] {strides = array<i32>} : memref<80xi32, #tpu.memory_space<vmem>>, vector<16xi32>,
      %add3A_46 = vector.broadcast %mul3A_6 : i32 to vector<16xi32>
      %add3A_47 = arith.addi %get3A_45, %add3A_46 : vector<16xi32>
      %swap3A_48 = arith.constant 48 : index
      %swap3A_49 = tpu.vector_load %arg9[%swap3A_48] {strides = array<i32>} : memref<80xi32, #tpu.memory_space<vmem>>, vector<16xi32>,
      tpu.vector_store %arg9[%swap3A_48], %add3A_47 {strides = array<i32>} : memref<80xi32, #tpu.memory_space<vmem>>, vector<16xi32>,
      %get3A_50 = arith.constant 64 : index
      %get3A_51 = tpu.vector_load %arg7[%get3A_50] {strides = array<i32>} : memref<80xi32, #tpu.memory_space<vmem>>, vector<16xi32>,
      %add3A_52 = vector.broadcast %mul3A_6 : i32 to vector<16xi32>
      %add3A_53 = arith.addi %get3A_51, %add3A_52 : vector<16xi32>
      %swap3A_54 = arith.constant 64 : index
      %swap3A_55 = tpu.vector_load %arg9[%swap3A_54] {strides = array<i32>} : memref<80xi32, #tpu.memory_space<vmem>>, vector<16xi32>,
      tpu.vector_store %arg9[%swap3A_54], %add3A_53 {strides = array<i32>} : memref<80xi32, #tpu.memory_space<vmem>>, vector<16xi32>,
      %dma_start3A = arith.constant 0 : i32
      %dma_start3A_56 = arith.constant 0 : i32
      %dma_start3A_57 = tpu.memref_slice %arg2[%dma_start3A, %dma_start3A_56] : memref<20000x128xf32, #tpu.memory_space<hbm>> -> memref<20000x128xf32, #tpu.memory_space<hbm>>
      tpu.enqueue_indirect_dma source(%dma_start3A_57 : memref<20000x128xf32, #tpu.memory_space<hbm>>) target(%arg10 : memref<80x128xf32, #tpu.memory_space<vmem>>) offsets(%arg9 : memref<80xi32, #tpu.memory_space<vmem>>) semaphore(%arg12 : memref<!tpu.dma_semaphore, #tpu.memory_space<semaphore_mem>>)
      %dma_wait3A = arith.constant 0 : i32
      %dma_wait3A_58 = arith.constant 0 : i32
      %dma_wait3A_59 = tpu.memref_slice %arg2[%dma_wait3A, %dma_wait3A_58] : memref<20000x128xf32, #tpu.memory_space<hbm>> -> memref<20000x128xf32, #tpu.memory_space<hbm>>
      tpu.wait_indirect_dma semaphore(%arg12 : memref<!tpu.dma_semaphore, #tpu.memory_space<semaphore_mem>>) src(%dma_wait3A_59 : memref<20000x128xf32, #tpu.memory_space<hbm>>) dst(%arg10 : memref<80x128xf32, #tpu.memory_space<vmem>>)
      "tpu.region"() ({
        %run_scoped3A = tpu.sem_alloc : memref<!tpu.dma_semaphore, #tpu.memory_space<semaphore_mem>>
        %dma_start3A_60 = arith.constant 0 : i32
        %dma_start3A_61 = arith.constant 0 : i32
        %dma_start3A_62 = tpu.memref_slice %arg11[%dma_start3A_60, %dma_start3A_61] : memref<10000x128xf32, #tpu.memory_space<vmem_shared>> -> memref<10000x128xf32, #tpu.memory_space<vmem_shared>>
        tpu.enqueue_indirect_dma source(%arg10 : memref<80x128xf32, #tpu.memory_space<vmem>>) target(%dma_start3A_62 : memref<10000x128xf32, #tpu.memory_space<vmem_shared>>) offsets(%arg8 : memref<80xi32, #tpu.memory_space<vmem>>) semaphore(%run_scoped3A : memref<!tpu.dma_semaphore, #tpu.memory_space<semaphore_mem>>) {add = true}
        %dma_wait3A_63 = arith.constant 0 : i32
        %dma_wait3A_64 = arith.constant 0 : i32
        %dma_wait3A_65 = tpu.memref_slice %arg11[%dma_wait3A_63, %dma_wait3A_64] : memref<10000x128xf32, #tpu.memory_space<vmem_shared>> -> memref<10000x128xf32, #tpu.memory_space<vmem_shared>>
        tpu.wait_indirect_dma semaphore(%run_scoped3A : memref<!tpu.dma_semaphore, #tpu.memory_space<semaphore_mem>>) src(%arg10 : memref<80x128xf32, #tpu.memory_space<vmem>>) dst(%dma_wait3A_65 : memref<10000x128xf32, #tpu.memory_space<vmem_shared>>)
        tpu.yield
      }) : () -> ()
    }
    %scan3A_11 = arith.constant 125 : i32
    %barrier3A_12 = arith.constant 0 : index
    tpu.barrier barrier_id(%barrier3A_12)
    %lt3A_13 = arith.constant 15 : i32
    %lt3A_14 = arith.cmpi slt, %arg1, %lt3A_13 : i32
    %convert_element_type3A_15 = arith.extui %lt3A_14 : i1 to i32
    %cond3A_16 = arith.constant 0 : i32
    %cond3A_17 = arith.cmpi ne, %convert_element_type3A_15, %cond3A_16 : i32
    scf.if %cond3A_17 {
      %mul3A_23 = arith.constant 624 : i32
      %mul3A_24 = arith.muli %arg1, %mul3A_23 : i32
      %mul3A_25 = arith.constant 624 : i32
      %mul3A_26 = arith.muli %arg1, %mul3A_25 : i32
      %add3A = arith.addi %mul3A_6, %mul3A_26 : i32
      "tpu.region"() ({
        %run_scoped3A = tpu.sem_alloc : memref<!tpu.dma_semaphore, #tpu.memory_space<semaphore_mem>>
        %dma_start3A = arith.constant 0 : i32
        %dma_start3A_27 = tpu.memref_slice %arg6[%add3A, %dma_start3A] : memref<20000x128xf32, #tpu.memory_space<hbm>> -> memref<624x128xf32, #tpu.memory_space<hbm>>
        %dma_start3A_28 = arith.constant 0 : i32
        %dma_start3A_29 = tpu.memref_slice %arg11[%mul3A_24, %dma_start3A_28] : memref<10000x128xf32, #tpu.memory_space<vmem_shared>> -> memref<624x128xf32, #tpu.memory_space<vmem_shared>>
        tpu.enqueue_dma source(%dma_start3A_29 : memref<624x128xf32, #tpu.memory_space<vmem_shared>>) target(%dma_start3A_27 : memref<624x128xf32, #tpu.memory_space<hbm>>) target_semaphore(%run_scoped3A : memref<!tpu.dma_semaphore, #tpu.memory_space<semaphore_mem>>)
        %dma_wait3A = arith.constant 0 : i32
        %dma_wait3A_30 = tpu.memref_slice %arg6[%add3A, %dma_wait3A] : memref<20000x128xf32, #tpu.memory_space<hbm>> -> memref<624x128xf32, #tpu.memory_space<hbm>>
        %dma_wait3A_31 = arith.constant 0 : i32
        %dma_wait3A_32 = tpu.memref_slice %arg11[%mul3A_24, %dma_wait3A_31] : memref<10000x128xf32, #tpu.memory_space<vmem_shared>> -> memref<624x128xf32, #tpu.memory_space<vmem_shared>>
        tpu.wait_dma2 semaphore(%run_scoped3A : memref<!tpu.dma_semaphore, #tpu.memory_space<semaphore_mem>>) src(%dma_wait3A_32 : memref<624x128xf32, #tpu.memory_space<vmem_shared>>) dst(%dma_wait3A_30 : memref<624x128xf32, #tpu.memory_space<hbm>>)
        tpu.yield
      }) : () -> ()
    } else {
    }
    %eq3A_18 = arith.constant 15 : i32
    %eq3A_19 = arith.cmpi eq, %arg1, %eq3A_18 : i32
    %convert_element_type3A_20 = arith.extui %eq3A_19 : i1 to i32
    %cond3A_21 = arith.constant 0 : i32
    %cond3A_22 = arith.cmpi ne, %convert_element_type3A_20, %cond3A_21 : i32
    scf.if %cond3A_22 {
      %add3A = arith.constant 9360 : i32
      %add3A_23 = arith.addi %mul3A_6, %add3A : i32
      "tpu.region"() ({
        %run_scoped3A = tpu.sem_alloc : memref<!tpu.dma_semaphore, #tpu.memory_space<semaphore_mem>>
        %dma_start3A = arith.constant 0 : i32
        %dma_start3A_24 = tpu.memref_slice %arg6[%add3A_23, %dma_start3A] : memref<20000x128xf32, #tpu.memory_space<hbm>> -> memref<640x128xf32, #tpu.memory_space<hbm>>
        %dma_start3A_25 = arith.constant 9360 : i32
        %dma_start3A_26 = arith.constant 0 : i32
        %dma_start3A_27 = tpu.memref_slice %arg11[%dma_start3A_25, %dma_start3A_26] : memref<10000x128xf32, #tpu.memory_space<vmem_shared>> -> memref<640x128xf32, #tpu.memory_space<vmem_shared>>
        tpu.enqueue_dma source(%dma_start3A_27 : memref<640x128xf32, #tpu.memory_space<vmem_shared>>) target(%dma_start3A_24 : memref<640x128xf32, #tpu.memory_space<hbm>>) target_semaphore(%run_scoped3A : memref<!tpu.dma_semaphore, #tpu.memory_space<semaphore_mem>>)
        %dma_wait3A = arith.constant 0 : i32
        %dma_wait3A_28 = tpu.memref_slice %arg6[%add3A_23, %dma_wait3A] : memref<20000x128xf32, #tpu.memory_space<hbm>> -> memref<640x128xf32, #tpu.memory_space<hbm>>
        %dma_wait3A_29 = arith.constant 9360 : i32
        %dma_wait3A_30 = arith.constant 0 : i32
        %dma_wait3A_31 = tpu.memref_slice %arg11[%dma_wait3A_29, %dma_wait3A_30] : memref<10000x128xf32, #tpu.memory_space<vmem_shared>> -> memref<640x128xf32, #tpu.memory_space<vmem_shared>>
        tpu.wait_dma2 semaphore(%run_scoped3A : memref<!tpu.dma_semaphore, #tpu.memory_space<semaphore_mem>>) src(%dma_wait3A_31 : memref<640x128xf32, #tpu.memory_space<vmem_shared>>) dst(%dma_wait3A_28 : memref<640x128xf32, #tpu.memory_space<hbm>>)
        tpu.yield
      }) : () -> ()
    } else {
    }
    return
  }
}

#map = affine_map<(d0, d1) -> (0, 0)>
#map1 = affine_map<(d0, d1) -> (0)>
module attributes {stable_mosaic.version = 14 : i64} {
  func.func @_segsum_sc(%arg0: i32, %arg1: i32, %arg2: memref<20000x128xf32, #tpu.memory_space<hbm>>, %arg3: memref<160000xi32, #tpu.memory_space<hbm>>, %arg4: memref<160000xi32, #tpu.memory_space<hbm>>, %arg5: memref<640x128xf32, #tpu.memory_space<hbm>>, %arg6: memref<20000x128xf32, #tpu.memory_space<hbm>>, %arg7: memref<80xi32, #tpu.memory_space<vmem>>, %arg8: memref<80xi32, #tpu.memory_space<vmem>>, %arg9: memref<80xi32, #tpu.memory_space<vmem>>, %arg10: memref<80x128xf32, #tpu.memory_space<vmem>>, %arg11: memref<10000x128xf32, #tpu.memory_space<vmem_shared>>, %arg12: memref<!tpu.dma_semaphore, #tpu.memory_space<semaphore_mem>>) attributes {dimension_semantics = [#tpu.dimension_semantics<core_parallel>, #tpu.dimension_semantics<subcore_parallel>], iteration_bounds = array<i64: 2, 16>, scalar_prefetch = 0 : i64, scratch_operands = 6 : i64, tpu.core_type = #tpu.core_type<sc_vector_subcore>, window_params = [{transform_indices = #map}, {transform_indices = #map1}, {transform_indices = #map1}, {transform_indices = #map}, {transform_indices = #map}]} {
    %lt3A = arith.constant 15 : i32
    %lt3A_0 = arith.cmpi slt, %arg1, %lt3A : i32
    %convert_element_type3A = arith.extui %lt3A_0 : i1 to i32
    %cond3A = arith.constant 0 : i32
    %cond3A_1 = arith.cmpi ne, %convert_element_type3A, %cond3A : i32
    scf.if %cond3A_1 {
      %mul3A_23 = arith.constant 624 : i32
      %mul3A_24 = arith.muli %arg1, %mul3A_23 : i32
      "tpu.region"() ({
        %run_scoped3A = tpu.sem_alloc : memref<!tpu.dma_semaphore, #tpu.memory_space<semaphore_mem>>
        %dma_start3A = arith.constant 0 : i32
        %dma_start3A_25 = tpu.memref_slice %arg11[%mul3A_24, %dma_start3A] : memref<10000x128xf32, #tpu.memory_space<vmem_shared>> -> memref<624x128xf32, #tpu.memory_space<vmem_shared>>
        %dma_start3A_26 = arith.constant 0 : i32
        %dma_start3A_27 = arith.constant 0 : i32
        %dma_start3A_28 = tpu.memref_slice %arg5[%dma_start3A_26, %dma_start3A_27] : memref<640x128xf32, #tpu.memory_space<hbm>> -> memref<624x128xf32, #tpu.memory_space<hbm>>
        tpu.enqueue_dma source(%dma_start3A_28 : memref<624x128xf32, #tpu.memory_space<hbm>>) target(%dma_start3A_25 : memref<624x128xf32, #tpu.memory_space<vmem_shared>>) target_semaphore(%run_scoped3A : memref<!tpu.dma_semaphore, #tpu.memory_space<semaphore_mem>>)
        %dma_wait3A = arith.constant 0 : i32
        %dma_wait3A_29 = tpu.memref_slice %arg11[%mul3A_24, %dma_wait3A] : memref<10000x128xf32, #tpu.memory_space<vmem_shared>> -> memref<624x128xf32, #tpu.memory_space<vmem_shared>>
        %dma_wait3A_30 = arith.constant 0 : i32
        %dma_wait3A_31 = arith.constant 0 : i32
        %dma_wait3A_32 = tpu.memref_slice %arg5[%dma_wait3A_30, %dma_wait3A_31] : memref<640x128xf32, #tpu.memory_space<hbm>> -> memref<624x128xf32, #tpu.memory_space<hbm>>
        tpu.wait_dma2 semaphore(%run_scoped3A : memref<!tpu.dma_semaphore, #tpu.memory_space<semaphore_mem>>) src(%dma_wait3A_32 : memref<624x128xf32, #tpu.memory_space<hbm>>) dst(%dma_wait3A_29 : memref<624x128xf32, #tpu.memory_space<vmem_shared>>)
        tpu.yield
      }) : () -> ()
    } else {
    }
    %eq3A = arith.constant 15 : i32
    %eq3A_2 = arith.cmpi eq, %arg1, %eq3A : i32
    %convert_element_type3A_3 = arith.extui %eq3A_2 : i1 to i32
    %cond3A_4 = arith.constant 0 : i32
    %cond3A_5 = arith.cmpi ne, %convert_element_type3A_3, %cond3A_4 : i32
    scf.if %cond3A_5 {
      "tpu.region"() ({
        %run_scoped3A = tpu.sem_alloc : memref<!tpu.dma_semaphore, #tpu.memory_space<semaphore_mem>>
        %dma_start3A = arith.constant 9360 : i32
        %dma_start3A_23 = arith.constant 0 : i32
        %dma_start3A_24 = tpu.memref_slice %arg11[%dma_start3A, %dma_start3A_23] : memref<10000x128xf32, #tpu.memory_space<vmem_shared>> -> memref<640x128xf32, #tpu.memory_space<vmem_shared>>
        tpu.enqueue_dma source(%arg5 : memref<640x128xf32, #tpu.memory_space<hbm>>) target(%dma_start3A_24 : memref<640x128xf32, #tpu.memory_space<vmem_shared>>) target_semaphore(%run_scoped3A : memref<!tpu.dma_semaphore, #tpu.memory_space<semaphore_mem>>)
        %dma_wait3A = arith.constant 9360 : i32
        %dma_wait3A_25 = arith.constant 0 : i32
        %dma_wait3A_26 = tpu.memref_slice %arg11[%dma_wait3A, %dma_wait3A_25] : memref<10000x128xf32, #tpu.memory_space<vmem_shared>> -> memref<640x128xf32, #tpu.memory_space<vmem_shared>>
        tpu.wait_dma2 semaphore(%run_scoped3A : memref<!tpu.dma_semaphore, #tpu.memory_space<semaphore_mem>>) src(%arg5 : memref<640x128xf32, #tpu.memory_space<hbm>>) dst(%dma_wait3A_26 : memref<640x128xf32, #tpu.memory_space<vmem_shared>>)
        tpu.yield
      }) : () -> ()
    } else {
    }
    %barrier3A = arith.constant 0 : index
    tpu.barrier barrier_id(%barrier3A)
    %mul3A = arith.constant 10000 : i32
    %mul3A_6 = arith.muli %arg0, %mul3A : i32
    %scan3A = arith.constant 0 : i32
    %scan3A_7 = arith.constant 0 : i32
    %scan3A_8 = arith.constant 125 : i32
    %scan3A_9 = arith.addi %scan3A_7, %scan3A_8 : i32
    %scan3A_10 = arith.constant 1 : i32
    scf.for %scan3A_23 = %scan3A_7 to %scan3A_9 step %scan3A_10  : i32 {
      %mul3A_24 = arith.constant 10000 : i32
      %mul3A_25 = arith.muli %arg1, %mul3A_24 : i32
      %mul3A_26 = arith.constant 80 : i32
      %mul3A_27 = arith.muli %scan3A_23, %mul3A_26 : i32
      %add3A = arith.addi %mul3A_25, %mul3A_27 : i32
      "tpu.region"() ({
        %run_scoped3A = tpu.sem_alloc : memref<!tpu.dma_semaphore, #tpu.memory_space<semaphore_mem>>
        %dma_start3A_60 = tpu.memref_slice %arg3[%add3A] : memref<160000xi32, #tpu.memory_space<hbm>> -> memref<80xi32, #tpu.memory_space<hbm>>
        %dma_start3A_61 = tpu.memref_slice %arg3[%add3A] : memref<160000xi32, #tpu.memory_space<hbm>> -> memref<80xi32, #tpu.memory_space<hbm>>
        tpu.enqueue_dma source(%dma_start3A_61 : memref<80xi32, #tpu.memory_space<hbm>>) target(%arg7 : memref<80xi32, #tpu.memory_space<vmem>>) target_semaphore(%run_scoped3A : memref<!tpu.dma_semaphore, #tpu.memory_space<semaphore_mem>>)
        %dma_wait3A_62 = tpu.memref_slice %arg3[%add3A] : memref<160000xi32, #tpu.memory_space<hbm>> -> memref<80xi32, #tpu.memory_space<hbm>>
        %dma_wait3A_63 = tpu.memref_slice %arg3[%add3A] : memref<160000xi32, #tpu.memory_space<hbm>> -> memref<80xi32, #tpu.memory_space<hbm>>
        tpu.wait_dma2 semaphore(%run_scoped3A : memref<!tpu.dma_semaphore, #tpu.memory_space<semaphore_mem>>) src(%dma_wait3A_63 : memref<80xi32, #tpu.memory_space<hbm>>) dst(%arg7 : memref<80xi32, #tpu.memory_space<vmem>>)
        tpu.yield
      }) : () -> ()
      "tpu.region"() ({
        %run_scoped3A = tpu.sem_alloc : memref<!tpu.dma_semaphore, #tpu.memory_space<semaphore_mem>>
        %dma_start3A_60 = tpu.memref_slice %arg4[%add3A] : memref<160000xi32, #tpu.memory_space<hbm>> -> memref<80xi32, #tpu.memory_space<hbm>>
        %dma_start3A_61 = tpu.memref_slice %arg4[%add3A] : memref<160000xi32, #tpu.memory_space<hbm>> -> memref<80xi32, #tpu.memory_space<hbm>>
        tpu.enqueue_dma source(%dma_start3A_61 : memref<80xi32, #tpu.memory_space<hbm>>) target(%arg8 : memref<80xi32, #tpu.memory_space<vmem>>) target_semaphore(%run_scoped3A : memref<!tpu.dma_semaphore, #tpu.memory_space<semaphore_mem>>)
        %dma_wait3A_62 = tpu.memref_slice %arg4[%add3A] : memref<160000xi32, #tpu.memory_space<hbm>> -> memref<80xi32, #tpu.memory_space<hbm>>
        %dma_wait3A_63 = tpu.memref_slice %arg4[%add3A] : memref<160000xi32, #tpu.memory_space<hbm>> -> memref<80xi32, #tpu.memory_space<hbm>>
        tpu.wait_dma2 semaphore(%run_scoped3A : memref<!tpu.dma_semaphore, #tpu.memory_space<semaphore_mem>>) src(%dma_wait3A_63 : memref<80xi32, #tpu.memory_space<hbm>>) dst(%arg8 : memref<80xi32, #tpu.memory_space<vmem>>)
        tpu.yield
      }) : () -> ()
      %get3A = arith.constant 0 : index
      %get3A_28 = tpu.vector_load %arg7[%get3A] {strides = array<i32>} : memref<80xi32, #tpu.memory_space<vmem>>, vector<16xi32>,
      %add3A_29 = vector.broadcast %mul3A_6 : i32 to vector<16xi32>
      %add3A_30 = arith.addi %get3A_28, %add3A_29 : vector<16xi32>
      %swap3A = arith.constant 0 : index
      %swap3A_31 = tpu.vector_load %arg9[%swap3A] {strides = array<i32>} : memref<80xi32, #tpu.memory_space<vmem>>, vector<16xi32>,
      tpu.vector_store %arg9[%swap3A], %add3A_30 {strides = array<i32>} : memref<80xi32, #tpu.memory_space<vmem>>, vector<16xi32>,
      %get3A_32 = arith.constant 16 : index
      %get3A_33 = tpu.vector_load %arg7[%get3A_32] {strides = array<i32>} : memref<80xi32, #tpu.memory_space<vmem>>, vector<16xi32>,
      %add3A_34 = vector.broadcast %mul3A_6 : i32 to vector<16xi32>
      %add3A_35 = arith.addi %get3A_33, %add3A_34 : vector<16xi32>
      %swap3A_36 = arith.constant 16 : index
      %swap3A_37 = tpu.vector_load %arg9[%swap3A_36] {strides = array<i32>} : memref<80xi32, #tpu.memory_space<vmem>>, vector<16xi32>,
      tpu.vector_store %arg9[%swap3A_36], %add3A_35 {strides = array<i32>} : memref<80xi32, #tpu.memory_space<vmem>>, vector<16xi32>,
      %get3A_38 = arith.constant 32 : index
      %get3A_39 = tpu.vector_load %arg7[%get3A_38] {strides = array<i32>} : memref<80xi32, #tpu.memory_space<vmem>>, vector<16xi32>,
      %add3A_40 = vector.broadcast %mul3A_6 : i32 to vector<16xi32>
      %add3A_41 = arith.addi %get3A_39, %add3A_40 : vector<16xi32>
      %swap3A_42 = arith.constant 32 : index
      %swap3A_43 = tpu.vector_load %arg9[%swap3A_42] {strides = array<i32>} : memref<80xi32, #tpu.memory_space<vmem>>, vector<16xi32>,
      tpu.vector_store %arg9[%swap3A_42], %add3A_41 {strides = array<i32>} : memref<80xi32, #tpu.memory_space<vmem>>, vector<16xi32>,
      %get3A_44 = arith.constant 48 : index
      %get3A_45 = tpu.vector_load %arg7[%get3A_44] {strides = array<i32>} : memref<80xi32, #tpu.memory_space<vmem>>, vector<16xi32>,
      %add3A_46 = vector.broadcast %mul3A_6 : i32 to vector<16xi32>
      %add3A_47 = arith.addi %get3A_45, %add3A_46 : vector<16xi32>
      %swap3A_48 = arith.constant 48 : index
      %swap3A_49 = tpu.vector_load %arg9[%swap3A_48] {strides = array<i32>} : memref<80xi32, #tpu.memory_space<vmem>>, vector<16xi32>,
      tpu.vector_store %arg9[%swap3A_48], %add3A_47 {strides = array<i32>} : memref<80xi32, #tpu.memory_space<vmem>>, vector<16xi32>,
      %get3A_50 = arith.constant 64 : index
      %get3A_51 = tpu.vector_load %arg7[%get3A_50] {strides = array<i32>} : memref<80xi32, #tpu.memory_space<vmem>>, vector<16xi32>,
      %add3A_52 = vector.broadcast %mul3A_6 : i32 to vector<16xi32>
      %add3A_53 = arith.addi %get3A_51, %add3A_52 : vector<16xi32>
      %swap3A_54 = arith.constant 64 : index
      %swap3A_55 = tpu.vector_load %arg9[%swap3A_54] {strides = array<i32>} : memref<80xi32, #tpu.memory_space<vmem>>, vector<16xi32>,
      tpu.vector_store %arg9[%swap3A_54], %add3A_53 {strides = array<i32>} : memref<80xi32, #tpu.memory_space<vmem>>, vector<16xi32>,
      %dma_start3A = arith.constant 0 : i32
      %dma_start3A_56 = arith.constant 0 : i32
      %dma_start3A_57 = tpu.memref_slice %arg2[%dma_start3A, %dma_start3A_56] : memref<20000x128xf32, #tpu.memory_space<hbm>> -> memref<20000x128xf32, #tpu.memory_space<hbm>>
      tpu.enqueue_indirect_dma source(%dma_start3A_57 : memref<20000x128xf32, #tpu.memory_space<hbm>>) target(%arg10 : memref<80x128xf32, #tpu.memory_space<vmem>>) offsets(%arg9 : memref<80xi32, #tpu.memory_space<vmem>>) semaphore(%arg12 : memref<!tpu.dma_semaphore, #tpu.memory_space<semaphore_mem>>)
      %dma_wait3A = arith.constant 0 : i32
      %dma_wait3A_58 = arith.constant 0 : i32
      %dma_wait3A_59 = tpu.memref_slice %arg2[%dma_wait3A, %dma_wait3A_58] : memref<20000x128xf32, #tpu.memory_space<hbm>> -> memref<20000x128xf32, #tpu.memory_space<hbm>>
      tpu.wait_indirect_dma semaphore(%arg12 : memref<!tpu.dma_semaphore, #tpu.memory_space<semaphore_mem>>) src(%dma_wait3A_59 : memref<20000x128xf32, #tpu.memory_space<hbm>>) dst(%arg10 : memref<80x128xf32, #tpu.memory_space<vmem>>)
      "tpu.region"() ({
        %run_scoped3A = tpu.sem_alloc : memref<!tpu.dma_semaphore, #tpu.memory_space<semaphore_mem>>
        %dma_start3A_60 = arith.constant 0 : i32
        %dma_start3A_61 = arith.constant 0 : i32
        %dma_start3A_62 = tpu.memref_slice %arg11[%dma_start3A_60, %dma_start3A_61] : memref<10000x128xf32, #tpu.memory_space<vmem_shared>> -> memref<10000x128xf32, #tpu.memory_space<vmem_shared>>
        tpu.enqueue_indirect_dma source(%arg10 : memref<80x128xf32, #tpu.memory_space<vmem>>) target(%dma_start3A_62 : memref<10000x128xf32, #tpu.memory_space<vmem_shared>>) offsets(%arg8 : memref<80xi32, #tpu.memory_space<vmem>>) semaphore(%run_scoped3A : memref<!tpu.dma_semaphore, #tpu.memory_space<semaphore_mem>>) {add = true}
        %dma_wait3A_63 = arith.constant 0 : i32
        %dma_wait3A_64 = arith.constant 0 : i32
        %dma_wait3A_65 = tpu.memref_slice %arg11[%dma_wait3A_63, %dma_wait3A_64] : memref<10000x128xf32, #tpu.memory_space<vmem_shared>> -> memref<10000x128xf32, #tpu.memory_space<vmem_shared>>
        tpu.wait_indirect_dma semaphore(%run_scoped3A : memref<!tpu.dma_semaphore, #tpu.memory_space<semaphore_mem>>) src(%arg10 : memref<80x128xf32, #tpu.memory_space<vmem>>) dst(%dma_wait3A_65 : memref<10000x128xf32, #tpu.memory_space<vmem_shared>>)
        tpu.yield
      }) : () -> ()
    }
    %scan3A_11 = arith.constant 125 : i32
    %barrier3A_12 = arith.constant 0 : index
    tpu.barrier barrier_id(%barrier3A_12)
    %lt3A_13 = arith.constant 15 : i32
    %lt3A_14 = arith.cmpi slt, %arg1, %lt3A_13 : i32
    %convert_element_type3A_15 = arith.extui %lt3A_14 : i1 to i32
    %cond3A_16 = arith.constant 0 : i32
    %cond3A_17 = arith.cmpi ne, %convert_element_type3A_15, %cond3A_16 : i32
    scf.if %cond3A_17 {
      %mul3A_23 = arith.constant 624 : i32
      %mul3A_24 = arith.muli %arg1, %mul3A_23 : i32
      %mul3A_25 = arith.constant 624 : i32
      %mul3A_26 = arith.muli %arg1, %mul3A_25 : i32
      %add3A = arith.addi %mul3A_6, %mul3A_26 : i32
      "tpu.region"() ({
        %run_scoped3A = tpu.sem_alloc : memref<!tpu.dma_semaphore, #tpu.memory_space<semaphore_mem>>
        %dma_start3A = arith.constant 0 : i32
        %dma_start3A_27 = tpu.memref_slice %arg6[%add3A, %dma_start3A] : memref<20000x128xf32, #tpu.memory_space<hbm>> -> memref<624x128xf32, #tpu.memory_space<hbm>>
        %dma_start3A_28 = arith.constant 0 : i32
        %dma_start3A_29 = tpu.memref_slice %arg11[%mul3A_24, %dma_start3A_28] : memref<10000x128xf32, #tpu.memory_space<vmem_shared>> -> memref<624x128xf32, #tpu.memory_space<vmem_shared>>
        tpu.enqueue_dma source(%dma_start3A_29 : memref<624x128xf32, #tpu.memory_space<vmem_shared>>) target(%dma_start3A_27 : memref<624x128xf32, #tpu.memory_space<hbm>>) target_semaphore(%run_scoped3A : memref<!tpu.dma_semaphore, #tpu.memory_space<semaphore_mem>>)
        %dma_wait3A = arith.constant 0 : i32
        %dma_wait3A_30 = tpu.memref_slice %arg6[%add3A, %dma_wait3A] : memref<20000x128xf32, #tpu.memory_space<hbm>> -> memref<624x128xf32, #tpu.memory_space<hbm>>
        %dma_wait3A_31 = arith.constant 0 : i32
        %dma_wait3A_32 = tpu.memref_slice %arg11[%mul3A_24, %dma_wait3A_31] : memref<10000x128xf32, #tpu.memory_space<vmem_shared>> -> memref<624x128xf32, #tpu.memory_space<vmem_shared>>
        tpu.wait_dma2 semaphore(%run_scoped3A : memref<!tpu.dma_semaphore, #tpu.memory_space<semaphore_mem>>) src(%dma_wait3A_32 : memref<624x128xf32, #tpu.memory_space<vmem_shared>>) dst(%dma_wait3A_30 : memref<624x128xf32, #tpu.memory_space<hbm>>)
        tpu.yield
      }) : () -> ()
    } else {
    }
    %eq3A_18 = arith.constant 15 : i32
    %eq3A_19 = arith.cmpi eq, %arg1, %eq3A_18 : i32
    %convert_element_type3A_20 = arith.extui %eq3A_19 : i1 to i32
    %cond3A_21 = arith.constant 0 : i32
    %cond3A_22 = arith.cmpi ne, %convert_element_type3A_20, %cond3A_21 : i32
    scf.if %cond3A_22 {
      %add3A = arith.constant 9360 : i32
      %add3A_23 = arith.addi %mul3A_6, %add3A : i32
      "tpu.region"() ({
        %run_scoped3A = tpu.sem_alloc : memref<!tpu.dma_semaphore, #tpu.memory_space<semaphore_mem>>
        %dma_start3A = arith.constant 0 : i32
        %dma_start3A_24 = tpu.memref_slice %arg6[%add3A_23, %dma_start3A] : memref<20000x128xf32, #tpu.memory_space<hbm>> -> memref<640x128xf32, #tpu.memory_space<hbm>>
        %dma_start3A_25 = arith.constant 9360 : i32
        %dma_start3A_26 = arith.constant 0 : i32
        %dma_start3A_27 = tpu.memref_slice %arg11[%dma_start3A_25, %dma_start3A_26] : memref<10000x128xf32, #tpu.memory_space<vmem_shared>> -> memref<640x128xf32, #tpu.memory_space<vmem_shared>>
        tpu.enqueue_dma source(%dma_start3A_27 : memref<640x128xf32, #tpu.memory_space<vmem_shared>>) target(%dma_start3A_24 : memref<640x128xf32, #tpu.memory_space<hbm>>) target_semaphore(%run_scoped3A : memref<!tpu.dma_semaphore, #tpu.memory_space<semaphore_mem>>)
        %dma_wait3A = arith.constant 0 : i32
        %dma_wait3A_28 = tpu.memref_slice %arg6[%add3A_23, %dma_wait3A] : memref<20000x128xf32, #tpu.memory_space<hbm>> -> memref<640x128xf32, #tpu.memory_space<hbm>>
        %dma_wait3A_29 = arith.constant 9360 : i32
        %dma_wait3A_30 = arith.constant 0 : i32
        %dma_wait3A_31 = tpu.memref_slice %arg11[%dma_wait3A_29, %dma_wait3A_30] : memref<10000x128xf32, #tpu.memory_space<vmem_shared>> -> memref<640x128xf32, #tpu.memory_space<vmem_shared>>
        tpu.wait_dma2 semaphore(%run_scoped3A : memref<!tpu.dma_semaphore, #tpu.memory_space<semaphore_mem>>) src(%dma_wait3A_31 : memref<640x128xf32, #tpu.memory_space<vmem_shared>>) dst(%dma_wait3A_28 : memref<640x128xf32, #tpu.memory_space<hbm>>)
        tpu.yield
      }) : () -> ()
    } else {
    }
    return
  }
}

module attributes {stable_mosaic.version = 14 : i64} {
  func.func @_mm1_body(%arg0: i32, %arg1: i32, %arg2: memref<1000x256xf32, #tpu.memory_space<vmem>>, %arg3: memref<256x128xf32, #tpu.memory_space<vmem>>, %arg4: memref<1000x1xf32, #tpu.memory_space<vmem>>, %arg5: memref<1000x128xf32, #tpu.memory_space<vmem>>) attributes {dimension_semantics = [#tpu.dimension_semantics<arbitrary>, #tpu.dimension_semantics<arbitrary>], iteration_bounds = array<i64: 10, 2>, scalar_prefetch = 0 : i64, scratch_operands = 0 : i64, tpu.core_type = #tpu.core_type<tc>, window_params = [{transform_indices = @transform_0, window_bounds = array<i64: 1000, 256>}, {transform_indices = @transform_1, window_bounds = array<i64: 256, 128>}, {transform_indices = @transform_2, window_bounds = array<i64: 1000, 1>}, {transform_indices = @transform_3, window_bounds = array<i64: 1000, 128>}]} {
    %get3A = arith.constant 0 : index
    %get3A_0 = arith.constant 0 : index
    %get3A_1 = vector.load %arg2[%get3A, %get3A_0] : memref<1000x256xf32, #tpu.memory_space<vmem>>, vector<1000x256xf32>
    %get3A_2 = arith.constant 0 : index
    %get3A_3 = arith.constant 0 : index
    %get3A_4 = vector.load %arg3[%get3A_2, %get3A_3] : memref<256x128xf32, #tpu.memory_space<vmem>>, vector<256x128xf32>
    %dot_general3A = arith.constant dense<0.000000e+00> : vector<1000x128xf32>
    %dot_general3A_5 = tpu.matmul %get3A_1, %get3A_4, %dot_general3A {dimension_numbers = #tpu.dot_dimension_numbers<[1], [0], [0], [1], [0, 0, 1, 1], [], []>, transpose_lhs_hint = false} : vector<1000x256xf32>, vector<256x128xf32>, vector<1000x128xf32> -> vector<1000x128xf32>
    %get3A_6 = arith.constant 0 : index
    %get3A_7 = arith.constant 0 : index
    %get3A_8 = vector.load %arg4[%get3A_6, %get3A_7] : memref<1000x1xf32, #tpu.memory_space<vmem>>, vector<1000x1xf32>
    %mul3A = vector.broadcast %get3A_8 : vector<1000x1xf32> to vector<1000x128xf32>
    %mul3A_9 = arith.mulf %dot_general3A_5, %mul3A : vector<1000x128xf32>
    %swap3A = arith.constant 0 : index
    %swap3A_10 = arith.constant 0 : index
    %swap3A_11 = vector.load %arg5[%swap3A, %swap3A_10] : memref<1000x128xf32, #tpu.memory_space<vmem>>, vector<1000x128xf32>
    tpu.vector_store %arg5[%swap3A, %swap3A_10], %mul3A_9 {strides = array<i32>} : memref<1000x128xf32, #tpu.memory_space<vmem>>, vector<1000x128xf32>,
    return
  }
  func.func @transform_0(%arg0: i32, %arg1: i32) -> (i32, i32) {
    %c0_i32 = arith.constant 0 : i32
    %c0_i32_0 = arith.constant 0 : i32
    return %arg0, %c0_i32 : i32, i32
  }
  func.func @transform_1(%arg0: i32, %arg1: i32) -> (i32, i32) {
    %c0_i32 = arith.constant 0 : i32
    %c0_i32_0 = arith.constant 0 : i32
    return %c0_i32, %arg1 : i32, i32
  }
  func.func @transform_2(%arg0: i32, %arg1: i32) -> (i32, i32) {
    %c0_i32 = arith.constant 0 : i32
    %c0_i32_0 = arith.constant 0 : i32
    return %arg0, %c0_i32 : i32, i32
  }
  func.func @transform_3(%arg0: i32, %arg1: i32) -> (i32, i32) {
    %mul3A = arith.constant 10 : i32
    %mul3A_0 = arith.muli %arg1, %mul3A : i32
    %add3A = arith.addi %mul3A_0, %arg0 : i32
    %c0_i32 = arith.constant 0 : i32
    %c0_i32_1 = arith.constant 0 : i32
    return %add3A, %c0_i32 : i32, i32
  }
}

module attributes {stable_mosaic.version = 14 : i64} {
  func.func @_dinv_body(%arg0: memref<32x10000xf32, #tpu.memory_space<vmem>>, %arg1: memref<10000x1xf32, #tpu.memory_space<vmem>>) attributes {dimension_semantics = [], scalar_prefetch = 0 : i64, scratch_operands = 0 : i64, tpu.core_type = #tpu.core_type<tc>} {
    %get3A = arith.constant 0 : index
    %get3A_0 = arith.constant 0 : index
    %get3A_1 = vector.load %arg0[%get3A, %get3A_0] : memref<32x10000xf32, #tpu.memory_space<vmem>>, vector<32x10000xf32>
    %reduce_sum3A = arith.constant dense<0.000000e+00> : vector<10000xf32>
    %reduce_sum3A_2 = vector.multi_reduction <add>, %get3A_1, %reduce_sum3A [0] : vector<32x10000xf32> to vector<10000xf32>
    %add3A = arith.constant 1.000000e+00 : f32
    %add3A_3 = vector.broadcast %add3A : f32 to vector<10000xf32>
    %add3A_4 = arith.addf %add3A_3, %reduce_sum3A_2 : vector<10000xf32>
    %rsqrt3A = math.rsqrt %add3A_4 : vector<10000xf32>
    %broadcast_in_dim3A = vector.shape_cast %rsqrt3A : vector<10000xf32> to vector<10000x1xf32>
    %swap3A = arith.constant 0 : index
    %swap3A_5 = arith.constant 0 : index
    %swap3A_6 = vector.load %arg1[%swap3A, %swap3A_5] : memref<10000x1xf32, #tpu.memory_space<vmem>>, vector<10000x1xf32>
    tpu.vector_store %arg1[%swap3A, %swap3A_5], %broadcast_in_dim3A {strides = array<i32>} : memref<10000x1xf32, #tpu.memory_space<vmem>>, vector<10000x1xf32>,
    return
  }
}

module attributes {stable_mosaic.version = 14 : i64} {
  func.func @_mm2_body(%arg0: i32, %arg1: i32, %arg2: memref<1000x128xf32, #tpu.memory_space<vmem>>, %arg3: memref<1000x128xf32, #tpu.memory_space<vmem>>, %arg4: memref<1000x128xf32, #tpu.memory_space<vmem>>, %arg5: memref<1000x128xf32, #tpu.memory_space<vmem>>, %arg6: memref<1000x1xf32, #tpu.memory_space<vmem>>, %arg7: memref<256xf32, #tpu.memory_space<vmem>>, %arg8: memref<256x128xf32, #tpu.memory_space<vmem>>, %arg9: memref<1000x128xf32, #tpu.memory_space<vmem>>) attributes {dimension_semantics = [#tpu.dimension_semantics<arbitrary>, #tpu.dimension_semantics<arbitrary>], iteration_bounds = array<i64: 10, 2>, scalar_prefetch = 0 : i64, scratch_operands = 0 : i64, tpu.core_type = #tpu.core_type<tc>, window_params = [{transform_indices = @transform_0, window_bounds = array<i64: 1000, 128>}, {transform_indices = @transform_1, window_bounds = array<i64: 1000, 128>}, {transform_indices = @transform_2, window_bounds = array<i64: 1000, 128>}, {transform_indices = @transform_3, window_bounds = array<i64: 1000, 128>}, {transform_indices = @transform_4, window_bounds = array<i64: 1000, 1>}, {pipeline_mode = #tpu.pipeline_mode<synchronous>, transform_indices = @transform_5, window_bounds = array<i64: 256>}, {transform_indices = @transform_6, window_bounds = array<i64: 256, 128>}, {transform_indices = @transform_7, window_bounds = array<i64: 1000, 128>}]} {
    %get3A = arith.constant 0 : index
    %get3A_0 = arith.constant 0 : index
    %get3A_1 = vector.load %arg6[%get3A, %get3A_0] : memref<1000x1xf32, #tpu.memory_space<vmem>>, vector<1000x1xf32>
    %get3A_2 = arith.constant 0 : index
    %get3A_3 = arith.constant 0 : index
    %get3A_4 = vector.load %arg2[%get3A_2, %get3A_3] : memref<1000x128xf32, #tpu.memory_space<vmem>>, vector<1000x128xf32>
    %get3A_5 = arith.constant 0 : index
    %get3A_6 = arith.constant 0 : index
    %get3A_7 = vector.load %arg4[%get3A_5, %get3A_6] : memref<1000x128xf32, #tpu.memory_space<vmem>>, vector<1000x128xf32>
    %add3A = arith.addf %get3A_4, %get3A_7 : vector<1000x128xf32>
    %mul3A = vector.broadcast %get3A_1 : vector<1000x1xf32> to vector<1000x128xf32>
    %mul3A_8 = arith.mulf %mul3A, %add3A : vector<1000x128xf32>
    %get3A_9 = arith.constant 0 : index
    %get3A_10 = arith.constant 0 : index
    %get3A_11 = vector.load %arg3[%get3A_9, %get3A_10] : memref<1000x128xf32, #tpu.memory_space<vmem>>, vector<1000x128xf32>
    %get3A_12 = arith.constant 0 : index
    %get3A_13 = arith.constant 0 : index
    %get3A_14 = vector.load %arg5[%get3A_12, %get3A_13] : memref<1000x128xf32, #tpu.memory_space<vmem>>, vector<1000x128xf32>
    %add3A_15 = arith.addf %get3A_11, %get3A_14 : vector<1000x128xf32>
    %mul3A_16 = vector.broadcast %get3A_1 : vector<1000x1xf32> to vector<1000x128xf32>
    %mul3A_17 = arith.mulf %mul3A_16, %add3A_15 : vector<1000x128xf32>
    %concatenate3A = tpu.concatenate %mul3A_8, %mul3A_17 in 1 : vector<1000x128xf32>, vector<1000x128xf32> -> vector<1000x256xf32>
    %get3A_18 = arith.constant 0 : index
    %get3A_19 = vector.load %arg7[%get3A_18] : memref<256xf32, #tpu.memory_space<vmem>>, vector<256xf32>
    %broadcast_in_dim3A = vector.shape_cast %get3A_19 : vector<256xf32> to vector<1x256xf32>
    %add3A_20 = vector.broadcast %broadcast_in_dim3A : vector<1x256xf32> to vector<1000x256xf32>
    %add3A_21 = arith.addf %concatenate3A, %add3A_20 : vector<1000x256xf32>
    %max3A = arith.constant 0.000000e+00 : f32
    %max3A_22 = vector.broadcast %max3A : f32 to vector<1000x256xf32>
    %max3A_23 = arith.maximumf %add3A_21, %max3A_22 : vector<1000x256xf32>
    %get3A_24 = arith.constant 0 : index
    %get3A_25 = arith.constant 0 : index
    %get3A_26 = vector.load %arg8[%get3A_24, %get3A_25] : memref<256x128xf32, #tpu.memory_space<vmem>>, vector<256x128xf32>
    %dot_general3A = arith.constant dense<0.000000e+00> : vector<1000x128xf32>
    %dot_general3A_27 = tpu.matmul %max3A_23, %get3A_26, %dot_general3A {dimension_numbers = #tpu.dot_dimension_numbers<[1], [0], [0], [1], [0, 0, 1, 1], [], []>, transpose_lhs_hint = false} : vector<1000x256xf32>, vector<256x128xf32>, vector<1000x128xf32> -> vector<1000x128xf32>
    %mul3A_28 = vector.broadcast %get3A_1 : vector<1000x1xf32> to vector<1000x128xf32>
    %mul3A_29 = arith.mulf %dot_general3A_27, %mul3A_28 : vector<1000x128xf32>
    %swap3A = arith.constant 0 : index
    %swap3A_30 = arith.constant 0 : index
    %swap3A_31 = vector.load %arg9[%swap3A, %swap3A_30] : memref<1000x128xf32, #tpu.memory_space<vmem>>, vector<1000x128xf32>
    tpu.vector_store %arg9[%swap3A, %swap3A_30], %mul3A_29 {strides = array<i32>} : memref<1000x128xf32, #tpu.memory_space<vmem>>, vector<1000x128xf32>,
    return
  }
  func.func @transform_0(%arg0: i32, %arg1: i32) -> (i32, i32) {
    %c0_i32 = arith.constant 0 : i32
    %c0_i32_0 = arith.constant 0 : i32
    return %arg0, %c0_i32 : i32, i32
  }
  func.func @transform_1(%arg0: i32, %arg1: i32) -> (i32, i32) {
    %add3A = arith.constant 10 : i32
    %add3A_0 = arith.addi %add3A, %arg0 : i32
    %c0_i32 = arith.constant 0 : i32
    %c0_i32_1 = arith.constant 0 : i32
    return %add3A_0, %c0_i32 : i32, i32
  }
  func.func @transform_2(%arg0: i32, %arg1: i32) -> (i32, i32) {
    %c0_i32 = arith.constant 0 : i32
    %c0_i32_0 = arith.constant 0 : i32
    return %arg0, %c0_i32 : i32, i32
  }
  func.func @transform_3(%arg0: i32, %arg1: i32) -> (i32, i32) {
    %add3A = arith.constant 10 : i32
    %add3A_0 = arith.addi %add3A, %arg0 : i32
    %c0_i32 = arith.constant 0 : i32
    %c0_i32_1 = arith.constant 0 : i32
    return %add3A_0, %c0_i32 : i32, i32
  }
  func.func @transform_4(%arg0: i32, %arg1: i32) -> (i32, i32) {
    %c0_i32 = arith.constant 0 : i32
    %c0_i32_0 = arith.constant 0 : i32
    return %arg0, %c0_i32 : i32, i32
  }
  func.func @transform_5(%arg0: i32, %arg1: i32) -> i32 {
    %c0_i32 = arith.constant 0 : i32
    %c0_i32_0 = arith.constant 0 : i32
    return %c0_i32 : i32
  }
  func.func @transform_6(%arg0: i32, %arg1: i32) -> (i32, i32) {
    %c0_i32 = arith.constant 0 : i32
    %c0_i32_0 = arith.constant 0 : i32
    return %c0_i32, %arg1 : i32, i32
  }
  func.func @transform_7(%arg0: i32, %arg1: i32) -> (i32, i32) {
    %mul3A = arith.constant 10 : i32
    %mul3A_0 = arith.muli %arg1, %mul3A : i32
    %add3A = arith.addi %mul3A_0, %arg0 : i32
    %c0_i32 = arith.constant 0 : i32
    %c0_i32_1 = arith.constant 0 : i32
    return %add3A, %c0_i32 : i32, i32
  }
}

module attributes {stable_mosaic.version = 14 : i64} {
  func.func @_final_body(%arg0: memref<20000x128xf32, #tpu.memory_space<vmem>>, %arg1: memref<20000x128xf32, #tpu.memory_space<vmem>>, %arg2: memref<10000x1xf32, #tpu.memory_space<vmem>>, %arg3: memref<256xf32, #tpu.memory_space<vmem>>, %arg4: memref<10000x256xf32, #tpu.memory_space<vmem>>) attributes {dimension_semantics = [], scalar_prefetch = 0 : i64, scratch_operands = 0 : i64, tpu.core_type = #tpu.core_type<tc>} {
    %get3A = arith.constant 0 : index
    %get3A_0 = arith.constant 0 : index
    %get3A_1 = vector.load %arg2[%get3A, %get3A_0] : memref<10000x1xf32, #tpu.memory_space<vmem>>, vector<10000x1xf32>
    %get3A_2 = arith.constant 0 : index
    %get3A_3 = arith.constant 0 : index
    %get3A_4 = vector.load %arg0[%get3A_2, %get3A_3] : memref<20000x128xf32, #tpu.memory_space<vmem>>, vector<20000x128xf32>
    %get3A_5 = arith.constant 0 : index
    %get3A_6 = arith.constant 0 : index
    %get3A_7 = vector.load %arg1[%get3A_5, %get3A_6] : memref<20000x128xf32, #tpu.memory_space<vmem>>, vector<20000x128xf32>
    %slice3A = vector.extract_strided_slice %get3A_4 {offsets = [0, 0], sizes = [10000, 128], strides = [1, 1]} : vector<20000x128xf32> to vector<10000x128xf32>
    %slice3A_8 = vector.extract_strided_slice %get3A_7 {offsets = [0, 0], sizes = [10000, 128], strides = [1, 1]} : vector<20000x128xf32> to vector<10000x128xf32>
    %add3A = arith.addf %slice3A, %slice3A_8 : vector<10000x128xf32>
    %mul3A = vector.broadcast %get3A_1 : vector<10000x1xf32> to vector<10000x128xf32>
    %mul3A_9 = arith.mulf %mul3A, %add3A : vector<10000x128xf32>
    %slice3A_10 = vector.extract_strided_slice %get3A_4 {offsets = [10000, 0], sizes = [10000, 128], strides = [1, 1]} : vector<20000x128xf32> to vector<10000x128xf32>
    %slice3A_11 = vector.extract_strided_slice %get3A_7 {offsets = [10000, 0], sizes = [10000, 128], strides = [1, 1]} : vector<20000x128xf32> to vector<10000x128xf32>
    %add3A_12 = arith.addf %slice3A_10, %slice3A_11 : vector<10000x128xf32>
    %mul3A_13 = vector.broadcast %get3A_1 : vector<10000x1xf32> to vector<10000x128xf32>
    %mul3A_14 = arith.mulf %mul3A_13, %add3A_12 : vector<10000x128xf32>
    %concatenate3A = tpu.concatenate %mul3A_9, %mul3A_14 in 1 : vector<10000x128xf32>, vector<10000x128xf32> -> vector<10000x256xf32>
    %get3A_15 = arith.constant 0 : index
    %get3A_16 = vector.load %arg3[%get3A_15] : memref<256xf32, #tpu.memory_space<vmem>>, vector<256xf32>
    %broadcast_in_dim3A = vector.shape_cast %get3A_16 : vector<256xf32> to vector<1x256xf32>
    %add3A_17 = vector.broadcast %broadcast_in_dim3A : vector<1x256xf32> to vector<10000x256xf32>
    %add3A_18 = arith.addf %concatenate3A, %add3A_17 : vector<10000x256xf32>
    %reduce_sum3A = arith.constant dense<0.000000e+00> : vector<256xf32>
    %reduce_sum3A_19 = vector.multi_reduction <add>, %add3A_18, %reduce_sum3A [0] : vector<10000x256xf32> to vector<256xf32>
    %div3A = arith.constant 1.000000e+04 : f32
    %div3A_20 = vector.broadcast %div3A : f32 to vector<256xf32>
    %div3A_21 = arith.divf %reduce_sum3A_19, %div3A_20 : vector<256xf32>
    %broadcast_in_dim3A_22 = vector.shape_cast %div3A_21 : vector<256xf32> to vector<1x256xf32>
    %sub3A = vector.broadcast %broadcast_in_dim3A_22 : vector<1x256xf32> to vector<10000x256xf32>
    %sub3A_23 = arith.subf %add3A_18, %sub3A : vector<10000x256xf32>
    %mul3A_24 = arith.mulf %sub3A_23, %sub3A_23 : vector<10000x256xf32>
    %reduce_sum3A_25 = arith.constant dense<0.000000e+00> : vector<256xf32>
    %reduce_sum3A_26 = vector.multi_reduction <add>, %mul3A_24, %reduce_sum3A_25 [0] : vector<10000x256xf32> to vector<256xf32>
    %div3A_27 = arith.constant 9.999000e+03 : f32
    %div3A_28 = vector.broadcast %div3A_27 : f32 to vector<256xf32>
    %div3A_29 = arith.divf %reduce_sum3A_26, %div3A_28 : vector<256xf32>
    %rsqrt3A = math.rsqrt %div3A_29 : vector<256xf32>
    %broadcast_in_dim3A_30 = vector.shape_cast %rsqrt3A : vector<256xf32> to vector<1x256xf32>
    %mul3A_31 = vector.broadcast %broadcast_in_dim3A_30 : vector<1x256xf32> to vector<10000x256xf32>
    %mul3A_32 = arith.mulf %sub3A_23, %mul3A_31 : vector<10000x256xf32>
    %swap3A = arith.constant 0 : index
    %swap3A_33 = arith.constant 0 : index
    %swap3A_34 = vector.load %arg4[%swap3A, %swap3A_33] : memref<10000x256xf32, #tpu.memory_space<vmem>>, vector<10000x256xf32>
    tpu.vector_store %arg4[%swap3A, %swap3A_33], %mul3A_32 {strides = array<i32>} : memref<10000x256xf32, #tpu.memory_space<vmem>>, vector<10000x256xf32>,
    return
  }
}

</mosaic_0001>

<sc_bundles>
// kernel: kernel.16.cloned.1.call-start
scs
__scs_entry_jumppad:
0x0: {  	(pc) =	sbr.rel $0x88, $3  }
0x1: {  	(tag) =	ssettag $0x0;
	lr =	simm.s32 $0x1  }
0x2: {  	[smem:$0x3F99] =	sst lr;
	_ =	strace $0xD0000000  }
0x3: {  	_ = 	snop  }
0x4: {  	_ = 	snop  }
0x5: {  	_ = 	snop  }
0x6: {  	_ = 	snop  }
0x7: {  	_ = 	snop  }
__scs_overlays_trampoline_lowered:
0x8: {  	[smem:$0x3FA8] =	sst s0  }
0x9: {  	[smem:$0x3FA9] =	sst s1  }
0xa: {  	[smem:$0x3FAA] =	sst s2  }
0xb: {  	[smem:$0x3FAB] =	sst s3  }
0xc: {  	[smem:$0x3FAC] =	sst s4  }
0xd: {  	[smem:$0x3FAD] =	sst s5  }
0xe: {  	[smem:$0x3FAE] =	sst s6  }
0xf: {  	[smem:$0x3FAF] =	sst s7  }
0x10: {  	[smem:$0x3FB0] =	sst s8  }
0x11: {  	[smem:$0x3FB1] =	sst s9;
	s0 =	simm.s32 @!p0 $0x0  }
0x12: {  	s1 =	sld [smem:$0x3F97];
	s0 =	simm.s32 @p0 $0x1  }
0x13: {  	[smem:$0x3FB2] =	sst s0;
	s0 =	simm.s32 @!p1 $0x0  }
0x14: {  	s2 =	sld [smem:$0x3F96];
	s0 =	simm.s32 @p1 $0x1  }
0x15: {  	[smem:$0x3FB3] =	sst s0;
	s0 =	simm.s32 @!p2 $0x0  }
0x16: {  	s3 =	sld [smem:$0x3FDB];
	s0 =	simm.s32 @p2 $0x1  }
0x17: {  	s4 =	simm.s32 $0x1BF5;
	[smem:$0x3FB5] =	sst s0  }
0x18: {  	s0 =	sld [smem:$0x3F98];
	_ =	swait.ge [sflag:s4], $0x0  }
0x19: {  	s7 =	sld [smem:$0x3F99]  }
0x1a: {  	s8 =	sadd.s32 $0xFFFFE003, lr  }
0x1b: {  	s9 =	sadd.s32 $0xFFFFFEF7, lr;
	s5 =	simm.s32 $0xFFFFFFFF;
	p2 =	slt.u32 s8, $0xFFFFF086  }
0x1c: {  	p1 =	slt.u32 s9, $0xF7A;
	s5 =	simm.s32 @!p2 $0x0  }
0x1d: {  	s5 =	simm.s32 @p1 $0x1;
	p0 =	seq.s32 s7, s2  }
0x1e: {  	s7 =	smul.u32 @!p0 $0xF7A, s2;
	p2 =	seq.s32 @!p0 s5, $0x0  }
0x1f: {  	s9 =	smul.u32 $0xF7A, s1;
	s8 =	simm.s32 @!p0 $0x1BF5;
	p2 =	por !p2, p0  }
0x20: {  	[sflag:s8] =	ssyncset.s32 @!p0 $0xFFFFF086;
	s6 =	sadd.s32 @!p0 s3, s7;
	s7 =	simm.s32 @!p0 $0x108  }
0x21: {  	s3 =	sadd.s32 s3, s9;
	s6 =	sadd.s32 @!p0 $0x88, s6;
	s7 =	simm.s32 @p2 $0x1082  }
0x22: {  	[simem:s7], [sflag:s8] =	dma.local @!p0 [hbm:s6], $0xF7A  }
0x23: {  	s9 =	sor.u32 $0xD0000000, s2;
	s6 =	simm.s32 $0x108;
	_ =	swait.ge @!p0 [sflag:s8], $0x0  }
0x24: {  	s3 =	sadd.s32 $0x88, s3;
	s6 =	simm.s32 @!p1 $0x1082;
	[sflag:s4] =	ssyncset.s32 $0xFFFFF086  }
0x25: {  	[simem:s6], [sflag:s4] =	dma.local [hbm:s3], $0xF7A  }
0x26: {  	[smem:$0x3F99] =	sst s1;
	(tag) =	ssettag s2;
	_ =	strace s9  }
0x27: {  	s1 =	sld [smem:$0x3FA9]  }
0x28: {  	s2 =	sld [smem:$0x3FAA]  }
0x29: {  	s4 =	sld [smem:$0x3FAC]  }
0x2a: {  	p0 =	seq.s32 s5, $0x0;
	s5 =	sld [smem:$0x3FAD]  }
0x2b: {  	s6 =	sld [smem:$0x3FAE]  }
0x2c: {  	s7 =	sld [smem:$0x3FAF]  }
0x2d: {  	s3 =	simm.s32 $0x108;
	s8 =	sld [smem:$0x3FB0]  }
0x2e: {  	s3 =	simm.s32 @!p0 $0x1082;
	s9 =	sld [smem:$0x3FB1]  }
0x2f: {  	lr =	sadd.s32 s0, s3;
	s0 =	sld [smem:$0x3FA8]  }
0x30: {  	s3 =	sld [smem:$0x3FAB]  }
0x31: {  	[smem:$0x3FB4] =	sst s10  }
0x32: {  	s10 =	sld [smem:$0x3FB2];
	_ =	sdelay $0x3  }
0x33: {  	p0 =	seq.s32 s10, $0x1;
	s10 =	sld [smem:$0x3FB4];
	_ =	sdelay $0x3  }
0x34: {  	[smem:$0x3FB4] =	sst s10  }
0x35: {  	s10 =	sld [smem:$0x3FB3];
	_ =	sdelay $0x3  }
0x36: {  	p1 =	seq.s32 s10, $0x1;
	s10 =	sld [smem:$0x3FB4];
	_ =	sdelay $0x3  }
0x37: {  	[smem:$0x3FB4] =	sst s10  }
0x38: {  	s10 =	sld [smem:$0x3FB5]  }
0x39: {  	_ = 	snop;
	(pc) =	sbr.ind lr, $3  }
0x3a: {  	_ = 	snop  }
0x3b: {  	_ = 	snop  }
0x3c: {  	p2 =	seq.s32 s10, $0x1;
	s10 =	sld [smem:$0x3FB4]  }
0x3d: {  	_ =	shalt  }
0x3e: {  	_ =	shalt  }
0x3f: {  	_ =	shalt  }
0x40: {  	_ =	shalt  }
0x41: {  	_ =	shalt  }
0x42: {  	_ =	shalt  }
0x43: {  	_ =	shalt  }
0x44: {  	_ =	shalt  }
0x45: {  	_ =	shalt  }
0x46: {  	_ =	shalt  }
0x47: {  	_ =	shalt  }
0x48: {  	_ =	shalt  }
0x49: {  	_ =	shalt  }
0x4a: {  	_ =	shalt  }
0x4b: {  	_ =	shalt  }
0x4c: {  	_ =	shalt  }
0x4d: {  	_ =	shalt  }
0x4e: {  	_ =	shalt  }
0x4f: {  	_ =	shalt  }
0x50: {  	_ =	shalt  }
0x51: {  	_ =	shalt  }
0x52: {  	_ =	shalt  }
0x53: {  	_ =	shalt  }
0x54: {  	_ =	shalt  }
0x55: {  	_ =	shalt  }
0x56: {  	_ =	shalt  }
0x57: {  	_ =	shalt  }
0x58: {  	_ =	shalt  }
0x59: {  	_ =	shalt  }
0x5a: {  	_ =	shalt  }
0x5b: {  	_ =	shalt  }
0x5c: {  	_ =	shalt  }
0x5d: {  	_ =	shalt  }
0x5e: {  	_ =	shalt  }
0x5f: {  	_ =	shalt  }
0x60: {  	_ =	shalt  }
0x61: {  	_ =	shalt  }
0x62: {  	_ =	shalt  }
0x63: {  	_ =	shalt  }
0x64: {  	_ =	shalt  }
0x65: {  	_ =	shalt  }
0x66: {  	_ =	shalt  }
0x67: {  	_ =	shalt  }
0x68: {  	_ =	shalt  }
0x69: {  	_ =	shalt  }
0x6a: {  	_ =	shalt  }
0x6b: {  	_ =	shalt  }
0x6c: {  	_ =	shalt  }
0x6d: {  	_ =	shalt  }
0x6e: {  	_ =	shalt  }
0x6f: {  	_ =	shalt  }
0x70: {  	_ =	shalt  }
0x71: {  	_ =	shalt  }
0x72: {  	_ =	shalt  }
0x73: {  	_ =	shalt  }
0x74: {  	_ =	shalt  }
0x75: {  	_ =	shalt  }
0x76: {  	_ =	shalt  }
0x77: {  	_ =	shalt  }
0x78: {  	_ =	shalt  }
0x79: {  	_ =	shalt  }
0x7a: {  	_ =	shalt  }
0x7b: {  	_ =	shalt  }
0x7c: {  	_ =	shalt  }
0x7d: {  	_ =	shalt  }
0x7e: {  	_ =	shalt  }
0x7f: {  	_ =	shalt  }
0x80: {  	_ =	shalt  }
0x81: {  	_ =	shalt  }
0x82: {  	_ =	shalt  }
0x83: {  	_ =	shalt  }
0x84: {  	_ =	shalt  }
0x85: {  	_ =	shalt  }
0x86: {  	_ =	shalt  }
0x87: {  	_ =	shalt  }
.Lfunc_end0:
.L_simem_size_0:
called_computation_lowered:
.L_overlay_start_0:
0x88: {  	s2 =	sld [smem:$0x3FD9]  }
0x89: {  	s3 =	sld [smem:$0x3FFE];
	_ =	sdelay $0x1  }
0x8a: {  	s1 =	srdreg.scid  }
0x8b: {  	s0 =	sand.u32 $0x1, s1  }
0x8c: {  	s15 =	sshll.u32 s0, $0xA;
	s2 =	sadd.s32 s3, s2  }
0x8d: {  	s2 =	sadd.s32 s2, s15  }
0x8e: {  	[smem:$0x3FC0] =	sst s2  }
0x8f: {  	_ = 	snop  }
0x90: {  	s2 =	sld [smem:$0x3FD0];
	_ =	sdelay $0x2  }
0x91: {  	s16 =	simm.s32 $0xB;
	s4 =	simm.s32 $0x10  }
0x92: {  	[smem:s4], [sflag:s16] =	dma.local [hbm:s2], $0x1  }
0x93: {  	_ =	swait.eq [sflag:s16], $0x1  }
0x94: {  	[sflag:s16] =	ssyncset.done $0x0  }
0x95: {  	[sflag:s16] =	ssyncadd.s32 $0xFFFFFFFF  }
0x96: {  	s17 =	sld [smem:$0x11];
	(tm) =	ssettm $0x1  }
0x97: {  	s18 =	sld [smem:$0x3FFB];
	_ =	sdelay $0x3  }
0x98: {  	_ =	strace s18  }
0x99: {  	s2 =	sld [smem:$0x3FFC];
	_ =	sdelay $0x3  }
0x9a: {  	_ =	strace s2  }
0x9b: {  	s2 =	sld [smem:$0x3FFD];
	_ =	sdelay $0x3  }
0x9c: {  	_ =	strace s2  }
0x9d: {  	_ =	strace $0x8FFFFFFF  }
0x9e: {  	s19 =	sld [smem:$0x3FDB];
	_ =	sdelay $0x1  }
0x9f: {  	s20 =	simm.s32 $_scs_section_size  }
0xa0: {  	s5 =	simm.s32 $_size__tile_overlayer_lowered;
	s6 =	simm.s32 $_tile_overlayer_lowered  }
0xa1: {  	s7 =	simm.s32 $0x1BFF;
	s21 =	sshll.u32 s6, $0x1;
	s4 =	sadd.s32 s20, s19  }
0xa2: {  	s22 =	simm.s32 $0x0;
	s5 =	sshll.u32 s5, $0x1;
	s6 =	sadd.s32 s21, s4  }
0xa3: {  	[timem:s22], [sflag:s7] =	dma.local [hbm:s6], s5  }
0xa4: {  	_ =	swait.ge [sflag:s7], s5  }
0xa5: {  	s5 =	ssub.s32 $0x0, s5;
	[sflag:s7] =	ssyncset.done $0x0  }
0xa6: {  	[sflag:s7] =	ssyncadd.s32 s5;
	_ =	sdelay $0x1  }
0xa7: {  	s23 =	simm.s32 $0x1B8B  }
0xa8: {  	_ =	swait.ge [sflag:s23], $0x1  }
0xa9: {  	[sflag:s23] =	ssyncset.done $0x0  }
0xaa: {  	[sflag:s23] =	ssyncadd.s32 $0xFFFFFFFF  }
0xab: {  	s5 =	sld [smem:$0x0]  }
0xac: {  	s6 =	sand.u32 $0xFFFFFFFE, s1  }
0xad: {  	p0 =	sne.s32 s1, s6  }
0xae: {  	s6 =	sshll.u32 @p0 s6, $0xE  }
0xaf: {  	s6 =	sadd.s32 @p0 $0x11B8D, s6;
	s7 =	sshll.u32 @p0 s5, $0x11  }
0xb0: {  	s6 =	sor.u32 @p0 s7, s6  }
0xb1: {  	[sflag:s6] =	ssyncadd.remote.s32 @p0 $0x1;
	_ =	sdelay $0x1  }
0xb2: {  	s6 =	simm.s32 @p0 $0x1B8D  }
0xb3: {  	_ =	swait.eq @p0 [sflag:s6], $0x1  }
0xb4: {  	[sflag:s6] =	ssyncadd.s32 @p0 $0xFFFFFFFF  }
0xb5: {  	s7 =	sshll.u32 @!p0 s1, $0xE  }
0xb6: {  	s7 =	sor.u32 @!p0 $0x4000, s7;
	s6 =	simm.s32 @!p0 $0x1B8D  }
0xb7: {  	s5 =	sshll.u32 @!p0 s5, $0x11;
	s7 =	sadd.s32 @!p0 $0x11B8D, s7;
	_ =	swait.eq @!p0 [sflag:s6], $0x1  }
0xb8: {  	s5 =	sor.u32 @!p0 s5, s7;
	[sflag:s6] =	ssyncadd.s32 @!p0 $0xFFFFFFFF  }
0xb9: {  	s25 =	simm.s32 $0x1B8E;
	s24 =	sld [smem:$0x3FFE];
	[sflag:s5] =	ssyncadd.remote.s32 @!p0 $0x1  }
0xba: {  	s26 =	simm.s32 $execute0_lowered;
	[smem:$0x3FD2] =	sst s25  }
0xbb: {  	s6 =	sshll.u32 s26, $0x1;
	_ =	strace $0x80000049;
	[dreg:$0x1] =	wrdreg $0xFFFFFFFF  }
0xbc: {  	s28 =	simm.s32 $_size_execute0_lowered;
	s4 =	sadd.s32 s4, s6;
	[dreg:$0x0] =	wrdreg $0x0  }
0xbd: {  	s6 =	sshll.u32 s28, $0x1;
	[dreg:$0x2] =	wrdreg s4  }
0xbe: {  	[dreg:$0x3] =	wrdreg s6  }
0xbf: {  	[dreg:$0x4] =	wrdreg $0xC0  }
0xc0: {  	_ =	task [dreg:s22], $0x5FFFF  }
0xc1: {  	[dreg:$0x1] =	wrdreg $0xFFFFFFFF  }
0xc2: {  	[dreg:$0x0] =	wrdreg $0x60  }
0xc3: {  	[dreg:$0x2] =	wrdreg s24  }
0xc4: {  	[dreg:$0x3] =	wrdreg s17  }
0xc5: {  	[dreg:$0x4] =	wrdreg $0x9  }
0xc6: {  	_ =	task.clear_ibuf [dreg:s22], $0x5FFFF;
	_ =	strace $0x90000049  }
0xc7: {  	s29 =	simm.s32 $0x9;
	_ =	strace $0x8000004B  }
0xc8: {  	_ =	swait.ge [sflag:s29], $0x1  }
0xc9: {  	[sflag:s29] =	ssyncadd.s32 $0xFFFFFFFF  }
0xca: {  	_ =	strace $0x9000004B  }
0xcb: {  	_ =	sfence  }
0xcc: {  	s30 =	sld [smem:$0x0];
	_ =	sdelay $0x2  }
0xcd: {  	s31 =	sshll.u32 s1, $0xD;
	s1 =	sshrl.u32 s1, $0x2  }
0xce: {  	s4 =	sand.u32 $0x4000, s31;
	s1 =	sadd.s32 s1, s30  }
0xcf: {  	s0 =	sor.u32 s4, s0;
	s1 =	sshll.u32 s1, $0x11  }
0xd0: {  	s0 =	sor.u32 s1, s0  }
0xd1: {  	s0 =	sadd.s32 $0x8F2B, s0  }
0xd2: {  	[sflag:s0] =	ssyncadd.remote.s32 $0x1  }
0xd3: {  	_ =	sfence.sel $0xFFFF  }
0xd4: {  	[dreg:$0x0] =	wrdreg $0xFFFFFFFF;
	(pc) =	sbr.abs _section_cstart, $3  }
0xd5: {  	[dreg:$0x1] =	wrdreg $0xFFFFFFFF  }
0xd6: {  	_ =	task.clear_ibuf [dreg:s22], $0x2FFFF;
	_ =	strace $0x9FFFFFFF  }
0xd7: {  	(tm) =	ssettm $0x7FFFFFFF  }
tec
execute0_lowered:
.L_overlay_start_1:
0x0: {  	(tag) =	ssettag $0x1  }
0x1: {  	s3 =	rddreg [dreg:$0x0]  }
0x2: {  	s1 =	srdreg.scid;
	s0 =	stileid.u32  }
0x3: {  	s4 =	rddreg [dreg:$0x1];
	s9 =	simm.s32 $0x400;
	s10 =	simm.s32 $0x0  }
0x4: {  	s5 =	sand.u32 $0x1, s1;
	s2 =	sshll.u32 s0, $0x1;
	s1 =	rddreg [dreg:$0x2]  }
0x5: {  	s7 =	sshrl.u32 s0, $0x2;
	s6 =	sor.u32 s5, s2;
	s2 =	simm.s32 $0x0  }
0x6: {  	s7 =	smul.u32 $0x13C00, s7;
	s5 =	ssub.s32 $0x2, s5;
	s8 =	sshll.u32 s6, $0x7  }
0x7: {  	[smem:$0x7FF] =	sst s2;
	s6 =	smul.u32 $0x271, s6;
	s31 =	sshrl.u32 s5, $0x1  }
0x8: {  	s8 =	sand.u32 $0x380, s8;
	_ =	strace $0x8000004A;
	s5 =	ssub.s32 s5, s31  }
0x9: {  	s7 =	sor.u32 s7, s8;
	s3 =	sadd.s32 s6, s3;
	s5 =	smax.u32 s5, $0x1  }
0xa: {  	s6 =	simm.s32 $0x2780;
	s8 =	simm.s32 $0x80;
	s7 =	sshrl.u32 s7, $0x3  }
0xb: {  	v0 =	vimm.f32 $0.0e+00;
	v1 =	vimm.f32 $1.000000000e+00;
	vm0 =	vmmov $0xff;
	s3 =	sadd.s32 $0x11000, s3;
	s4 =	sadd.s32 s4, s7;
	s7 =	simm.s32 $0x1  }
.LBB2_1:
0xc: {  	s11 =	simm.s32 $0x40;
	s12 =	simm.s32 $0x0  }
.LBB2_2:
0xd: {  	p0 =	sne.s32 s11, $0x9C00;
	[tilespmem:s12+$0x0] =	vst v0;
	s12 =	smov.u32 s11;
	s11 =	sadd.s32 $0x40, s11  }
.Ltmp0:
0xe: {  	(pc) =	sbr.rel @p0 .LBB2_2-.Ltmp0, $2  }
0xf: {  	_ =	sdelay $0x2  }
0x10: {  	s12 =	sshra.s32 s12, $0x2  }
0x11: {  	[tilespmem:s12+$0x0] =	vst v0;
	s11 =	simm.s32 $0x0  }
0x12: {  	[tilespmem:s6], [sflag:$0x1] =	stream.linear.gather [hbm4b:s3+s11], $0x1388, $0x38;
	[tilespmem:$0x3B80] =	vst v63  }
0x13: {  	_ =	swait.ge [sflag:s7], $0x1388  }
0x14: {  	[sflag:s7] =	ssyncset.done $0x0  }
0x15: {  	s12 =	simm.s32 $0x0;
	s11 =	simm.s32 $0x40;
	[sflag:s7] =	ssyncadd.s32 $0xFFFFEC78  }
.LBB2_4:
0x16: {  	p0 =	sne.s32 s11, $0x4DC0;
	v2 =	vld [tilespmem:s12+$0x2780];
	_ =	sdelay $0x3  }
.Ltmp1:
0x17: {  	(pc) =	sbr.rel @p0 .LBB2_4-.Ltmp1, $2  }
0x18: {  	_ =	sdelay $0x2  }
0x19: {  	s12 =	sshra.s32 s11, $0x2;
	s11 =	sadd.s32 $0x40, s11;
	[tilespmem:v2+s2+$0x0] =	vst.idx.add.f32.msk $0xffff, v1  }
0x1a: {  	v2 =	vld [tilespmem:s12+$0x2780];
	_ =	sdelay $0x7  }
0x1b: {  	[tilespmem:v2+s2+$0x0] =	vst.idx.add.f32.msk $0xffff, v1  }
0x1c: {  	v2 =	vld [tilespmem:$0x3B00];
	_ =	sdelay $0x4  }
0x1d: {  	v2 =	vnsel vm0, $0x0, v2;
	_ =	sdelay $0x2  }
0x1e: {  	s10 =	sadd.s32 $0x1, s10  }
0x1f: {  	p0 =	sne.s32 s10, s5  }
.Ltmp2:
0x20: {  	[tilespmem:v2+s2+$0x0] =	vst.idx.add.f32.msk $0xff, v1;
	(pc) =	sbr.rel @p0 .LBB2_1-.Ltmp2, $4  }
0x21: {  	[hbm4b:s4+s8] =	stream.strided.scatter [tilespmem:s2], [sflag:$0x1], $0x2780, s9, s8, $0x38;
	[tilespmem:$0x3B80] =	vst v63  }
0x22: {  	_ =	swait.ge [sflag:s7], $0x2780  }
0x23: {  	[sflag:s7] =	ssyncset.done $0x0  }
0x24: {  	[sflag:s7] =	ssyncadd.s32 $0xFFFFD880  }
0x25: {  	_ =	sfence.sel $0x180000  }
0x26: {  	[bflag:$0x0] =	sbarrier.arrive $0xFFFF  }
0x27: {  	p0 =	sne.s32 s0, $0x0;
	_ =	strace $0x9000004A  }
0x28: {  	s0 =	sadd.s32 @!p0 $0x100000, s1;
	[bflag:$0x2] =	sbarrier.arrive $0xFFFF  }
0x29: {  	[sflag:s0] =	ssyncadd.tile.s32 @!p0 $0x1;
	_ =	shalt  }
.Lfunc_end2:
_tile_overlayer_lowered:
.L_overlay_start_2:
0x2a: {  	(tag) =	ssettag $0x2  }
0x2b: {  	s0 =	rddreg [dreg:$0x0];
	s2 =	stileid.u32  }
0x2c: {  	s1 =	rddreg [dreg:$0x1];
	p0 =	sne.s32 s2, $0x0  }
0x2d: {  	s3 =	rddreg [dreg:$0x2];
	[bflag:$0x3] =	sbarrier.arrive $0xFFFF;
	s2 =	simm.s32 @!p0 $0x1C01  }
0x2e: {  	[timem:s3], [sflag:s2] =	dma.local @!p0 [hbm:s0], s1  }
0x2f: {  	s0 =	simm.s32 @!p0 $0x1  }
0x30: {  	_ =	swait.ge @!p0 [sflag:s0], s1  }
0x31: {  	s1 =	ssub.s32 @!p0 $0x0, s1;
	[sflag:s0] =	ssyncset.done @!p0 $0x0  }
0x32: {  	[sflag:s0] =	ssyncadd.s32 @!p0 s1  }
0x33: {  	[bflag:$0x3] =	sbarrier.arrive $0xFFFF  }
0x34: {  	_ =	shalt  }

// kernel: kernel.19.cloned.1.call-start
scs
__scs_entry_jumppad:
0x0: {  	(pc) =	sbr.rel $0x88, $3  }
0x1: {  	(tag) =	ssettag $0x0;
	lr =	simm.s32 $0x1  }
0x2: {  	[smem:$0x3F99] =	sst lr;
	_ =	strace $0xD0000000  }
0x3: {  	_ = 	snop  }
0x4: {  	_ = 	snop  }
0x5: {  	_ = 	snop  }
0x6: {  	_ = 	snop  }
0x7: {  	_ = 	snop  }
__scs_overlays_trampoline_lowered:
0x8: {  	[smem:$0x3FA8] =	sst s0  }
0x9: {  	[smem:$0x3FA9] =	sst s1  }
0xa: {  	[smem:$0x3FAA] =	sst s2  }
0xb: {  	[smem:$0x3FAB] =	sst s3  }
0xc: {  	[smem:$0x3FAC] =	sst s4  }
0xd: {  	[smem:$0x3FAD] =	sst s5  }
0xe: {  	[smem:$0x3FAE] =	sst s6  }
0xf: {  	[smem:$0x3FAF] =	sst s7  }
0x10: {  	[smem:$0x3FB0] =	sst s8  }
0x11: {  	[smem:$0x3FB1] =	sst s9;
	s0 =	simm.s32 @!p0 $0x0  }
0x12: {  	s1 =	sld [smem:$0x3F97];
	s0 =	simm.s32 @p0 $0x1  }
0x13: {  	[smem:$0x3FB2] =	sst s0;
	s0 =	simm.s32 @!p1 $0x0  }
0x14: {  	s2 =	sld [smem:$0x3F96];
	s0 =	simm.s32 @p1 $0x1  }
0x15: {  	[smem:$0x3FB3] =	sst s0;
	s0 =	simm.s32 @!p2 $0x0  }
0x16: {  	s3 =	sld [smem:$0x3FDB];
	s0 =	simm.s32 @p2 $0x1  }
0x17: {  	s4 =	simm.s32 $0x1BF5;
	[smem:$0x3FB5] =	sst s0  }
0x18: {  	s0 =	sld [smem:$0x3F98];
	_ =	swait.ge [sflag:s4], $0x0  }
0x19: {  	s7 =	sld [smem:$0x3F99]  }
0x1a: {  	s8 =	sadd.s32 $0xFFFFE003, lr  }
0x1b: {  	s9 =	sadd.s32 $0xFFFFFEF7, lr;
	s5 =	simm.s32 $0xFFFFFFFF;
	p2 =	slt.u32 s8, $0xFFFFF086  }
0x1c: {  	p1 =	slt.u32 s9, $0xF7A;
	s5 =	simm.s32 @!p2 $0x0  }
0x1d: {  	s5 =	simm.s32 @p1 $0x1;
	p0 =	seq.s32 s7, s2  }
0x1e: {  	s7 =	smul.u32 @!p0 $0xF7A, s2;
	p2 =	seq.s32 @!p0 s5, $0x0  }
0x1f: {  	s9 =	smul.u32 $0xF7A, s1;
	s8 =	simm.s32 @!p0 $0x1BF5;
	p2 =	por !p2, p0  }
0x20: {  	[sflag:s8] =	ssyncset.s32 @!p0 $0xFFFFF086;
	s6 =	sadd.s32 @!p0 s3, s7;
	s7 =	simm.s32 @!p0 $0x108  }
0x21: {  	s3 =	sadd.s32 s3, s9;
	s6 =	sadd.s32 @!p0 $0x88, s6;
	s7 =	simm.s32 @p2 $0x1082  }
0x22: {  	[simem:s7], [sflag:s8] =	dma.local @!p0 [hbm:s6], $0xF7A  }
0x23: {  	s9 =	sor.u32 $0xD0000000, s2;
	s6 =	simm.s32 $0x108;
	_ =	swait.ge @!p0 [sflag:s8], $0x0  }
0x24: {  	s3 =	sadd.s32 $0x88, s3;
	s6 =	simm.s32 @!p1 $0x1082;
	[sflag:s4] =	ssyncset.s32 $0xFFFFF086  }
0x25: {  	[simem:s6], [sflag:s4] =	dma.local [hbm:s3], $0xF7A  }
0x26: {  	[smem:$0x3F99] =	sst s1;
	(tag) =	ssettag s2;
	_ =	strace s9  }
0x27: {  	s1 =	sld [smem:$0x3FA9]  }
0x28: {  	s2 =	sld [smem:$0x3FAA]  }
0x29: {  	s4 =	sld [smem:$0x3FAC]  }
0x2a: {  	p0 =	seq.s32 s5, $0x0;
	s5 =	sld [smem:$0x3FAD]  }
0x2b: {  	s6 =	sld [smem:$0x3FAE]  }
0x2c: {  	s7 =	sld [smem:$0x3FAF]  }
0x2d: {  	s3 =	simm.s32 $0x108;
	s8 =	sld [smem:$0x3FB0]  }
0x2e: {  	s3 =	simm.s32 @!p0 $0x1082;
	s9 =	sld [smem:$0x3FB1]  }
0x2f: {  	lr =	sadd.s32 s0, s3;
	s0 =	sld [smem:$0x3FA8]  }
0x30: {  	s3 =	sld [smem:$0x3FAB]  }
0x31: {  	[smem:$0x3FB4] =	sst s10  }
0x32: {  	s10 =	sld [smem:$0x3FB2];
	_ =	sdelay $0x3  }
0x33: {  	p0 =	seq.s32 s10, $0x1;
	s10 =	sld [smem:$0x3FB4];
	_ =	sdelay $0x3  }
0x34: {  	[smem:$0x3FB4] =	sst s10  }
0x35: {  	s10 =	sld [smem:$0x3FB3];
	_ =	sdelay $0x3  }
0x36: {  	p1 =	seq.s32 s10, $0x1;
	s10 =	sld [smem:$0x3FB4];
	_ =	sdelay $0x3  }
0x37: {  	[smem:$0x3FB4] =	sst s10  }
0x38: {  	s10 =	sld [smem:$0x3FB5]  }
0x39: {  	_ = 	snop;
	(pc) =	sbr.ind lr, $3  }
0x3a: {  	_ = 	snop  }
0x3b: {  	_ = 	snop  }
0x3c: {  	p2 =	seq.s32 s10, $0x1;
	s10 =	sld [smem:$0x3FB4]  }
0x3d: {  	_ =	shalt  }
0x3e: {  	_ =	shalt  }
0x3f: {  	_ =	shalt  }
0x40: {  	_ =	shalt  }
0x41: {  	_ =	shalt  }
0x42: {  	_ =	shalt  }
0x43: {  	_ =	shalt  }
0x44: {  	_ =	shalt  }
0x45: {  	_ =	shalt  }
0x46: {  	_ =	shalt  }
0x47: {  	_ =	shalt  }
0x48: {  	_ =	shalt  }
0x49: {  	_ =	shalt  }
0x4a: {  	_ =	shalt  }
0x4b: {  	_ =	shalt  }
0x4c: {  	_ =	shalt  }
0x4d: {  	_ =	shalt  }
0x4e: {  	_ =	shalt  }
0x4f: {  	_ =	shalt  }
0x50: {  	_ =	shalt  }
0x51: {  	_ =	shalt  }
0x52: {  	_ =	shalt  }
0x53: {  	_ =	shalt  }
0x54: {  	_ =	shalt  }
0x55: {  	_ =	shalt  }
0x56: {  	_ =	shalt  }
0x57: {  	_ =	shalt  }
0x58: {  	_ =	shalt  }
0x59: {  	_ =	shalt  }
0x5a: {  	_ =	shalt  }
0x5b: {  	_ =	shalt  }
0x5c: {  	_ =	shalt  }
0x5d: {  	_ =	shalt  }
0x5e: {  	_ =	shalt  }
0x5f: {  	_ =	shalt  }
0x60: {  	_ =	shalt  }
0x61: {  	_ =	shalt  }
0x62: {  	_ =	shalt  }
0x63: {  	_ =	shalt  }
0x64: {  	_ =	shalt  }
0x65: {  	_ =	shalt  }
0x66: {  	_ =	shalt  }
0x67: {  	_ =	shalt  }
0x68: {  	_ =	shalt  }
0x69: {  	_ =	shalt  }
0x6a: {  	_ =	shalt  }
0x6b: {  	_ =	shalt  }
0x6c: {  	_ =	shalt  }
0x6d: {  	_ =	shalt  }
0x6e: {  	_ =	shalt  }
0x6f: {  	_ =	shalt  }
0x70: {  	_ =	shalt  }
0x71: {  	_ =	shalt  }
0x72: {  	_ =	shalt  }
0x73: {  	_ =	shalt  }
0x74: {  	_ =	shalt  }
0x75: {  	_ =	shalt  }
0x76: {  	_ =	shalt  }
0x77: {  	_ =	shalt  }
0x78: {  	_ =	shalt  }
0x79: {  	_ =	shalt  }
0x7a: {  	_ =	shalt  }
0x7b: {  	_ =	shalt  }
0x7c: {  	_ =	shalt  }
0x7d: {  	_ =	shalt  }
0x7e: {  	_ =	shalt  }
0x7f: {  	_ =	shalt  }
0x80: {  	_ =	shalt  }
0x81: {  	_ =	shalt  }
0x82: {  	_ =	shalt  }
0x83: {  	_ =	shalt  }
0x84: {  	_ =	shalt  }
0x85: {  	_ =	shalt  }
0x86: {  	_ =	shalt  }
0x87: {  	_ =	shalt  }
.Lfunc_end0:
.L_simem_size_0:
called_computation.1_lowered:
.L_overlay_start_0:
0x88: {  	s2 =	sld [smem:$0x3FD9]  }
0x89: {  	s3 =	sld [smem:$0x3FFE];
	_ =	sdelay $0x1  }
0x8a: {  	s1 =	srdreg.scid  }
0x8b: {  	s0 =	sand.u32 $0x1, s1  }
0x8c: {  	s15 =	sshll.u32 s0, $0xA;
	s2 =	sadd.s32 s3, s2  }
0x8d: {  	s2 =	sadd.s32 s2, s15  }
0x8e: {  	[smem:$0x3FC0] =	sst s2  }
0x8f: {  	_ = 	snop  }
0x90: {  	s2 =	sld [smem:$0x3FD0];
	_ =	sdelay $0x2  }
0x91: {  	s16 =	simm.s32 $0xB;
	s4 =	simm.s32 $0x10  }
0x92: {  	[smem:s4], [sflag:s16] =	dma.local [hbm:s2], $0x1  }
0x93: {  	_ =	swait.eq [sflag:s16], $0x1  }
0x94: {  	[sflag:s16] =	ssyncset.done $0x0  }
0x95: {  	[sflag:s16] =	ssyncadd.s32 $0xFFFFFFFF  }
0x96: {  	s17 =	sld [smem:$0x11];
	(tm) =	ssettm $0x1  }
0x97: {  	s18 =	sld [smem:$0x3FFB];
	_ =	sdelay $0x3  }
0x98: {  	_ =	strace s18  }
0x99: {  	s2 =	sld [smem:$0x3FFC];
	_ =	sdelay $0x3  }
0x9a: {  	_ =	strace s2  }
0x9b: {  	s2 =	sld [smem:$0x3FFD];
	_ =	sdelay $0x3  }
0x9c: {  	_ =	strace s2  }
0x9d: {  	_ =	strace $0x8FFFFFFF  }
0x9e: {  	s19 =	sld [smem:$0x3FDB];
	_ =	sdelay $0x1  }
0x9f: {  	s20 =	simm.s32 $_scs_section_size  }
0xa0: {  	s5 =	simm.s32 $_size__tile_overlayer_lowered;
	s6 =	simm.s32 $_tile_overlayer_lowered  }
0xa1: {  	s7 =	simm.s32 $0x1BFF;
	s21 =	sshll.u32 s6, $0x1;
	s4 =	sadd.s32 s20, s19  }
0xa2: {  	s22 =	simm.s32 $0x0;
	s5 =	sshll.u32 s5, $0x1;
	s6 =	sadd.s32 s21, s4  }
0xa3: {  	[timem:s22], [sflag:s7] =	dma.local [hbm:s6], s5  }
0xa4: {  	_ =	swait.ge [sflag:s7], s5  }
0xa5: {  	s5 =	ssub.s32 $0x0, s5;
	[sflag:s7] =	ssyncset.done $0x0  }
0xa6: {  	[sflag:s7] =	ssyncadd.s32 s5;
	_ =	sdelay $0x1  }
0xa7: {  	s23 =	simm.s32 $0x1B8B  }
0xa8: {  	_ =	swait.ge [sflag:s23], $0x1  }
0xa9: {  	[sflag:s23] =	ssyncset.done $0x0  }
0xaa: {  	[sflag:s23] =	ssyncadd.s32 $0xFFFFFFFF  }
0xab: {  	s5 =	sld [smem:$0x0]  }
0xac: {  	s6 =	sand.u32 $0xFFFFFFFE, s1  }
0xad: {  	p0 =	sne.s32 s1, s6  }
0xae: {  	s6 =	sshll.u32 @p0 s6, $0xE  }
0xaf: {  	s6 =	sadd.s32 @p0 $0x11B8D, s6;
	s7 =	sshll.u32 @p0 s5, $0x11  }
0xb0: {  	s6 =	sor.u32 @p0 s7, s6  }
0xb1: {  	[sflag:s6] =	ssyncadd.remote.s32 @p0 $0x1;
	_ =	sdelay $0x1  }
0xb2: {  	s6 =	simm.s32 @p0 $0x1B8D  }
0xb3: {  	_ =	swait.eq @p0 [sflag:s6], $0x1  }
0xb4: {  	[sflag:s6] =	ssyncadd.s32 @p0 $0xFFFFFFFF  }
0xb5: {  	s7 =	sshll.u32 @!p0 s1, $0xE  }
0xb6: {  	s7 =	sor.u32 @!p0 $0x4000, s7;
	s6 =	simm.s32 @!p0 $0x1B8D  }
0xb7: {  	s5 =	sshll.u32 @!p0 s5, $0x11;
	s7 =	sadd.s32 @!p0 $0x11B8D, s7;
	_ =	swait.eq @!p0 [sflag:s6], $0x1  }
0xb8: {  	s5 =	sor.u32 @!p0 s5, s7;
	[sflag:s6] =	ssyncadd.s32 @!p0 $0xFFFFFFFF  }
0xb9: {  	s25 =	simm.s32 $0x1B8E;
	s24 =	sld [smem:$0x3FFE];
	[sflag:s5] =	ssyncadd.remote.s32 @!p0 $0x1  }
0xba: {  	s26 =	simm.s32 $execute0_lowered;
	[smem:$0x3FD2] =	sst s25  }
0xbb: {  	s6 =	sshll.u32 s26, $0x1;
	_ =	strace $0x8000004F;
	[dreg:$0x1] =	wrdreg $0xFFFFFFFF  }
0xbc: {  	s28 =	simm.s32 $_size_execute0_lowered;
	s4 =	sadd.s32 s4, s6;
	[dreg:$0x0] =	wrdreg $0x0  }
0xbd: {  	s6 =	sshll.u32 s28, $0x1;
	[dreg:$0x2] =	wrdreg s4  }
0xbe: {  	[dreg:$0x3] =	wrdreg s6  }
0xbf: {  	[dreg:$0x4] =	wrdreg $0xC0  }
0xc0: {  	_ =	task [dreg:s22], $0x5FFFF  }
0xc1: {  	[dreg:$0x1] =	wrdreg $0xFFFFFFFF  }
0xc2: {  	[dreg:$0x0] =	wrdreg $0x60  }
0xc3: {  	[dreg:$0x2] =	wrdreg s17  }
0xc4: {  	[dreg:$0x3] =	wrdreg s24  }
0xc5: {  	[dreg:$0x4] =	wrdreg $0x29800  }
0xc6: {  	[dreg:$0x5] =	wrdreg $0x9  }
0xc7: {  	_ =	task.clear_ibuf [dreg:s22], $0x6FFFF;
	_ =	strace $0x9000004F  }
0xc8: {  	s29 =	simm.s32 $0x9;
	_ =	strace $0x80000051  }
0xc9: {  	_ =	swait.ge [sflag:s29], $0x1  }
0xca: {  	[sflag:s29] =	ssyncadd.s32 $0xFFFFFFFF  }
0xcb: {  	_ =	strace $0x90000051  }
0xcc: {  	_ =	sfence  }
0xcd: {  	s30 =	sld [smem:$0x0];
	_ =	sdelay $0x2  }
0xce: {  	s31 =	sshll.u32 s1, $0xD;
	s1 =	sshrl.u32 s1, $0x2  }
0xcf: {  	s4 =	sand.u32 $0x4000, s31;
	s1 =	sadd.s32 s1, s30  }
0xd0: {  	s0 =	sor.u32 s4, s0;
	s1 =	sshll.u32 s1, $0x11  }
0xd1: {  	s0 =	sor.u32 s1, s0  }
0xd2: {  	s0 =	sadd.s32 $0x8F2B, s0  }
0xd3: {  	[sflag:s0] =	ssyncadd.remote.s32 $0x1  }
0xd4: {  	_ =	sfence.sel $0xFFFF  }
0xd5: {  	[dreg:$0x0] =	wrdreg $0xFFFFFFFF;
	(pc) =	sbr.abs _section_cstart, $3  }
0xd6: {  	[dreg:$0x1] =	wrdreg $0xFFFFFFFF  }
0xd7: {  	_ =	task.clear_ibuf [dreg:s22], $0x2FFFF;
	_ =	strace $0x9FFFFFFF  }
0xd8: {  	(tm) =	ssettm $0x7FFFFFFF  }
0xd9: {  	_ =	shalt  }
tec
execute0_lowered:
.L_overlay_start_1:
0x0: {  	(tag) =	ssettag $0x1  }
0x1: {  	s2 =	rddreg [dreg:$0x0]  }
0x2: {  	s6 =	rddreg [dreg:$0x1]  }
0x3: {  	s3 =	rddreg [dreg:$0x2]  }
0x4: {  	s0 =	rddreg [dreg:$0x3]  }
0x5: {  	s1 =	stileid.u32;
	s7 =	srdreg.scid  }
0x6: {  	s4 =	simm.s32 $0x0;
	s14 =	simm.s32 $0x2;
	s15 =	simm.s32 $0x80  }
0x7: {  	s16 =	simm.s32 $0x50;
	s17 =	simm.s32 $0x100;
	s5 =	smul.u32 $0x4E2, s1  }
0x8: {  	s19 =	simm.s32 $0x1;
	s20 =	simm.s32 $0x0;
	s8 =	smul.u32 $0x4E000, s1  }
0x9: {  	s7 =	sand.u32 $0x1, s7;
	[smem:$0x7FF] =	sst s4;
	s10 =	smul.u32 $0x270, s1  }
0xa: {  	p0 =	seq.s32 s1, $0xF;
	s18 =	smul.u32 $0x2710, s7;
	_ =	strace $0x80000050  }
0xb: {  	s9 =	ssub.s32 $0x2, s7;
	s7 =	smul.u32 $0x138800, s7;
	s11 =	sadd.s32 s5, s6  }
0xc: {  	s12 =	sshrl.u32 s9, $0x1;
	s5 =	sadd.s32 $0x16000, s6;
	s6 =	sadd.s32 $0x66A00, s6  }
0xd: {  	s8 =	sshrl.u32 s8, $0x2;
	s9 =	ssub.s32 s9, s12;
	s10 =	sadd.s32 s10, s18  }
0xe: {  	s7 =	sshrl.u32 s7, $0x3;
	s13 =	sadd.s32 s8, s3;
	s12 =	sadd.s32 $0x124800, s3  }
0xf: {  	v0 =	vmov s18;
	s18 =	simm.s32 $0x180;
	s31 =	sshll.u32 s10, $0x4;
	s7 =	sadd.s32 s6, s7  }
0x10: {  	s8 =	smax.u32 s9, $0x1;
	s9 =	sadd.s32 $0x11000, s11;
	s10 =	sadd.s32 $0xC000, s11  }
0x11: {  	s11 =	sshrl.u32 @p0 s12, $0x3;
	s12 =	sshll.u32 @!p0 s1, $0x6;
	s13 =	sshrl.u32 @!p0 s13, $0x3  }
0x12: {  	s6 =	sadd.s32 s6, s31;
	s7 =	sadd.s32 $0x24900, s7;
	s12 =	sor.u32 @!p0 $0x1C02, s12  }
.LBB2_1:
0x13: {  	s21 =	simm.s32 @p0 $0x1FC2  }
0x14: {  	[spmem:s11], [sflag:s21] =	dma.local @p0 [hbm:s5], $0x2800  }
0x15: {  	s21 =	simm.s32 @p0 $0x2  }
0x16: {  	_ =	swait.ge @p0 [sflag:s21], $0x2800  }
0x17: {  	[sflag:s21] =	ssyncset.done @p0 $0x0  }
0x18: {  	[sflag:s21] =	ssyncadd.s32 @p0 $0xFFFFD800;
	s21 =	simm.s32 @!p0 $0x2  }
0x19: {  	[spmem:s13], [sflag:s12] =	dma.local @!p0 [hbm:s5], $0x2700  }
0x1a: {  	_ =	swait.ge @!p0 [sflag:s21], $0x2700  }
0x1b: {  	[sflag:s21] =	ssyncset.done @!p0 $0x0  }
0x1c: {  	[sflag:s21] =	ssyncadd.s32 @!p0 $0xFFFFD900  }
0x1d: {  	s30 =	sadd.s32 $0x0, s10;
	[bflag:$0x0] =	sbarrier.arrive $0xFFFF  }
0x1e: {  	[tilespmem:s4], [sflag:$0x2] =	stream.linear.gather [hbm4b:s30+s4], $0x50, $0x38;
	[tilespmem:$0x16200] =	vst v63  }
0x1f: {  	_ =	swait.ge [sflag:s14], $0x50  }
0x20: {  	[sflag:s14] =	ssyncset.done $0x0  }
0x21: {  	s31 =	sadd.s32 $0x0, s9;
	[sflag:s14] =	ssyncadd.s32 $0xFFFFFFB0  }
0x22: {  	[tilespmem:s15], [sflag:$0x2] =	stream.linear.gather [hbm4b:s31+s4], $0x50, $0x38;
	[tilespmem:$0x16200] =	vst v63  }
0x23: {  	_ =	swait.ge [sflag:s14], $0x50  }
0x24: {  	[sflag:s14] =	ssyncset.done $0x0  }
0x25: {  	[sflag:s14] =	ssyncadd.s32 $0xFFFFFFB0  }
0x26: {  	v1 =	vld [tilespmem:$0x40]  }
0x27: {  	v2 =	vld [tilespmem:$0x20]  }
0x28: {  	v3 =	vld [tilespmem:$0x30]  }
0x29: {  	v4 =	vld [tilespmem:$0x10]  }
0x2a: {  	v5 =	vld [tilespmem:$0x0]  }
0x2b: {  	v1 =	vadd.s32 v0, v1  }
0x2c: {  	v2 =	vadd.s32 v0, v2;
	[tilespmem:$0x140] =	vst v1  }
0x2d: {  	[tilespmem:$0x120] =	vst v2;
	v1 =	vadd.s32 v0, v3  }
0x2e: {  	v2 =	vadd.s32 v0, v4;
	[tilespmem:$0x130] =	vst v1  }
0x2f: {  	v1 =	vadd.s32 v0, v5;
	[tilespmem:$0x110] =	vst v2  }
0x30: {  	[tilespmem:$0x100] =	vst v1  }
0x31: {  	[tilespmem:s18], [sflag:$0x1] =	stream.indirect.gather [hbm4b:s2+s16], $0x80, s17, s16, $0xb8;
	[tilespmem:$0x16200] =	vst v63  }
0x32: {  	_ =	swait.ge [sflag:s19], $0x2800  }
0x33: {  	s21 =	simm.s32 $0xA;
	[sflag:s19] =	ssyncset.done $0x0  }
.LBB2_2:
0x34: {  	p1 =	sne.s32 s21, $0x4D8  }
0x35: {  	[sflag:s19] =	ssyncadd.s32 $0xFFFFD800;
	s22 =	smov.u32 s21;
	s21 =	sadd.s32 $0xA, s21  }
0x36: {  	[spmem:s3] =	stream.indirect.scatter.add.f32 [tilespmem:s18], [sflag:$0x2], $0x80, s15, s16, $0xb8;
	[tilespmem:$0x16200] =	vst v63  }
0x37: {  	_ =	swait.ge [sflag:s14], $0x2800  }
0x38: {  	[sflag:s14] =	ssyncset.done $0x0  }
0x39: {  	s23 =	sadd.s32 s22, s10;
	[sflag:s14] =	ssyncadd.s32 $0xFFFFD800  }
0x3a: {  	[tilespmem:s4], [sflag:$0x2] =	stream.linear.gather [hbm4b:s23+s4], $0x50, $0x38;
	[tilespmem:$0x16200] =	vst v63  }
0x3b: {  	_ =	swait.ge [sflag:s14], $0x50  }
0x3c: {  	[sflag:s14] =	ssyncset.done $0x0  }
0x3d: {  	s22 =	sadd.s32 s22, s9;
	[sflag:s14] =	ssyncadd.s32 $0xFFFFFFB0  }
0x3e: {  	[tilespmem:s15], [sflag:$0x2] =	stream.linear.gather [hbm4b:s22+s4], $0x50, $0x38;
	[tilespmem:$0x16200] =	vst v63  }
0x3f: {  	_ =	swait.ge [sflag:s14], $0x50  }
0x40: {  	[sflag:s14] =	ssyncset.done $0x0  }
0x41: {  	[sflag:s14] =	ssyncadd.s32 $0xFFFFFFB0  }
0x42: {  	v1 =	vld [tilespmem:$0x40]  }
0x43: {  	v2 =	vld [tilespmem:$0x20]  }
0x44: {  	v3 =	vld [tilespmem:$0x30]  }
0x45: {  	v4 =	vld [tilespmem:$0x10]  }
0x46: {  	v5 =	vld [tilespmem:$0x0]  }
0x47: {  	v1 =	vadd.s32 v0, v1  }
0x48: {  	v2 =	vadd.s32 v0, v2;
	[tilespmem:$0x140] =	vst v1  }
0x49: {  	[tilespmem:$0x120] =	vst v2;
	v1 =	vadd.s32 v0, v3  }
0x4a: {  	v2 =	vadd.s32 v0, v4;
	[tilespmem:$0x130] =	vst v1  }
.Ltmp0:
0x4b: {  	v1 =	vadd.s32 v0, v5;
	[tilespmem:$0x110] =	vst v2;
	(pc) =	sbr.rel @p1 .LBB2_2-.Ltmp0, $4  }
0x4c: {  	[tilespmem:$0x100] =	vst v1  }
0x4d: {  	[tilespmem:s18], [sflag:$0x1] =	stream.indirect.gather [hbm4b:s2+s16], $0x80, s17, s16, $0xb8;
	[tilespmem:$0x16200] =	vst v63  }
0x4e: {  	_ =	swait.ge [sflag:s19], $0x2800  }
0x4f: {  	[sflag:s19] =	ssyncset.done $0x0  }
0x50: {  	[sflag:s19] =	ssyncadd.s32 $0xFFFFD800  }
0x51: {  	[spmem:s3] =	stream.indirect.scatter.add.f32 [tilespmem:s18], [sflag:$0x2], $0x80, s15, s16, $0xb8;
	[tilespmem:$0x16200] =	vst v63  }
0x52: {  	_ =	swait.ge [sflag:s14], $0x2800  }
0x53: {  	[sflag:s14] =	ssyncset.done $0x0  }
0x54: {  	[sflag:s14] =	ssyncadd.s32 $0xFFFFD800  }
0x55: {  	s21 =	simm.s32 @p0 $0x1FC2;
	[bflag:$0x0] =	sbarrier.arrive $0xFFFF  }
0x56: {  	[hbm:s7], [sflag:s21] =	dma.local @p0 [spmem:s11], $0x2800  }
0x57: {  	s21 =	simm.s32 @p0 $0x2  }
0x58: {  	s20 =	sadd.s32 $0x1, s20;
	_ =	swait.ge @p0 [sflag:s21], $0x2800  }
0x59: {  	p1 =	sne.s32 s20, s8;
	[sflag:s21] =	ssyncset.done @p0 $0x0  }
.Ltmp1:
0x5a: {  	[sflag:s21] =	ssyncadd.s32 @p0 $0xFFFFD800;
	s21 =	simm.s32 @!p0 $0x2;
	(pc) =	sbr.rel @p1 .LBB2_1-.Ltmp1, $4  }
0x5b: {  	[hbm:s6], [sflag:s12] =	dma.local @!p0 [spmem:s13], $0x2700  }
0x5c: {  	_ =	swait.ge @!p0 [sflag:s21], $0x2700  }
0x5d: {  	[sflag:s21] =	ssyncset.done @!p0 $0x0  }
0x5e: {  	[sflag:s21] =	ssyncadd.s32 @!p0 $0xFFFFD900  }
0x5f: {  	_ =	sfence.sel $0x180000  }
0x60: {  	[bflag:$0x0] =	sbarrier.arrive $0xFFFF  }
0x61: {  	p0 =	sne.s32 s1, $0x0;
	_ =	strace $0x90000050  }
0x62: {  	s0 =	sadd.s32 @!p0 $0x100000, s0;
	[bflag:$0x2] =	sbarrier.arrive $0xFFFF  }
0x63: {  	[sflag:s0] =	ssyncadd.tile.s32 @!p0 $0x1;
	_ =	shalt  }
.Lfunc_end2:
_tile_overlayer_lowered:
.L_overlay_start_2:
0x64: {  	(tag) =	ssettag $0x2  }
0x65: {  	s0 =	rddreg [dreg:$0x0];
	s2 =	stileid.u32  }
0x66: {  	s1 =	rddreg [dreg:$0x1];
	p0 =	sne.s32 s2, $0x0  }
0x67: {  	s3 =	rddreg [dreg:$0x2];
	[bflag:$0x3] =	sbarrier.arrive $0xFFFF;
	s2 =	simm.s32 @!p0 $0x1C02  }
0x68: {  	[timem:s3], [sflag:s2] =	dma.local @!p0 [hbm:s0], s1  }
0x69: {  	s0 =	simm.s32 @!p0 $0x2  }
0x6a: {  	_ =	swait.ge @!p0 [sflag:s0], s1  }
0x6b: {  	s1 =	ssub.s32 @!p0 $0x0, s1;
	[sflag:s0] =	ssyncset.done @!p0 $0x0  }
0x6c: {  	[sflag:s0] =	ssyncadd.s32 @!p0 s1  }
0x6d: {  	[bflag:$0x3] =	sbarrier.arrive $0xFFFF  }
0x6e: {  	_ =	shalt  }

// kernel: kernel.22.cloned.1.call-start
scs
__scs_entry_jumppad:
0x0: {  	(pc) =	sbr.rel $0x88, $3  }
0x1: {  	(tag) =	ssettag $0x0;
	lr =	simm.s32 $0x1  }
0x2: {  	[smem:$0x3F99] =	sst lr;
	_ =	strace $0xD0000000  }
0x3: {  	_ = 	snop  }
0x4: {  	_ = 	snop  }
0x5: {  	_ = 	snop  }
0x6: {  	_ = 	snop  }
0x7: {  	_ = 	snop  }
__scs_overlays_trampoline_lowered:
0x8: {  	[smem:$0x3FA8] =	sst s0  }
0x9: {  	[smem:$0x3FA9] =	sst s1  }
0xa: {  	[smem:$0x3FAA] =	sst s2  }
0xb: {  	[smem:$0x3FAB] =	sst s3  }
0xc: {  	[smem:$0x3FAC] =	sst s4  }
0xd: {  	[smem:$0x3FAD] =	sst s5  }
0xe: {  	[smem:$0x3FAE] =	sst s6  }
0xf: {  	[smem:$0x3FAF] =	sst s7  }
0x10: {  	[smem:$0x3FB0] =	sst s8  }
0x11: {  	[smem:$0x3FB1] =	sst s9;
	s0 =	simm.s32 @!p0 $0x0  }
0x12: {  	s1 =	sld [smem:$0x3F97];
	s0 =	simm.s32 @p0 $0x1  }
0x13: {  	[smem:$0x3FB2] =	sst s0;
	s0 =	simm.s32 @!p1 $0x0  }
0x14: {  	s2 =	sld [smem:$0x3F96];
	s0 =	simm.s32 @p1 $0x1  }
0x15: {  	[smem:$0x3FB3] =	sst s0;
	s0 =	simm.s32 @!p2 $0x0  }
0x16: {  	s3 =	sld [smem:$0x3FDB];
	s0 =	simm.s32 @p2 $0x1  }
0x17: {  	s4 =	simm.s32 $0x1BF5;
	[smem:$0x3FB5] =	sst s0  }
0x18: {  	s0 =	sld [smem:$0x3F98];
	_ =	swait.ge [sflag:s4], $0x0  }
0x19: {  	s7 =	sld [smem:$0x3F99]  }
0x1a: {  	s8 =	sadd.s32 $0xFFFFE003, lr  }
0x1b: {  	s9 =	sadd.s32 $0xFFFFFEF7, lr;
	s5 =	simm.s32 $0xFFFFFFFF;
	p2 =	slt.u32 s8, $0xFFFFF086  }
0x1c: {  	p1 =	slt.u32 s9, $0xF7A;
	s5 =	simm.s32 @!p2 $0x0  }
0x1d: {  	s5 =	simm.s32 @p1 $0x1;
	p0 =	seq.s32 s7, s2  }
0x1e: {  	s7 =	smul.u32 @!p0 $0xF7A, s2;
	p2 =	seq.s32 @!p0 s5, $0x0  }
0x1f: {  	s9 =	smul.u32 $0xF7A, s1;
	s8 =	simm.s32 @!p0 $0x1BF5;
	p2 =	por !p2, p0  }
0x20: {  	[sflag:s8] =	ssyncset.s32 @!p0 $0xFFFFF086;
	s6 =	sadd.s32 @!p0 s3, s7;
	s7 =	simm.s32 @!p0 $0x108  }
0x21: {  	s3 =	sadd.s32 s3, s9;
	s6 =	sadd.s32 @!p0 $0x88, s6;
	s7 =	simm.s32 @p2 $0x1082  }
0x22: {  	[simem:s7], [sflag:s8] =	dma.local @!p0 [hbm:s6], $0xF7A  }
0x23: {  	s9 =	sor.u32 $0xD0000000, s2;
	s6 =	simm.s32 $0x108;
	_ =	swait.ge @!p0 [sflag:s8], $0x0  }
0x24: {  	s3 =	sadd.s32 $0x88, s3;
	s6 =	simm.s32 @!p1 $0x1082;
	[sflag:s4] =	ssyncset.s32 $0xFFFFF086  }
0x25: {  	[simem:s6], [sflag:s4] =	dma.local [hbm:s3], $0xF7A  }
0x26: {  	[smem:$0x3F99] =	sst s1;
	(tag) =	ssettag s2;
	_ =	strace s9  }
0x27: {  	s1 =	sld [smem:$0x3FA9]  }
0x28: {  	s2 =	sld [smem:$0x3FAA]  }
0x29: {  	s4 =	sld [smem:$0x3FAC]  }
0x2a: {  	p0 =	seq.s32 s5, $0x0;
	s5 =	sld [smem:$0x3FAD]  }
0x2b: {  	s6 =	sld [smem:$0x3FAE]  }
0x2c: {  	s7 =	sld [smem:$0x3FAF]  }
0x2d: {  	s3 =	simm.s32 $0x108;
	s8 =	sld [smem:$0x3FB0]  }
0x2e: {  	s3 =	simm.s32 @!p0 $0x1082;
	s9 =	sld [smem:$0x3FB1]  }
0x2f: {  	lr =	sadd.s32 s0, s3;
	s0 =	sld [smem:$0x3FA8]  }
0x30: {  	s3 =	sld [smem:$0x3FAB]  }
0x31: {  	[smem:$0x3FB4] =	sst s10  }
0x32: {  	s10 =	sld [smem:$0x3FB2];
	_ =	sdelay $0x3  }
0x33: {  	p0 =	seq.s32 s10, $0x1;
	s10 =	sld [smem:$0x3FB4];
	_ =	sdelay $0x3  }
0x34: {  	[smem:$0x3FB4] =	sst s10  }
0x35: {  	s10 =	sld [smem:$0x3FB3];
	_ =	sdelay $0x3  }
0x36: {  	p1 =	seq.s32 s10, $0x1;
	s10 =	sld [smem:$0x3FB4];
	_ =	sdelay $0x3  }
0x37: {  	[smem:$0x3FB4] =	sst s10  }
0x38: {  	s10 =	sld [smem:$0x3FB5]  }
0x39: {  	_ = 	snop;
	(pc) =	sbr.ind lr, $3  }
0x3a: {  	_ = 	snop  }
0x3b: {  	_ = 	snop  }
0x3c: {  	p2 =	seq.s32 s10, $0x1;
	s10 =	sld [smem:$0x3FB4]  }
0x3d: {  	_ =	shalt  }
0x3e: {  	_ =	shalt  }
0x3f: {  	_ =	shalt  }
0x40: {  	_ =	shalt  }
0x41: {  	_ =	shalt  }
0x42: {  	_ =	shalt  }
0x43: {  	_ =	shalt  }
0x44: {  	_ =	shalt  }
0x45: {  	_ =	shalt  }
0x46: {  	_ =	shalt  }
0x47: {  	_ =	shalt  }
0x48: {  	_ =	shalt  }
0x49: {  	_ =	shalt  }
0x4a: {  	_ =	shalt  }
0x4b: {  	_ =	shalt  }
0x4c: {  	_ =	shalt  }
0x4d: {  	_ =	shalt  }
0x4e: {  	_ =	shalt  }
0x4f: {  	_ =	shalt  }
0x50: {  	_ =	shalt  }
0x51: {  	_ =	shalt  }
0x52: {  	_ =	shalt  }
0x53: {  	_ =	shalt  }
0x54: {  	_ =	shalt  }
0x55: {  	_ =	shalt  }
0x56: {  	_ =	shalt  }
0x57: {  	_ =	shalt  }
0x58: {  	_ =	shalt  }
0x59: {  	_ =	shalt  }
0x5a: {  	_ =	shalt  }
0x5b: {  	_ =	shalt  }
0x5c: {  	_ =	shalt  }
0x5d: {  	_ =	shalt  }
0x5e: {  	_ =	shalt  }
0x5f: {  	_ =	shalt  }
0x60: {  	_ =	shalt  }
0x61: {  	_ =	shalt  }
0x62: {  	_ =	shalt  }
0x63: {  	_ =	shalt  }
0x64: {  	_ =	shalt  }
0x65: {  	_ =	shalt  }
0x66: {  	_ =	shalt  }
0x67: {  	_ =	shalt  }
0x68: {  	_ =	shalt  }
0x69: {  	_ =	shalt  }
0x6a: {  	_ =	shalt  }
0x6b: {  	_ =	shalt  }
0x6c: {  	_ =	shalt  }
0x6d: {  	_ =	shalt  }
0x6e: {  	_ =	shalt  }
0x6f: {  	_ =	shalt  }
0x70: {  	_ =	shalt  }
0x71: {  	_ =	shalt  }
0x72: {  	_ =	shalt  }
0x73: {  	_ =	shalt  }
0x74: {  	_ =	shalt  }
0x75: {  	_ =	shalt  }
0x76: {  	_ =	shalt  }
0x77: {  	_ =	shalt  }
0x78: {  	_ =	shalt  }
0x79: {  	_ =	shalt  }
0x7a: {  	_ =	shalt  }
0x7b: {  	_ =	shalt  }
0x7c: {  	_ =	shalt  }
0x7d: {  	_ =	shalt  }
0x7e: {  	_ =	shalt  }
0x7f: {  	_ =	shalt  }
0x80: {  	_ =	shalt  }
0x81: {  	_ =	shalt  }
0x82: {  	_ =	shalt  }
0x83: {  	_ =	shalt  }
0x84: {  	_ =	shalt  }
0x85: {  	_ =	shalt  }
0x86: {  	_ =	shalt  }
0x87: {  	_ =	shalt  }
.Lfunc_end0:
.L_simem_size_0:
called_computation.2_lowered:
.L_overlay_start_0:
0x88: {  	s2 =	sld [smem:$0x3FD9]  }
0x89: {  	s3 =	sld [smem:$0x3FFE];
	_ =	sdelay $0x1  }
0x8a: {  	s1 =	srdreg.scid  }
0x8b: {  	s0 =	sand.u32 $0x1, s1  }
0x8c: {  	s17 =	sshll.u32 s0, $0xA;
	s2 =	sadd.s32 s3, s2  }
0x8d: {  	s2 =	sadd.s32 s2, s17  }
0x8e: {  	[smem:$0x3FC0] =	sst s2  }
0x8f: {  	_ = 	snop  }
0x90: {  	(tm) =	ssettm $0x1  }
0x91: {  	s18 =	sld [smem:$0x3FFB];
	_ =	sdelay $0x3  }
0x92: {  	_ =	strace s18  }
0x93: {  	s2 =	sld [smem:$0x3FFC];
	_ =	sdelay $0x3  }
0x94: {  	_ =	strace s2  }
0x95: {  	s2 =	sld [smem:$0x3FFD];
	_ =	sdelay $0x3  }
0x96: {  	_ =	strace s2  }
0x97: {  	_ =	strace $0x8FFFFFFF  }
0x98: {  	s19 =	sld [smem:$0x3FDB];
	_ =	sdelay $0x1  }
0x99: {  	s20 =	simm.s32 $_scs_section_size  }
0x9a: {  	s4 =	simm.s32 $_size__tile_overlayer_lowered;
	s5 =	simm.s32 $_tile_overlayer_lowered  }
0x9b: {  	s6 =	simm.s32 $0x1BFF;
	s21 =	sshll.u32 s5, $0x1;
	s3 =	sadd.s32 s20, s19  }
0x9c: {  	s22 =	simm.s32 $0x0;
	s4 =	sshll.u32 s4, $0x1;
	s5 =	sadd.s32 s21, s3  }
0x9d: {  	[timem:s22], [sflag:s6] =	dma.local [hbm:s5], s4  }
0x9e: {  	_ =	swait.ge [sflag:s6], s4  }
0x9f: {  	s4 =	ssub.s32 $0x0, s4;
	[sflag:s6] =	ssyncset.done $0x0  }
0xa0: {  	[sflag:s6] =	ssyncadd.s32 s4;
	_ =	sdelay $0x1  }
0xa1: {  	s23 =	simm.s32 $0x1B8B  }
0xa2: {  	_ =	swait.ge [sflag:s23], $0x1  }
0xa3: {  	[sflag:s23] =	ssyncset.done $0x0  }
0xa4: {  	[sflag:s23] =	ssyncadd.s32 $0xFFFFFFFF  }
0xa5: {  	s4 =	sld [smem:$0x0]  }
0xa6: {  	s5 =	sand.u32 $0xFFFFFFFE, s1  }
0xa7: {  	p0 =	sne.s32 s1, s5  }
0xa8: {  	s5 =	sshll.u32 @p0 s5, $0xE  }
0xa9: {  	s5 =	sadd.s32 @p0 $0x11B8D, s5;
	s6 =	sshll.u32 @p0 s4, $0x11  }
0xaa: {  	s5 =	sor.u32 @p0 s6, s5  }
0xab: {  	[sflag:s5] =	ssyncadd.remote.s32 @p0 $0x1;
	_ =	sdelay $0x1  }
0xac: {  	s5 =	simm.s32 @p0 $0x1B8D  }
0xad: {  	_ =	swait.eq @p0 [sflag:s5], $0x1  }
0xae: {  	[sflag:s5] =	ssyncadd.s32 @p0 $0xFFFFFFFF  }
0xaf: {  	s6 =	sshll.u32 @!p0 s1, $0xE  }
0xb0: {  	s6 =	sor.u32 @!p0 $0x4000, s6;
	s5 =	simm.s32 @!p0 $0x1B8D  }
0xb1: {  	s4 =	sshll.u32 @!p0 s4, $0x11;
	s6 =	sadd.s32 @!p0 $0x11B8D, s6;
	_ =	swait.eq @!p0 [sflag:s5], $0x1  }
0xb2: {  	s4 =	sor.u32 @!p0 s4, s6;
	[sflag:s5] =	ssyncadd.s32 @!p0 $0xFFFFFFFF  }
0xb3: {  	s25 =	simm.s32 $0x1B8E;
	s24 =	sld [smem:$0x3FFE];
	[sflag:s4] =	ssyncadd.remote.s32 @!p0 $0x1  }
0xb4: {  	s26 =	simm.s32 $execute0_lowered;
	[smem:$0x3FD2] =	sst s25  }
0xb5: {  	s5 =	sshll.u32 s26, $0x1;
	_ =	strace $0x80000055;
	[dreg:$0x1] =	wrdreg $0xFFFFFFFF  }
0xb6: {  	s28 =	simm.s32 $_size_execute0_lowered;
	s3 =	sadd.s32 s3, s5;
	[dreg:$0x0] =	wrdreg $0x0  }
0xb7: {  	s5 =	sshll.u32 s28, $0x1;
	[dreg:$0x2] =	wrdreg s3  }
0xb8: {  	[dreg:$0x3] =	wrdreg s5  }
0xb9: {  	[dreg:$0x4] =	wrdreg $0xC0  }
0xba: {  	_ =	task [dreg:s22], $0x5FFFF  }
0xbb: {  	[dreg:$0x1] =	wrdreg $0xFFFFFFFF  }
0xbc: {  	[dreg:$0x0] =	wrdreg $0x60  }
0xbd: {  	[dreg:$0x2] =	wrdreg s24  }
0xbe: {  	[dreg:$0x3] =	wrdreg $0x29800  }
0xbf: {  	[dreg:$0x4] =	wrdreg $0x9  }
0xc0: {  	_ =	task.clear_ibuf [dreg:s22], $0x5FFFF;
	_ =	strace $0x90000055  }
0xc1: {  	s29 =	simm.s32 $0x9;
	_ =	strace $0x80000057  }
0xc2: {  	_ =	swait.ge [sflag:s29], $0x1  }
0xc3: {  	[sflag:s29] =	ssyncadd.s32 $0xFFFFFFFF  }
0xc4: {  	_ =	strace $0x90000057  }
0xc5: {  	_ =	sfence  }
0xc6: {  	s30 =	sld [smem:$0x0];
	_ =	sdelay $0x2  }
0xc7: {  	s31 =	sshll.u32 s1, $0xD;
	s1 =	sshrl.u32 s1, $0x2  }
0xc8: {  	s4 =	sand.u32 $0x4000, s31;
	s1 =	sadd.s32 s1, s30  }
0xc9: {  	s0 =	sor.u32 s4, s0;
	s1 =	sshll.u32 s1, $0x11  }
0xca: {  	s0 =	sor.u32 s1, s0  }
0xcb: {  	s0 =	sadd.s32 $0x8F2B, s0  }
0xcc: {  	[sflag:s0] =	ssyncadd.remote.s32 $0x1  }
0xcd: {  	_ =	sfence.sel $0xFFFF  }
0xce: {  	[dreg:$0x0] =	wrdreg $0xFFFFFFFF;
	(pc) =	sbr.abs _section_cstart, $3  }
0xcf: {  	[dreg:$0x1] =	wrdreg $0xFFFFFFFF  }
0xd0: {  	_ =	task.clear_ibuf [dreg:s22], $0x2FFFF;
	_ =	strace $0x9FFFFFFF  }
0xd1: {  	(tm) =	ssettm $0x7FFFFFFF  }
tec
execute0_lowered:
.L_overlay_start_1:
0x0: {  	(tag) =	ssettag $0x1  }
0x1: {  	s6 =	rddreg [dreg:$0x0]  }
0x2: {  	s2 =	rddreg [dreg:$0x1]  }
0x3: {  	s0 =	rddreg [dreg:$0x2]  }
0x4: {  	s1 =	stileid.u32;
	s3 =	simm.s32 $0x0;
	s4 =	srdreg.scid  }
0x5: {  	s14 =	simm.s32 $0x2;
	s15 =	simm.s32 $0x80;
	s16 =	simm.s32 $0x50  }
0x6: {  	s17 =	simm.s32 $0x100;
	s19 =	simm.s32 $0x1;
	s5 =	smul.u32 $0x4E2, s1  }
0x7: {  	s20 =	simm.s32 $0x0;
	[smem:$0x7FF] =	sst s3;
	s8 =	smul.u32 $0x4E000, s1  }
0x8: {  	s7 =	sand.u32 $0x1, s4;
	s4 =	sadd.s32 $0x66A00, s6;
	s10 =	smul.u32 $0x270, s1  }
0x9: {  	p0 =	seq.s32 s1, $0xF;
	_ =	strace $0x80000056;
	s18 =	smul.u32 $0x2710, s7  }
0xa: {  	s9 =	ssub.s32 $0x2, s7;
	s7 =	smul.u32 $0x138800, s7;
	s11 =	sadd.s32 s5, s6  }
0xb: {  	s12 =	sshrl.u32 s9, $0x1;
	s5 =	sadd.s32 $0x16000, s6;
	s6 =	sadd.s32 $0xB4C00, s6  }
0xc: {  	s8 =	sshrl.u32 s8, $0x2;
	s9 =	ssub.s32 s9, s12;
	s10 =	sadd.s32 s10, s18  }
0xd: {  	s7 =	sshrl.u32 s7, $0x3;
	s13 =	sadd.s32 s8, s2;
	s12 =	sadd.s32 $0x124800, s2  }
0xe: {  	v0 =	vmov s18;
	s18 =	simm.s32 $0x180;
	s31 =	sshll.u32 s10, $0x4;
	s7 =	sadd.s32 s6, s7  }
0xf: {  	s8 =	smax.u32 s9, $0x1;
	s9 =	sadd.s32 $0x11000, s11;
	s10 =	sadd.s32 $0xC000, s11  }
0x10: {  	s11 =	sshrl.u32 @p0 s12, $0x3;
	s12 =	sshll.u32 @!p0 s1, $0x6;
	s13 =	sshrl.u32 @!p0 s13, $0x3  }
0x11: {  	s6 =	sadd.s32 s6, s31;
	s7 =	sadd.s32 $0x24900, s7;
	s12 =	sor.u32 @!p0 $0x1C02, s12  }
.LBB2_1:
0x12: {  	s21 =	simm.s32 @p0 $0x1FC2  }
0x13: {  	[spmem:s11], [sflag:s21] =	dma.local @p0 [hbm:s5], $0x2800  }
0x14: {  	s21 =	simm.s32 @p0 $0x2  }
0x15: {  	_ =	swait.ge @p0 [sflag:s21], $0x2800  }
0x16: {  	[sflag:s21] =	ssyncset.done @p0 $0x0  }
0x17: {  	[sflag:s21] =	ssyncadd.s32 @p0 $0xFFFFD800;
	s21 =	simm.s32 @!p0 $0x2  }
0x18: {  	[spmem:s13], [sflag:s12] =	dma.local @!p0 [hbm:s5], $0x2700  }
0x19: {  	_ =	swait.ge @!p0 [sflag:s21], $0x2700  }
0x1a: {  	[sflag:s21] =	ssyncset.done @!p0 $0x0  }
0x1b: {  	[sflag:s21] =	ssyncadd.s32 @!p0 $0xFFFFD900  }
0x1c: {  	s30 =	sadd.s32 $0x0, s10;
	[bflag:$0x0] =	sbarrier.arrive $0xFFFF  }
0x1d: {  	[tilespmem:s3], [sflag:$0x2] =	stream.linear.gather [hbm4b:s30+s3], $0x50, $0x38;
	[tilespmem:$0x16200] =	vst v63  }
0x1e: {  	_ =	swait.ge [sflag:s14], $0x50  }
0x1f: {  	[sflag:s14] =	ssyncset.done $0x0  }
0x20: {  	s31 =	sadd.s32 $0x0, s9;
	[sflag:s14] =	ssyncadd.s32 $0xFFFFFFB0  }
0x21: {  	[tilespmem:s15], [sflag:$0x2] =	stream.linear.gather [hbm4b:s31+s3], $0x50, $0x38;
	[tilespmem:$0x16200] =	vst v63  }
0x22: {  	_ =	swait.ge [sflag:s14], $0x50  }
0x23: {  	[sflag:s14] =	ssyncset.done $0x0  }
0x24: {  	[sflag:s14] =	ssyncadd.s32 $0xFFFFFFB0  }
0x25: {  	v1 =	vld [tilespmem:$0x40]  }
0x26: {  	v2 =	vld [tilespmem:$0x20]  }
0x27: {  	v3 =	vld [tilespmem:$0x30]  }
0x28: {  	v4 =	vld [tilespmem:$0x10]  }
0x29: {  	v5 =	vld [tilespmem:$0x0]  }
0x2a: {  	v1 =	vadd.s32 v0, v1  }
0x2b: {  	v2 =	vadd.s32 v0, v2;
	[tilespmem:$0x140] =	vst v1  }
0x2c: {  	[tilespmem:$0x120] =	vst v2;
	v1 =	vadd.s32 v0, v3  }
0x2d: {  	v2 =	vadd.s32 v0, v4;
	[tilespmem:$0x130] =	vst v1  }
0x2e: {  	v1 =	vadd.s32 v0, v5;
	[tilespmem:$0x110] =	vst v2  }
0x2f: {  	[tilespmem:$0x100] =	vst v1  }
0x30: {  	[tilespmem:s18], [sflag:$0x1] =	stream.indirect.gather [hbm4b:s4+s16], $0x80, s17, s16, $0xb8;
	[tilespmem:$0x16200] =	vst v63  }
0x31: {  	_ =	swait.ge [sflag:s19], $0x2800  }
0x32: {  	s21 =	simm.s32 $0xA;
	[sflag:s19] =	ssyncset.done $0x0  }
.LBB2_2:
0x33: {  	p1 =	sne.s32 s21, $0x4D8  }
0x34: {  	[sflag:s19] =	ssyncadd.s32 $0xFFFFD800;
	s22 =	smov.u32 s21;
	s21 =	sadd.s32 $0xA, s21  }
0x35: {  	[spmem:s2] =	stream.indirect.scatter.add.f32 [tilespmem:s18], [sflag:$0x2], $0x80, s15, s16, $0xb8;
	[tilespmem:$0x16200] =	vst v63  }
0x36: {  	_ =	swait.ge [sflag:s14], $0x2800  }
0x37: {  	[sflag:s14] =	ssyncset.done $0x0  }
0x38: {  	s23 =	sadd.s32 s22, s10;
	[sflag:s14] =	ssyncadd.s32 $0xFFFFD800  }
0x39: {  	[tilespmem:s3], [sflag:$0x2] =	stream.linear.gather [hbm4b:s23+s3], $0x50, $0x38;
	[tilespmem:$0x16200] =	vst v63  }
0x3a: {  	_ =	swait.ge [sflag:s14], $0x50  }
0x3b: {  	[sflag:s14] =	ssyncset.done $0x0  }
0x3c: {  	s22 =	sadd.s32 s22, s9;
	[sflag:s14] =	ssyncadd.s32 $0xFFFFFFB0  }
0x3d: {  	[tilespmem:s15], [sflag:$0x2] =	stream.linear.gather [hbm4b:s22+s3], $0x50, $0x38;
	[tilespmem:$0x16200] =	vst v63  }
0x3e: {  	_ =	swait.ge [sflag:s14], $0x50  }
0x3f: {  	[sflag:s14] =	ssyncset.done $0x0  }
0x40: {  	[sflag:s14] =	ssyncadd.s32 $0xFFFFFFB0  }
0x41: {  	v1 =	vld [tilespmem:$0x40]  }
0x42: {  	v2 =	vld [tilespmem:$0x20]  }
0x43: {  	v3 =	vld [tilespmem:$0x30]  }
0x44: {  	v4 =	vld [tilespmem:$0x10]  }
0x45: {  	v5 =	vld [tilespmem:$0x0]  }
0x46: {  	v1 =	vadd.s32 v0, v1  }
0x47: {  	v2 =	vadd.s32 v0, v2;
	[tilespmem:$0x140] =	vst v1  }
0x48: {  	[tilespmem:$0x120] =	vst v2;
	v1 =	vadd.s32 v0, v3  }
0x49: {  	v2 =	vadd.s32 v0, v4;
	[tilespmem:$0x130] =	vst v1  }
.Ltmp0:
0x4a: {  	v1 =	vadd.s32 v0, v5;
	[tilespmem:$0x110] =	vst v2;
	(pc) =	sbr.rel @p1 .LBB2_2-.Ltmp0, $4  }
0x4b: {  	[tilespmem:$0x100] =	vst v1  }
0x4c: {  	[tilespmem:s18], [sflag:$0x1] =	stream.indirect.gather [hbm4b:s4+s16], $0x80, s17, s16, $0xb8;
	[tilespmem:$0x16200] =	vst v63  }
0x4d: {  	_ =	swait.ge [sflag:s19], $0x2800  }
0x4e: {  	[sflag:s19] =	ssyncset.done $0x0  }
0x4f: {  	[sflag:s19] =	ssyncadd.s32 $0xFFFFD800  }
0x50: {  	[spmem:s2] =	stream.indirect.scatter.add.f32 [tilespmem:s18], [sflag:$0x2], $0x80, s15, s16, $0xb8;
	[tilespmem:$0x16200] =	vst v63  }
0x51: {  	_ =	swait.ge [sflag:s14], $0x2800  }
0x52: {  	[sflag:s14] =	ssyncset.done $0x0  }
0x53: {  	[sflag:s14] =	ssyncadd.s32 $0xFFFFD800  }
0x54: {  	s21 =	simm.s32 @p0 $0x1FC2;
	[bflag:$0x0] =	sbarrier.arrive $0xFFFF  }
0x55: {  	[hbm:s7], [sflag:s21] =	dma.local @p0 [spmem:s11], $0x2800  }
0x56: {  	s21 =	simm.s32 @p0 $0x2  }
0x57: {  	s20 =	sadd.s32 $0x1, s20;
	_ =	swait.ge @p0 [sflag:s21], $0x2800  }
0x58: {  	p1 =	sne.s32 s20, s8;
	[sflag:s21] =	ssyncset.done @p0 $0x0  }
.Ltmp1:
0x59: {  	[sflag:s21] =	ssyncadd.s32 @p0 $0xFFFFD800;
	s21 =	simm.s32 @!p0 $0x2;
	(pc) =	sbr.rel @p1 .LBB2_1-.Ltmp1, $4  }
0x5a: {  	[hbm:s6], [sflag:s12] =	dma.local @!p0 [spmem:s13], $0x2700  }
0x5b: {  	_ =	swait.ge @!p0 [sflag:s21], $0x2700  }
0x5c: {  	[sflag:s21] =	ssyncset.done @!p0 $0x0  }
0x5d: {  	[sflag:s21] =	ssyncadd.s32 @!p0 $0xFFFFD900  }
0x5e: {  	_ =	sfence.sel $0x180000  }
0x5f: {  	[bflag:$0x0] =	sbarrier.arrive $0xFFFF  }
0x60: {  	p0 =	sne.s32 s1, $0x0;
	_ =	strace $0x90000056  }
0x61: {  	s0 =	sadd.s32 @!p0 $0x100000, s0;
	[bflag:$0x2] =	sbarrier.arrive $0xFFFF  }
0x62: {  	[sflag:s0] =	ssyncadd.tile.s32 @!p0 $0x1;
	_ =	shalt  }
.Lfunc_end2:
_tile_overlayer_lowered:
.L_overlay_start_2:
0x63: {  	(tag) =	ssettag $0x2  }
0x64: {  	s0 =	rddreg [dreg:$0x0];
	s2 =	stileid.u32  }
0x65: {  	s1 =	rddreg [dreg:$0x1];
	p0 =	sne.s32 s2, $0x0  }
0x66: {  	s3 =	rddreg [dreg:$0x2];
	[bflag:$0x3] =	sbarrier.arrive $0xFFFF;
	s2 =	simm.s32 @!p0 $0x1C02  }
0x67: {  	[timem:s3], [sflag:s2] =	dma.local @!p0 [hbm:s0], s1  }
0x68: {  	s0 =	simm.s32 @!p0 $0x2  }
0x69: {  	_ =	swait.ge @!p0 [sflag:s0], s1  }
0x6a: {  	s1 =	ssub.s32 @!p0 $0x0, s1;
	[sflag:s0] =	ssyncset.done @!p0 $0x0  }
0x6b: {  	[sflag:s0] =	ssyncadd.s32 @!p0 s1  }
0x6c: {  	[bflag:$0x3] =	sbarrier.arrive $0xFFFF  }
0x6d: {  	_ =	shalt  }

// kernel: kernel.25.cloned.1.call-start
scs
__scs_entry_jumppad:
0x0: {  	(pc) =	sbr.rel $0x88, $3  }
0x1: {  	(tag) =	ssettag $0x0;
	lr =	simm.s32 $0x1  }
0x2: {  	[smem:$0x3F99] =	sst lr;
	_ =	strace $0xD0000000  }
0x3: {  	_ = 	snop  }
0x4: {  	_ = 	snop  }
0x5: {  	_ = 	snop  }
0x6: {  	_ = 	snop  }
0x7: {  	_ = 	snop  }
__scs_overlays_trampoline_lowered:
0x8: {  	[smem:$0x3FA8] =	sst s0  }
0x9: {  	[smem:$0x3FA9] =	sst s1  }
0xa: {  	[smem:$0x3FAA] =	sst s2  }
0xb: {  	[smem:$0x3FAB] =	sst s3  }
0xc: {  	[smem:$0x3FAC] =	sst s4  }
0xd: {  	[smem:$0x3FAD] =	sst s5  }
0xe: {  	[smem:$0x3FAE] =	sst s6  }
0xf: {  	[smem:$0x3FAF] =	sst s7  }
0x10: {  	[smem:$0x3FB0] =	sst s8  }
0x11: {  	[smem:$0x3FB1] =	sst s9;
	s0 =	simm.s32 @!p0 $0x0  }
0x12: {  	s1 =	sld [smem:$0x3F97];
	s0 =	simm.s32 @p0 $0x1  }
0x13: {  	[smem:$0x3FB2] =	sst s0;
	s0 =	simm.s32 @!p1 $0x0  }
0x14: {  	s2 =	sld [smem:$0x3F96];
	s0 =	simm.s32 @p1 $0x1  }
0x15: {  	[smem:$0x3FB3] =	sst s0;
	s0 =	simm.s32 @!p2 $0x0  }
0x16: {  	s3 =	sld [smem:$0x3FDB];
	s0 =	simm.s32 @p2 $0x1  }
0x17: {  	s4 =	simm.s32 $0x1BF5;
	[smem:$0x3FB5] =	sst s0  }
0x18: {  	s0 =	sld [smem:$0x3F98];
	_ =	swait.ge [sflag:s4], $0x0  }
0x19: {  	s7 =	sld [smem:$0x3F99]  }
0x1a: {  	s8 =	sadd.s32 $0xFFFFE003, lr  }
0x1b: {  	s9 =	sadd.s32 $0xFFFFFEF7, lr;
	s5 =	simm.s32 $0xFFFFFFFF;
	p2 =	slt.u32 s8, $0xFFFFF086  }
0x1c: {  	p1 =	slt.u32 s9, $0xF7A;
	s5 =	simm.s32 @!p2 $0x0  }
0x1d: {  	s5 =	simm.s32 @p1 $0x1;
	p0 =	seq.s32 s7, s2  }
0x1e: {  	s7 =	smul.u32 @!p0 $0xF7A, s2;
	p2 =	seq.s32 @!p0 s5, $0x0  }
0x1f: {  	s9 =	smul.u32 $0xF7A, s1;
	s8 =	simm.s32 @!p0 $0x1BF5;
	p2 =	por !p2, p0  }
0x20: {  	[sflag:s8] =	ssyncset.s32 @!p0 $0xFFFFF086;
	s6 =	sadd.s32 @!p0 s3, s7;
	s7 =	simm.s32 @!p0 $0x108  }
0x21: {  	s3 =	sadd.s32 s3, s9;
	s6 =	sadd.s32 @!p0 $0x88, s6;
	s7 =	simm.s32 @p2 $0x1082  }
0x22: {  	[simem:s7], [sflag:s8] =	dma.local @!p0 [hbm:s6], $0xF7A  }
0x23: {  	s9 =	sor.u32 $0xD0000000, s2;
	s6 =	simm.s32 $0x108;
	_ =	swait.ge @!p0 [sflag:s8], $0x0  }
0x24: {  	s3 =	sadd.s32 $0x88, s3;
	s6 =	simm.s32 @!p1 $0x1082;
	[sflag:s4] =	ssyncset.s32 $0xFFFFF086  }
0x25: {  	[simem:s6], [sflag:s4] =	dma.local [hbm:s3], $0xF7A  }
0x26: {  	[smem:$0x3F99] =	sst s1;
	(tag) =	ssettag s2;
	_ =	strace s9  }
0x27: {  	s1 =	sld [smem:$0x3FA9]  }
0x28: {  	s2 =	sld [smem:$0x3FAA]  }
0x29: {  	s4 =	sld [smem:$0x3FAC]  }
0x2a: {  	p0 =	seq.s32 s5, $0x0;
	s5 =	sld [smem:$0x3FAD]  }
0x2b: {  	s6 =	sld [smem:$0x3FAE]  }
0x2c: {  	s7 =	sld [smem:$0x3FAF]  }
0x2d: {  	s3 =	simm.s32 $0x108;
	s8 =	sld [smem:$0x3FB0]  }
0x2e: {  	s3 =	simm.s32 @!p0 $0x1082;
	s9 =	sld [smem:$0x3FB1]  }
0x2f: {  	lr =	sadd.s32 s0, s3;
	s0 =	sld [smem:$0x3FA8]  }
0x30: {  	s3 =	sld [smem:$0x3FAB]  }
0x31: {  	[smem:$0x3FB4] =	sst s10  }
0x32: {  	s10 =	sld [smem:$0x3FB2];
	_ =	sdelay $0x3  }
0x33: {  	p0 =	seq.s32 s10, $0x1;
	s10 =	sld [smem:$0x3FB4];
	_ =	sdelay $0x3  }
0x34: {  	[smem:$0x3FB4] =	sst s10  }
0x35: {  	s10 =	sld [smem:$0x3FB3];
	_ =	sdelay $0x3  }
0x36: {  	p1 =	seq.s32 s10, $0x1;
	s10 =	sld [smem:$0x3FB4];
	_ =	sdelay $0x3  }
0x37: {  	[smem:$0x3FB4] =	sst s10  }
0x38: {  	s10 =	sld [smem:$0x3FB5]  }
0x39: {  	_ = 	snop;
	(pc) =	sbr.ind lr, $3  }
0x3a: {  	_ = 	snop  }
0x3b: {  	_ = 	snop  }
0x3c: {  	p2 =	seq.s32 s10, $0x1;
	s10 =	sld [smem:$0x3FB4]  }
0x3d: {  	_ =	shalt  }
0x3e: {  	_ =	shalt  }
0x3f: {  	_ =	shalt  }
0x40: {  	_ =	shalt  }
0x41: {  	_ =	shalt  }
0x42: {  	_ =	shalt  }
0x43: {  	_ =	shalt  }
0x44: {  	_ =	shalt  }
0x45: {  	_ =	shalt  }
0x46: {  	_ =	shalt  }
0x47: {  	_ =	shalt  }
0x48: {  	_ =	shalt  }
0x49: {  	_ =	shalt  }
0x4a: {  	_ =	shalt  }
0x4b: {  	_ =	shalt  }
0x4c: {  	_ =	shalt  }
0x4d: {  	_ =	shalt  }
0x4e: {  	_ =	shalt  }
0x4f: {  	_ =	shalt  }
0x50: {  	_ =	shalt  }
0x51: {  	_ =	shalt  }
0x52: {  	_ =	shalt  }
0x53: {  	_ =	shalt  }
0x54: {  	_ =	shalt  }
0x55: {  	_ =	shalt  }
0x56: {  	_ =	shalt  }
0x57: {  	_ =	shalt  }
0x58: {  	_ =	shalt  }
0x59: {  	_ =	shalt  }
0x5a: {  	_ =	shalt  }
0x5b: {  	_ =	shalt  }
0x5c: {  	_ =	shalt  }
0x5d: {  	_ =	shalt  }
0x5e: {  	_ =	shalt  }
0x5f: {  	_ =	shalt  }
0x60: {  	_ =	shalt  }
0x61: {  	_ =	shalt  }
0x62: {  	_ =	shalt  }
0x63: {  	_ =	shalt  }
0x64: {  	_ =	shalt  }
0x65: {  	_ =	shalt  }
0x66: {  	_ =	shalt  }
0x67: {  	_ =	shalt  }
0x68: {  	_ =	shalt  }
0x69: {  	_ =	shalt  }
0x6a: {  	_ =	shalt  }
0x6b: {  	_ =	shalt  }
0x6c: {  	_ =	shalt  }
0x6d: {  	_ =	shalt  }
0x6e: {  	_ =	shalt  }
0x6f: {  	_ =	shalt  }
0x70: {  	_ =	shalt  }
0x71: {  	_ =	shalt  }
0x72: {  	_ =	shalt  }
0x73: {  	_ =	shalt  }
0x74: {  	_ =	shalt  }
0x75: {  	_ =	shalt  }
0x76: {  	_ =	shalt  }
0x77: {  	_ =	shalt  }
0x78: {  	_ =	shalt  }
0x79: {  	_ =	shalt  }
0x7a: {  	_ =	shalt  }
0x7b: {  	_ =	shalt  }
0x7c: {  	_ =	shalt  }
0x7d: {  	_ =	shalt  }
0x7e: {  	_ =	shalt  }
0x7f: {  	_ =	shalt  }
0x80: {  	_ =	shalt  }
0x81: {  	_ =	shalt  }
0x82: {  	_ =	shalt  }
0x83: {  	_ =	shalt  }
0x84: {  	_ =	shalt  }
0x85: {  	_ =	shalt  }
0x86: {  	_ =	shalt  }
0x87: {  	_ =	shalt  }
.Lfunc_end0:
.L_simem_size_0:
called_computation.3_lowered:
.L_overlay_start_0:
0x88: {  	s2 =	sld [smem:$0x3FD9]  }
0x89: {  	s3 =	sld [smem:$0x3FFE];
	_ =	sdelay $0x1  }
0x8a: {  	s1 =	srdreg.scid  }
0x8b: {  	s0 =	sand.u32 $0x1, s1  }
0x8c: {  	s14 =	sshll.u32 s0, $0xA;
	s2 =	sadd.s32 s3, s2  }
0x8d: {  	s2 =	sadd.s32 s2, s14  }
0x8e: {  	[smem:$0x3FC0] =	sst s2  }
0x8f: {  	_ = 	snop  }
0x90: {  	s2 =	sld [smem:$0x3FD0];
	_ =	sdelay $0x2  }
0x91: {  	s15 =	simm.s32 $0xB;
	s4 =	simm.s32 $0x10  }
0x92: {  	[smem:s4], [sflag:s15] =	dma.local [hbm:s2], $0x1  }
0x93: {  	_ =	swait.eq [sflag:s15], $0x1  }
0x94: {  	[sflag:s15] =	ssyncset.done $0x0  }
0x95: {  	[sflag:s15] =	ssyncadd.s32 $0xFFFFFFFF  }
0x96: {  	s16 =	sld [smem:$0x10];
	(tm) =	ssettm $0x1  }
0x97: {  	s17 =	sld [smem:$0x3FFB];
	_ =	sdelay $0x3  }
0x98: {  	_ =	strace s17  }
0x99: {  	s3 =	sld [smem:$0x3FFC];
	_ =	sdelay $0x3  }
0x9a: {  	_ =	strace s3  }
0x9b: {  	s3 =	sld [smem:$0x3FFD];
	_ =	sdelay $0x3  }
0x9c: {  	_ =	strace s3  }
0x9d: {  	_ =	strace $0x8FFFFFFF  }
0x9e: {  	s18 =	sld [smem:$0x3FDB];
	_ =	sdelay $0x1  }
0x9f: {  	s19 =	simm.s32 $_scs_section_size  }
0xa0: {  	s5 =	simm.s32 $_size__tile_overlayer_lowered;
	s6 =	simm.s32 $_tile_overlayer_lowered  }
0xa1: {  	s22 =	simm.s32 $0x1BFF;
	s21 =	sshll.u32 s6, $0x1;
	s3 =	sadd.s32 s19, s18  }
0xa2: {  	s7 =	simm.s32 $0x0;
	s20 =	sshll.u32 s5, $0x1;
	s5 =	sadd.s32 s21, s3  }
0xa3: {  	[timem:s7], [sflag:s22] =	dma.local [hbm:s5], s20  }
0xa4: {  	_ =	swait.ge [sflag:s22], s20  }
0xa5: {  	s4 =	ssub.s32 $0x0, s20;
	[sflag:s22] =	ssyncset.done $0x0  }
0xa6: {  	[sflag:s22] =	ssyncadd.s32 s4;
	_ =	sdelay $0x1  }
0xa7: {  	s23 =	simm.s32 $0x1B8B  }
0xa8: {  	_ =	swait.ge [sflag:s23], $0x1  }
0xa9: {  	[sflag:s23] =	ssyncset.done $0x0  }
0xaa: {  	s25 =	simm.s32 $0x1B8E;
	s24 =	sld [smem:$0x3FFE];
	[sflag:s23] =	ssyncadd.s32 $0xFFFFFFFF  }
0xab: {  	s26 =	simm.s32 $execute0_lowered;
	[smem:$0x3FD2] =	sst s25  }
0xac: {  	s5 =	sshll.u32 s26, $0x1;
	_ =	strace $0x80000046;
	[dreg:$0x1] =	wrdreg $0xFFFFFFFF  }
0xad: {  	s28 =	simm.s32 $_size_execute0_lowered;
	s3 =	sadd.s32 s3, s5;
	[dreg:$0x0] =	wrdreg $0x0  }
0xae: {  	s5 =	sshll.u32 s28, $0x1;
	[dreg:$0x2] =	wrdreg s3  }
0xaf: {  	[dreg:$0x3] =	wrdreg s5  }
0xb0: {  	[dreg:$0x4] =	wrdreg $0xC0  }
0xb1: {  	_ =	task [dreg:s7], $0x5FFFF  }
0xb2: {  	[dreg:$0x1] =	wrdreg $0xFFFFFFFF  }
0xb3: {  	[dreg:$0x0] =	wrdreg $0x60  }
0xb4: {  	[dreg:$0x2] =	wrdreg s24  }
0xb5: {  	[dreg:$0x3] =	wrdreg s16  }
0xb6: {  	[dreg:$0x4] =	wrdreg $0xA  }
0xb7: {  	_ =	task.clear_ibuf [dreg:s7], $0x5FFFF;
	_ =	strace $0x90000046  }
0xb8: {  	s29 =	simm.s32 $0xA;
	_ =	strace $0x80000048  }
0xb9: {  	_ =	swait.ge [sflag:s29], $0x1  }
0xba: {  	[sflag:s29] =	ssyncadd.s32 $0xFFFFFFFF  }
0xbb: {  	_ =	strace $0x90000048  }
0xbc: {  	_ =	sfence  }
0xbd: {  	s30 =	sld [smem:$0x0];
	_ =	sdelay $0x2  }
0xbe: {  	s31 =	sshll.u32 s1, $0xD;
	s1 =	sshrl.u32 s1, $0x2  }
0xbf: {  	s3 =	sand.u32 $0x4000, s31;
	s1 =	sadd.s32 s1, s30  }
0xc0: {  	s0 =	sor.u32 s3, s0;
	s1 =	sshll.u32 s1, $0x11  }
0xc1: {  	s0 =	sor.u32 s1, s0  }
0xc2: {  	s0 =	sadd.s32 $0x8F2B, s0  }
0xc3: {  	[sflag:s0] =	ssyncadd.remote.s32 $0x1  }
0xc4: {  	_ =	sfence.sel $0xFFFF  }
0xc5: {  	[dreg:$0x0] =	wrdreg $0xFFFFFFFF;
	(pc) =	sbr.abs _section_cstart, $3  }
0xc6: {  	[dreg:$0x1] =	wrdreg $0xFFFFFFFF  }
0xc7: {  	_ =	task.clear_ibuf [dreg:s7], $0x2FFFF;
	_ =	strace $0x9FFFFFFF  }
0xc8: {  	(tm) =	ssettm $0x7FFFFFFF  }
0xc9: {  	_ =	shalt  }
tec
execute0_lowered:
.L_overlay_start_1:
0x0: {  	(tag) =	ssettag $0x1  }
0x1: {  	s3 =	rddreg [dreg:$0x0]  }
0x2: {  	s1 =	srdreg.scid;
	s0 =	stileid.u32  }
0x3: {  	s4 =	rddreg [dreg:$0x1];
	s9 =	simm.s32 $0x400;
	s10 =	simm.s32 $0x0  }
0x4: {  	s5 =	sand.u32 $0x1, s1;
	s2 =	sshll.u32 s0, $0x1;
	s1 =	rddreg [dreg:$0x2]  }
0x5: {  	s7 =	sshrl.u32 s0, $0x2;
	s6 =	sor.u32 s5, s2;
	s2 =	simm.s32 $0x0  }
0x6: {  	s7 =	smul.u32 $0x13C00, s7;
	s5 =	ssub.s32 $0x2, s5;
	s8 =	sshll.u32 s6, $0x7  }
0x7: {  	[smem:$0x7FF] =	sst s2;
	s6 =	smul.u32 $0x271, s6;
	s31 =	sshrl.u32 s5, $0x1  }
0x8: {  	s8 =	sand.u32 $0x380, s8;
	_ =	strace $0x80000047;
	s5 =	ssub.s32 s5, s31  }
0x9: {  	s7 =	sor.u32 s7, s8;
	s3 =	sadd.s32 s6, s3;
	s5 =	smax.u32 s5, $0x1  }
0xa: {  	s6 =	simm.s32 $0x2780;
	s8 =	simm.s32 $0x80;
	s7 =	sshrl.u32 s7, $0x3  }
0xb: {  	v0 =	vimm.f32 $0.0e+00;
	v1 =	vimm.f32 $1.000000000e+00;
	vm0 =	vmmov $0xff;
	s3 =	sadd.s32 $0x7000, s3;
	s4 =	sadd.s32 s4, s7;
	s7 =	simm.s32 $0x1  }
.LBB2_1:
0xc: {  	s11 =	simm.s32 $0x40;
	s12 =	simm.s32 $0x0  }
.LBB2_2:
0xd: {  	p0 =	sne.s32 s11, $0x9C00;
	[tilespmem:s12+$0x0] =	vst v0;
	s12 =	smov.u32 s11;
	s11 =	sadd.s32 $0x40, s11  }
.Ltmp0:
0xe: {  	(pc) =	sbr.rel @p0 .LBB2_2-.Ltmp0, $2  }
0xf: {  	_ =	sdelay $0x2  }
0x10: {  	s12 =	sshra.s32 s12, $0x2  }
0x11: {  	[tilespmem:s12+$0x0] =	vst v0;
	s11 =	simm.s32 $0x0  }
0x12: {  	[tilespmem:s6], [sflag:$0x1] =	stream.linear.gather [hbm4b:s3+s11], $0x1388, $0x38;
	[tilespmem:$0x3B80] =	vst v63  }
0x13: {  	_ =	swait.ge [sflag:s7], $0x1388  }
0x14: {  	[sflag:s7] =	ssyncset.done $0x0  }
0x15: {  	s12 =	simm.s32 $0x0;
	s11 =	simm.s32 $0x40;
	[sflag:s7] =	ssyncadd.s32 $0xFFFFEC78  }
.LBB2_4:
0x16: {  	p0 =	sne.s32 s11, $0x4DC0;
	v2 =	vld [tilespmem:s12+$0x2780];
	_ =	sdelay $0x3  }
.Ltmp1:
0x17: {  	(pc) =	sbr.rel @p0 .LBB2_4-.Ltmp1, $2  }
0x18: {  	_ =	sdelay $0x2  }
0x19: {  	s12 =	sshra.s32 s11, $0x2;
	s11 =	sadd.s32 $0x40, s11;
	[tilespmem:v2+s2+$0x0] =	vst.idx.add.f32.msk $0xffff, v1  }
0x1a: {  	v2 =	vld [tilespmem:s12+$0x2780];
	_ =	sdelay $0x7  }
0x1b: {  	[tilespmem:v2+s2+$0x0] =	vst.idx.add.f32.msk $0xffff, v1  }
0x1c: {  	v2 =	vld [tilespmem:$0x3B00];
	_ =	sdelay $0x4  }
0x1d: {  	v2 =	vnsel vm0, $0x0, v2;
	_ =	sdelay $0x2  }
0x1e: {  	s10 =	sadd.s32 $0x1, s10  }
0x1f: {  	p0 =	sne.s32 s10, s5  }
.Ltmp2:
0x20: {  	[tilespmem:v2+s2+$0x0] =	vst.idx.add.f32.msk $0xff, v1;
	(pc) =	sbr.rel @p0 .LBB2_1-.Ltmp2, $4  }
0x21: {  	[hbm4b:s4+s8] =	stream.strided.scatter [tilespmem:s2], [sflag:$0x1], $0x2780, s9, s8, $0x38;
	[tilespmem:$0x3B80] =	vst v63  }
0x22: {  	_ =	swait.ge [sflag:s7], $0x2780  }
0x23: {  	[sflag:s7] =	ssyncset.done $0x0  }
0x24: {  	[sflag:s7] =	ssyncadd.s32 $0xFFFFD880  }
0x25: {  	_ =	sfence.sel $0x180000  }
0x26: {  	[bflag:$0x0] =	sbarrier.arrive $0xFFFF  }
0x27: {  	p0 =	sne.s32 s0, $0x0;
	_ =	strace $0x90000047  }
0x28: {  	s0 =	sadd.s32 @!p0 $0x100000, s1;
	[bflag:$0x2] =	sbarrier.arrive $0xFFFF  }
0x29: {  	[sflag:s0] =	ssyncadd.tile.s32 @!p0 $0x1;
	_ =	shalt  }
.Lfunc_end2:
_tile_overlayer_lowered:
.L_overlay_start_2:
0x2a: {  	(tag) =	ssettag $0x2  }
0x2b: {  	s0 =	rddreg [dreg:$0x0];
	s2 =	stileid.u32  }
0x2c: {  	s1 =	rddreg [dreg:$0x1];
	p0 =	sne.s32 s2, $0x0  }
0x2d: {  	s3 =	rddreg [dreg:$0x2];
	[bflag:$0x3] =	sbarrier.arrive $0xFFFF;
	s2 =	simm.s32 @!p0 $0x1C01  }
0x2e: {  	[timem:s3], [sflag:s2] =	dma.local @!p0 [hbm:s0], s1  }
0x2f: {  	s0 =	simm.s32 @!p0 $0x1  }
0x30: {  	_ =	swait.ge @!p0 [sflag:s0], s1  }
0x31: {  	s1 =	ssub.s32 @!p0 $0x0, s1;
	[sflag:s0] =	ssyncset.done @!p0 $0x0  }
0x32: {  	[sflag:s0] =	ssyncadd.s32 @!p0 s1  }
0x33: {  	[bflag:$0x3] =	sbarrier.arrive $0xFFFF  }
0x34: {  	_ =	shalt  }

// kernel: kernel.28.cloned.1.call-start
scs
__scs_entry_jumppad:
0x0: {  	(pc) =	sbr.rel $0x88, $3  }
0x1: {  	(tag) =	ssettag $0x0;
	lr =	simm.s32 $0x1  }
0x2: {  	[smem:$0x3F99] =	sst lr;
	_ =	strace $0xD0000000  }
0x3: {  	_ = 	snop  }
0x4: {  	_ = 	snop  }
0x5: {  	_ = 	snop  }
0x6: {  	_ = 	snop  }
0x7: {  	_ = 	snop  }
__scs_overlays_trampoline_lowered:
0x8: {  	[smem:$0x3FA8] =	sst s0  }
0x9: {  	[smem:$0x3FA9] =	sst s1  }
0xa: {  	[smem:$0x3FAA] =	sst s2  }
0xb: {  	[smem:$0x3FAB] =	sst s3  }
0xc: {  	[smem:$0x3FAC] =	sst s4  }
0xd: {  	[smem:$0x3FAD] =	sst s5  }
0xe: {  	[smem:$0x3FAE] =	sst s6  }
0xf: {  	[smem:$0x3FAF] =	sst s7  }
0x10: {  	[smem:$0x3FB0] =	sst s8  }
0x11: {  	[smem:$0x3FB1] =	sst s9;
	s0 =	simm.s32 @!p0 $0x0  }
0x12: {  	s1 =	sld [smem:$0x3F97];
	s0 =	simm.s32 @p0 $0x1  }
0x13: {  	[smem:$0x3FB2] =	sst s0;
	s0 =	simm.s32 @!p1 $0x0  }
0x14: {  	s2 =	sld [smem:$0x3F96];
	s0 =	simm.s32 @p1 $0x1  }
0x15: {  	[smem:$0x3FB3] =	sst s0;
	s0 =	simm.s32 @!p2 $0x0  }
0x16: {  	s3 =	sld [smem:$0x3FDB];
	s0 =	simm.s32 @p2 $0x1  }
0x17: {  	s4 =	simm.s32 $0x1BF5;
	[smem:$0x3FB5] =	sst s0  }
0x18: {  	s0 =	sld [smem:$0x3F98];
	_ =	swait.ge [sflag:s4], $0x0  }
0x19: {  	s7 =	sld [smem:$0x3F99]  }
0x1a: {  	s8 =	sadd.s32 $0xFFFFE003, lr  }
0x1b: {  	s9 =	sadd.s32 $0xFFFFFEF7, lr;
	s5 =	simm.s32 $0xFFFFFFFF;
	p2 =	slt.u32 s8, $0xFFFFF086  }
0x1c: {  	p1 =	slt.u32 s9, $0xF7A;
	s5 =	simm.s32 @!p2 $0x0  }
0x1d: {  	s5 =	simm.s32 @p1 $0x1;
	p0 =	seq.s32 s7, s2  }
0x1e: {  	s7 =	smul.u32 @!p0 $0xF7A, s2;
	p2 =	seq.s32 @!p0 s5, $0x0  }
0x1f: {  	s9 =	smul.u32 $0xF7A, s1;
	s8 =	simm.s32 @!p0 $0x1BF5;
	p2 =	por !p2, p0  }
0x20: {  	[sflag:s8] =	ssyncset.s32 @!p0 $0xFFFFF086;
	s6 =	sadd.s32 @!p0 s3, s7;
	s7 =	simm.s32 @!p0 $0x108  }
0x21: {  	s3 =	sadd.s32 s3, s9;
	s6 =	sadd.s32 @!p0 $0x88, s6;
	s7 =	simm.s32 @p2 $0x1082  }
0x22: {  	[simem:s7], [sflag:s8] =	dma.local @!p0 [hbm:s6], $0xF7A  }
0x23: {  	s9 =	sor.u32 $0xD0000000, s2;
	s6 =	simm.s32 $0x108;
	_ =	swait.ge @!p0 [sflag:s8], $0x0  }
0x24: {  	s3 =	sadd.s32 $0x88, s3;
	s6 =	simm.s32 @!p1 $0x1082;
	[sflag:s4] =	ssyncset.s32 $0xFFFFF086  }
0x25: {  	[simem:s6], [sflag:s4] =	dma.local [hbm:s3], $0xF7A  }
0x26: {  	[smem:$0x3F99] =	sst s1;
	(tag) =	ssettag s2;
	_ =	strace s9  }
0x27: {  	s1 =	sld [smem:$0x3FA9]  }
0x28: {  	s2 =	sld [smem:$0x3FAA]  }
0x29: {  	s4 =	sld [smem:$0x3FAC]  }
0x2a: {  	p0 =	seq.s32 s5, $0x0;
	s5 =	sld [smem:$0x3FAD]  }
0x2b: {  	s6 =	sld [smem:$0x3FAE]  }
0x2c: {  	s7 =	sld [smem:$0x3FAF]  }
0x2d: {  	s3 =	simm.s32 $0x108;
	s8 =	sld [smem:$0x3FB0]  }
0x2e: {  	s3 =	simm.s32 @!p0 $0x1082;
	s9 =	sld [smem:$0x3FB1]  }
0x2f: {  	lr =	sadd.s32 s0, s3;
	s0 =	sld [smem:$0x3FA8]  }
0x30: {  	s3 =	sld [smem:$0x3FAB]  }
0x31: {  	[smem:$0x3FB4] =	sst s10  }
0x32: {  	s10 =	sld [smem:$0x3FB2];
	_ =	sdelay $0x3  }
0x33: {  	p0 =	seq.s32 s10, $0x1;
	s10 =	sld [smem:$0x3FB4];
	_ =	sdelay $0x3  }
0x34: {  	[smem:$0x3FB4] =	sst s10  }
0x35: {  	s10 =	sld [smem:$0x3FB3];
	_ =	sdelay $0x3  }
0x36: {  	p1 =	seq.s32 s10, $0x1;
	s10 =	sld [smem:$0x3FB4];
	_ =	sdelay $0x3  }
0x37: {  	[smem:$0x3FB4] =	sst s10  }
0x38: {  	s10 =	sld [smem:$0x3FB5]  }
0x39: {  	_ = 	snop;
	(pc) =	sbr.ind lr, $3  }
0x3a: {  	_ = 	snop  }
0x3b: {  	_ = 	snop  }
0x3c: {  	p2 =	seq.s32 s10, $0x1;
	s10 =	sld [smem:$0x3FB4]  }
0x3d: {  	_ =	shalt  }
0x3e: {  	_ =	shalt  }
0x3f: {  	_ =	shalt  }
0x40: {  	_ =	shalt  }
0x41: {  	_ =	shalt  }
0x42: {  	_ =	shalt  }
0x43: {  	_ =	shalt  }
0x44: {  	_ =	shalt  }
0x45: {  	_ =	shalt  }
0x46: {  	_ =	shalt  }
0x47: {  	_ =	shalt  }
0x48: {  	_ =	shalt  }
0x49: {  	_ =	shalt  }
0x4a: {  	_ =	shalt  }
0x4b: {  	_ =	shalt  }
0x4c: {  	_ =	shalt  }
0x4d: {  	_ =	shalt  }
0x4e: {  	_ =	shalt  }
0x4f: {  	_ =	shalt  }
0x50: {  	_ =	shalt  }
0x51: {  	_ =	shalt  }
0x52: {  	_ =	shalt  }
0x53: {  	_ =	shalt  }
0x54: {  	_ =	shalt  }
0x55: {  	_ =	shalt  }
0x56: {  	_ =	shalt  }
0x57: {  	_ =	shalt  }
0x58: {  	_ =	shalt  }
0x59: {  	_ =	shalt  }
0x5a: {  	_ =	shalt  }
0x5b: {  	_ =	shalt  }
0x5c: {  	_ =	shalt  }
0x5d: {  	_ =	shalt  }
0x5e: {  	_ =	shalt  }
0x5f: {  	_ =	shalt  }
0x60: {  	_ =	shalt  }
0x61: {  	_ =	shalt  }
0x62: {  	_ =	shalt  }
0x63: {  	_ =	shalt  }
0x64: {  	_ =	shalt  }
0x65: {  	_ =	shalt  }
0x66: {  	_ =	shalt  }
0x67: {  	_ =	shalt  }
0x68: {  	_ =	shalt  }
0x69: {  	_ =	shalt  }
0x6a: {  	_ =	shalt  }
0x6b: {  	_ =	shalt  }
0x6c: {  	_ =	shalt  }
0x6d: {  	_ =	shalt  }
0x6e: {  	_ =	shalt  }
0x6f: {  	_ =	shalt  }
0x70: {  	_ =	shalt  }
0x71: {  	_ =	shalt  }
0x72: {  	_ =	shalt  }
0x73: {  	_ =	shalt  }
0x74: {  	_ =	shalt  }
0x75: {  	_ =	shalt  }
0x76: {  	_ =	shalt  }
0x77: {  	_ =	shalt  }
0x78: {  	_ =	shalt  }
0x79: {  	_ =	shalt  }
0x7a: {  	_ =	shalt  }
0x7b: {  	_ =	shalt  }
0x7c: {  	_ =	shalt  }
0x7d: {  	_ =	shalt  }
0x7e: {  	_ =	shalt  }
0x7f: {  	_ =	shalt  }
0x80: {  	_ =	shalt  }
0x81: {  	_ =	shalt  }
0x82: {  	_ =	shalt  }
0x83: {  	_ =	shalt  }
0x84: {  	_ =	shalt  }
0x85: {  	_ =	shalt  }
0x86: {  	_ =	shalt  }
0x87: {  	_ =	shalt  }
.Lfunc_end0:
.L_simem_size_0:
called_computation.4_lowered:
.L_overlay_start_0:
0x88: {  	s2 =	sld [smem:$0x3FD9]  }
0x89: {  	s3 =	sld [smem:$0x3FFE];
	_ =	sdelay $0x1  }
0x8a: {  	s1 =	srdreg.scid  }
0x8b: {  	s0 =	sand.u32 $0x1, s1  }
0x8c: {  	s15 =	sshll.u32 s0, $0xA;
	s2 =	sadd.s32 s3, s2  }
0x8d: {  	s2 =	sadd.s32 s2, s15  }
0x8e: {  	[smem:$0x3FC0] =	sst s2  }
0x8f: {  	_ = 	snop  }
0x90: {  	s2 =	sld [smem:$0x3FD0];
	_ =	sdelay $0x2  }
0x91: {  	s16 =	simm.s32 $0xB;
	s4 =	simm.s32 $0x10  }
0x92: {  	[smem:s4], [sflag:s16] =	dma.local [hbm:s2], $0x1  }
0x93: {  	_ =	swait.eq [sflag:s16], $0x1  }
0x94: {  	[sflag:s16] =	ssyncset.done $0x0  }
0x95: {  	[sflag:s16] =	ssyncadd.s32 $0xFFFFFFFF  }
0x96: {  	s17 =	sld [smem:$0x10];
	(tm) =	ssettm $0x1  }
0x97: {  	s18 =	sld [smem:$0x3FFB];
	_ =	sdelay $0x3  }
0x98: {  	_ =	strace s18  }
0x99: {  	s2 =	sld [smem:$0x3FFC];
	_ =	sdelay $0x3  }
0x9a: {  	_ =	strace s2  }
0x9b: {  	s2 =	sld [smem:$0x3FFD];
	_ =	sdelay $0x3  }
0x9c: {  	_ =	strace s2  }
0x9d: {  	_ =	strace $0x8FFFFFFF  }
0x9e: {  	s19 =	sld [smem:$0x3FDB];
	_ =	sdelay $0x1  }
0x9f: {  	s20 =	simm.s32 $_scs_section_size  }
0xa0: {  	s5 =	simm.s32 $_size__tile_overlayer_lowered;
	s6 =	simm.s32 $_tile_overlayer_lowered  }
0xa1: {  	s7 =	simm.s32 $0x1BFF;
	s21 =	sshll.u32 s6, $0x1;
	s4 =	sadd.s32 s20, s19  }
0xa2: {  	s22 =	simm.s32 $0x0;
	s5 =	sshll.u32 s5, $0x1;
	s6 =	sadd.s32 s21, s4  }
0xa3: {  	[timem:s22], [sflag:s7] =	dma.local [hbm:s6], s5  }
0xa4: {  	_ =	swait.ge [sflag:s7], s5  }
0xa5: {  	s5 =	ssub.s32 $0x0, s5;
	[sflag:s7] =	ssyncset.done $0x0  }
0xa6: {  	[sflag:s7] =	ssyncadd.s32 s5;
	_ =	sdelay $0x1  }
0xa7: {  	s23 =	simm.s32 $0x1B8B  }
0xa8: {  	_ =	swait.ge [sflag:s23], $0x1  }
0xa9: {  	[sflag:s23] =	ssyncset.done $0x0  }
0xaa: {  	[sflag:s23] =	ssyncadd.s32 $0xFFFFFFFF  }
0xab: {  	s5 =	sld [smem:$0x0]  }
0xac: {  	s6 =	sand.u32 $0xFFFFFFFE, s1  }
0xad: {  	p0 =	sne.s32 s1, s6  }
0xae: {  	s6 =	sshll.u32 @p0 s6, $0xE  }
0xaf: {  	s6 =	sadd.s32 @p0 $0x11B8D, s6;
	s7 =	sshll.u32 @p0 s5, $0x11  }
0xb0: {  	s6 =	sor.u32 @p0 s7, s6  }
0xb1: {  	[sflag:s6] =	ssyncadd.remote.s32 @p0 $0x1;
	_ =	sdelay $0x1  }
0xb2: {  	s6 =	simm.s32 @p0 $0x1B8D  }
0xb3: {  	_ =	swait.eq @p0 [sflag:s6], $0x1  }
0xb4: {  	[sflag:s6] =	ssyncadd.s32 @p0 $0xFFFFFFFF  }
0xb5: {  	s7 =	sshll.u32 @!p0 s1, $0xE  }
0xb6: {  	s7 =	sor.u32 @!p0 $0x4000, s7;
	s6 =	simm.s32 @!p0 $0x1B8D  }
0xb7: {  	s5 =	sshll.u32 @!p0 s5, $0x11;
	s7 =	sadd.s32 @!p0 $0x11B8D, s7;
	_ =	swait.eq @!p0 [sflag:s6], $0x1  }
0xb8: {  	s5 =	sor.u32 @!p0 s5, s7;
	[sflag:s6] =	ssyncadd.s32 @!p0 $0xFFFFFFFF  }
0xb9: {  	s25 =	simm.s32 $0x1B8E;
	s24 =	sld [smem:$0x3FFE];
	[sflag:s5] =	ssyncadd.remote.s32 @!p0 $0x1  }
0xba: {  	s26 =	simm.s32 $execute0_lowered;
	[smem:$0x3FD2] =	sst s25  }
0xbb: {  	s6 =	sshll.u32 s26, $0x1;
	_ =	strace $0x8000004C;
	[dreg:$0x1] =	wrdreg $0xFFFFFFFF  }
0xbc: {  	s28 =	simm.s32 $_size_execute0_lowered;
	s4 =	sadd.s32 s4, s6;
	[dreg:$0x0] =	wrdreg $0x0  }
0xbd: {  	s6 =	sshll.u32 s28, $0x1;
	[dreg:$0x2] =	wrdreg s4  }
0xbe: {  	[dreg:$0x3] =	wrdreg s6  }
0xbf: {  	[dreg:$0x4] =	wrdreg $0xC0  }
0xc0: {  	_ =	task [dreg:s22], $0x5FFFF  }
0xc1: {  	[dreg:$0x1] =	wrdreg $0xFFFFFFFF  }
0xc2: {  	[dreg:$0x0] =	wrdreg $0x60  }
0xc3: {  	[dreg:$0x2] =	wrdreg s17  }
0xc4: {  	[dreg:$0x3] =	wrdreg s24  }
0xc5: {  	[dreg:$0x4] =	wrdreg $0x29800  }
0xc6: {  	[dreg:$0x5] =	wrdreg $0xA  }
0xc7: {  	_ =	task.clear_ibuf [dreg:s22], $0x6FFFF;
	_ =	strace $0x9000004C  }
0xc8: {  	s29 =	simm.s32 $0xA;
	_ =	strace $0x8000004E  }
0xc9: {  	_ =	swait.ge [sflag:s29], $0x1  }
0xca: {  	[sflag:s29] =	ssyncadd.s32 $0xFFFFFFFF  }
0xcb: {  	_ =	strace $0x9000004E  }
0xcc: {  	_ =	sfence  }
0xcd: {  	s30 =	sld [smem:$0x0];
	_ =	sdelay $0x2  }
0xce: {  	s31 =	sshll.u32 s1, $0xD;
	s1 =	sshrl.u32 s1, $0x2  }
0xcf: {  	s4 =	sand.u32 $0x4000, s31;
	s1 =	sadd.s32 s1, s30  }
0xd0: {  	s0 =	sor.u32 s4, s0;
	s1 =	sshll.u32 s1, $0x11  }
0xd1: {  	s0 =	sor.u32 s1, s0  }
0xd2: {  	s0 =	sadd.s32 $0x8F2B, s0  }
0xd3: {  	[sflag:s0] =	ssyncadd.remote.s32 $0x1  }
0xd4: {  	_ =	sfence.sel $0xFFFF  }
0xd5: {  	[dreg:$0x0] =	wrdreg $0xFFFFFFFF;
	(pc) =	sbr.abs _section_cstart, $3  }
0xd6: {  	[dreg:$0x1] =	wrdreg $0xFFFFFFFF  }
0xd7: {  	_ =	task.clear_ibuf [dreg:s22], $0x2FFFF;
	_ =	strace $0x9FFFFFFF  }
0xd8: {  	(tm) =	ssettm $0x7FFFFFFF  }
0xd9: {  	_ =	shalt  }
tec
execute0_lowered:
.L_overlay_start_1:
0x0: {  	(tag) =	ssettag $0x1  }
0x1: {  	s2 =	rddreg [dreg:$0x0]  }
0x2: {  	s6 =	rddreg [dreg:$0x1]  }
0x3: {  	s3 =	rddreg [dreg:$0x2]  }
0x4: {  	s0 =	rddreg [dreg:$0x3]  }
0x5: {  	s1 =	stileid.u32;
	s7 =	srdreg.scid  }
0x6: {  	s4 =	simm.s32 $0x0;
	s14 =	simm.s32 $0x2;
	s15 =	simm.s32 $0x80  }
0x7: {  	s16 =	simm.s32 $0x50;
	s17 =	simm.s32 $0x100;
	s5 =	smul.u32 $0x4E2, s1  }
0x8: {  	s19 =	simm.s32 $0x1;
	s20 =	simm.s32 $0x0;
	s8 =	smul.u32 $0x4E000, s1  }
0x9: {  	s7 =	sand.u32 $0x1, s7;
	[smem:$0x7FF] =	sst s4;
	s10 =	smul.u32 $0x270, s1  }
0xa: {  	p0 =	seq.s32 s1, $0xF;
	s18 =	smul.u32 $0x2710, s7;
	_ =	strace $0x8000004D  }
0xb: {  	s9 =	ssub.s32 $0x2, s7;
	s7 =	smul.u32 $0x138800, s7;
	s11 =	sadd.s32 s5, s6  }
0xc: {  	s12 =	sshrl.u32 s9, $0x1;
	s5 =	sadd.s32 $0x16000, s6;
	s6 =	sadd.s32 $0x18800, s6  }
0xd: {  	s8 =	sshrl.u32 s8, $0x2;
	s9 =	ssub.s32 s9, s12;
	s10 =	sadd.s32 s10, s18  }
0xe: {  	s7 =	sshrl.u32 s7, $0x3;
	s13 =	sadd.s32 s8, s3;
	s12 =	sadd.s32 $0x124800, s3  }
0xf: {  	v0 =	vmov s18;
	s18 =	simm.s32 $0x180;
	s31 =	sshll.u32 s10, $0x4;
	s7 =	sadd.s32 s6, s7  }
0x10: {  	s8 =	smax.u32 s9, $0x1;
	s9 =	sadd.s32 $0x7000, s11;
	s10 =	sadd.s32 $0x2000, s11  }
0x11: {  	s11 =	sshrl.u32 @p0 s12, $0x3;
	s12 =	sshll.u32 @!p0 s1, $0x6;
	s13 =	sshrl.u32 @!p0 s13, $0x3  }
0x12: {  	s6 =	sadd.s32 s6, s31;
	s7 =	sadd.s32 $0x24900, s7;
	s12 =	sor.u32 @!p0 $0x1C02, s12  }
.LBB2_1:
0x13: {  	s21 =	simm.s32 @p0 $0x1FC2  }
0x14: {  	[spmem:s11], [sflag:s21] =	dma.local @p0 [hbm:s5], $0x2800  }
0x15: {  	s21 =	simm.s32 @p0 $0x2  }
0x16: {  	_ =	swait.ge @p0 [sflag:s21], $0x2800  }
0x17: {  	[sflag:s21] =	ssyncset.done @p0 $0x0  }
0x18: {  	[sflag:s21] =	ssyncadd.s32 @p0 $0xFFFFD800;
	s21 =	simm.s32 @!p0 $0x2  }
0x19: {  	[spmem:s13], [sflag:s12] =	dma.local @!p0 [hbm:s5], $0x2700  }
0x1a: {  	_ =	swait.ge @!p0 [sflag:s21], $0x2700  }
0x1b: {  	[sflag:s21] =	ssyncset.done @!p0 $0x0  }
0x1c: {  	[sflag:s21] =	ssyncadd.s32 @!p0 $0xFFFFD900  }
0x1d: {  	s30 =	sadd.s32 $0x0, s10;
	[bflag:$0x0] =	sbarrier.arrive $0xFFFF  }
0x1e: {  	[tilespmem:s4], [sflag:$0x2] =	stream.linear.gather [hbm4b:s30+s4], $0x50, $0x38;
	[tilespmem:$0x16200] =	vst v63  }
0x1f: {  	_ =	swait.ge [sflag:s14], $0x50  }
0x20: {  	[sflag:s14] =	ssyncset.done $0x0  }
0x21: {  	s31 =	sadd.s32 $0x0, s9;
	[sflag:s14] =	ssyncadd.s32 $0xFFFFFFB0  }
0x22: {  	[tilespmem:s15], [sflag:$0x2] =	stream.linear.gather [hbm4b:s31+s4], $0x50, $0x38;
	[tilespmem:$0x16200] =	vst v63  }
0x23: {  	_ =	swait.ge [sflag:s14], $0x50  }
0x24: {  	[sflag:s14] =	ssyncset.done $0x0  }
0x25: {  	[sflag:s14] =	ssyncadd.s32 $0xFFFFFFB0  }
0x26: {  	v1 =	vld [tilespmem:$0x40]  }
0x27: {  	v2 =	vld [tilespmem:$0x20]  }
0x28: {  	v3 =	vld [tilespmem:$0x30]  }
0x29: {  	v4 =	vld [tilespmem:$0x10]  }
0x2a: {  	v5 =	vld [tilespmem:$0x0]  }
0x2b: {  	v1 =	vadd.s32 v0, v1  }
0x2c: {  	v2 =	vadd.s32 v0, v2;
	[tilespmem:$0x140] =	vst v1  }
0x2d: {  	[tilespmem:$0x120] =	vst v2;
	v1 =	vadd.s32 v0, v3  }
0x2e: {  	v2 =	vadd.s32 v0, v4;
	[tilespmem:$0x130] =	vst v1  }
0x2f: {  	v1 =	vadd.s32 v0, v5;
	[tilespmem:$0x110] =	vst v2  }
0x30: {  	[tilespmem:$0x100] =	vst v1  }
0x31: {  	[tilespmem:s18], [sflag:$0x1] =	stream.indirect.gather [hbm4b:s2+s16], $0x80, s17, s16, $0xb8;
	[tilespmem:$0x16200] =	vst v63  }
0x32: {  	_ =	swait.ge [sflag:s19], $0x2800  }
0x33: {  	s21 =	simm.s32 $0xA;
	[sflag:s19] =	ssyncset.done $0x0  }
.LBB2_2:
0x34: {  	p1 =	sne.s32 s21, $0x4D8  }
0x35: {  	[sflag:s19] =	ssyncadd.s32 $0xFFFFD800;
	s22 =	smov.u32 s21;
	s21 =	sadd.s32 $0xA, s21  }
0x36: {  	[spmem:s3] =	stream.indirect.scatter.add.f32 [tilespmem:s18], [sflag:$0x2], $0x80, s15, s16, $0xb8;
	[tilespmem:$0x16200] =	vst v63  }
0x37: {  	_ =	swait.ge [sflag:s14], $0x2800  }
0x38: {  	[sflag:s14] =	ssyncset.done $0x0  }
0x39: {  	s23 =	sadd.s32 s22, s10;
	[sflag:s14] =	ssyncadd.s32 $0xFFFFD800  }
0x3a: {  	[tilespmem:s4], [sflag:$0x2] =	stream.linear.gather [hbm4b:s23+s4], $0x50, $0x38;
	[tilespmem:$0x16200] =	vst v63  }
0x3b: {  	_ =	swait.ge [sflag:s14], $0x50  }
0x3c: {  	[sflag:s14] =	ssyncset.done $0x0  }
0x3d: {  	s22 =	sadd.s32 s22, s9;
	[sflag:s14] =	ssyncadd.s32 $0xFFFFFFB0  }
0x3e: {  	[tilespmem:s15], [sflag:$0x2] =	stream.linear.gather [hbm4b:s22+s4], $0x50, $0x38;
	[tilespmem:$0x16200] =	vst v63  }
0x3f: {  	_ =	swait.ge [sflag:s14], $0x50  }
0x40: {  	[sflag:s14] =	ssyncset.done $0x0  }
0x41: {  	[sflag:s14] =	ssyncadd.s32 $0xFFFFFFB0  }
0x42: {  	v1 =	vld [tilespmem:$0x40]  }
0x43: {  	v2 =	vld [tilespmem:$0x20]  }
0x44: {  	v3 =	vld [tilespmem:$0x30]  }
0x45: {  	v4 =	vld [tilespmem:$0x10]  }
0x46: {  	v5 =	vld [tilespmem:$0x0]  }
0x47: {  	v1 =	vadd.s32 v0, v1  }
0x48: {  	v2 =	vadd.s32 v0, v2;
	[tilespmem:$0x140] =	vst v1  }
0x49: {  	[tilespmem:$0x120] =	vst v2;
	v1 =	vadd.s32 v0, v3  }
0x4a: {  	v2 =	vadd.s32 v0, v4;
	[tilespmem:$0x130] =	vst v1  }
.Ltmp0:
0x4b: {  	v1 =	vadd.s32 v0, v5;
	[tilespmem:$0x110] =	vst v2;
	(pc) =	sbr.rel @p1 .LBB2_2-.Ltmp0, $4  }
0x4c: {  	[tilespmem:$0x100] =	vst v1  }
0x4d: {  	[tilespmem:s18], [sflag:$0x1] =	stream.indirect.gather [hbm4b:s2+s16], $0x80, s17, s16, $0xb8;
	[tilespmem:$0x16200] =	vst v63  }
0x4e: {  	_ =	swait.ge [sflag:s19], $0x2800  }
0x4f: {  	[sflag:s19] =	ssyncset.done $0x0  }
0x50: {  	[sflag:s19] =	ssyncadd.s32 $0xFFFFD800  }
0x51: {  	[spmem:s3] =	stream.indirect.scatter.add.f32 [tilespmem:s18], [sflag:$0x2], $0x80, s15, s16, $0xb8;
	[tilespmem:$0x16200] =	vst v63  }
0x52: {  	_ =	swait.ge [sflag:s14], $0x2800  }
0x53: {  	[sflag:s14] =	ssyncset.done $0x0  }
0x54: {  	[sflag:s14] =	ssyncadd.s32 $0xFFFFD800  }
0x55: {  	s21 =	simm.s32 @p0 $0x1FC2;
	[bflag:$0x0] =	sbarrier.arrive $0xFFFF  }
0x56: {  	[hbm:s7], [sflag:s21] =	dma.local @p0 [spmem:s11], $0x2800  }
0x57: {  	s21 =	simm.s32 @p0 $0x2  }
0x58: {  	s20 =	sadd.s32 $0x1, s20;
	_ =	swait.ge @p0 [sflag:s21], $0x2800  }
0x59: {  	p1 =	sne.s32 s20, s8;
	[sflag:s21] =	ssyncset.done @p0 $0x0  }
.Ltmp1:
0x5a: {  	[sflag:s21] =	ssyncadd.s32 @p0 $0xFFFFD800;
	s21 =	simm.s32 @!p0 $0x2;
	(pc) =	sbr.rel @p1 .LBB2_1-.Ltmp1, $4  }
0x5b: {  	[hbm:s6], [sflag:s12] =	dma.local @!p0 [spmem:s13], $0x2700  }
0x5c: {  	_ =	swait.ge @!p0 [sflag:s21], $0x2700  }
0x5d: {  	[sflag:s21] =	ssyncset.done @!p0 $0x0  }
0x5e: {  	[sflag:s21] =	ssyncadd.s32 @!p0 $0xFFFFD900  }
0x5f: {  	_ =	sfence.sel $0x180000  }
0x60: {  	[bflag:$0x0] =	sbarrier.arrive $0xFFFF  }
0x61: {  	p0 =	sne.s32 s1, $0x0;
	_ =	strace $0x9000004D  }
0x62: {  	s0 =	sadd.s32 @!p0 $0x100000, s0;
	[bflag:$0x2] =	sbarrier.arrive $0xFFFF  }
0x63: {  	[sflag:s0] =	ssyncadd.tile.s32 @!p0 $0x1;
	_ =	shalt  }
.Lfunc_end2:
_tile_overlayer_lowered:
.L_overlay_start_2:
0x64: {  	(tag) =	ssettag $0x2  }
0x65: {  	s0 =	rddreg [dreg:$0x0];
	s2 =	stileid.u32  }
0x66: {  	s1 =	rddreg [dreg:$0x1];
	p0 =	sne.s32 s2, $0x0  }
0x67: {  	s3 =	rddreg [dreg:$0x2];
	[bflag:$0x3] =	sbarrier.arrive $0xFFFF;
	s2 =	simm.s32 @!p0 $0x1C02  }
0x68: {  	[timem:s3], [sflag:s2] =	dma.local @!p0 [hbm:s0], s1  }
0x69: {  	s0 =	simm.s32 @!p0 $0x2  }
0x6a: {  	_ =	swait.ge @!p0 [sflag:s0], s1  }
0x6b: {  	s1 =	ssub.s32 @!p0 $0x0, s1;
	[sflag:s0] =	ssyncset.done @!p0 $0x0  }
0x6c: {  	[sflag:s0] =	ssyncadd.s32 @!p0 s1  }
0x6d: {  	[bflag:$0x3] =	sbarrier.arrive $0xFFFF  }
0x6e: {  	_ =	shalt  }

// kernel: kernel.31.cloned.1.call-start
scs
__scs_entry_jumppad:
0x0: {  	(pc) =	sbr.rel $0x88, $3  }
0x1: {  	(tag) =	ssettag $0x0;
	lr =	simm.s32 $0x1  }
0x2: {  	[smem:$0x3F99] =	sst lr;
	_ =	strace $0xD0000000  }
0x3: {  	_ = 	snop  }
0x4: {  	_ = 	snop  }
0x5: {  	_ = 	snop  }
0x6: {  	_ = 	snop  }
0x7: {  	_ = 	snop  }
__scs_overlays_trampoline_lowered:
0x8: {  	[smem:$0x3FA8] =	sst s0  }
0x9: {  	[smem:$0x3FA9] =	sst s1  }
0xa: {  	[smem:$0x3FAA] =	sst s2  }
0xb: {  	[smem:$0x3FAB] =	sst s3  }
0xc: {  	[smem:$0x3FAC] =	sst s4  }
0xd: {  	[smem:$0x3FAD] =	sst s5  }
0xe: {  	[smem:$0x3FAE] =	sst s6  }
0xf: {  	[smem:$0x3FAF] =	sst s7  }
0x10: {  	[smem:$0x3FB0] =	sst s8  }
0x11: {  	[smem:$0x3FB1] =	sst s9;
	s0 =	simm.s32 @!p0 $0x0  }
0x12: {  	s1 =	sld [smem:$0x3F97];
	s0 =	simm.s32 @p0 $0x1  }
0x13: {  	[smem:$0x3FB2] =	sst s0;
	s0 =	simm.s32 @!p1 $0x0  }
0x14: {  	s2 =	sld [smem:$0x3F96];
	s0 =	simm.s32 @p1 $0x1  }
0x15: {  	[smem:$0x3FB3] =	sst s0;
	s0 =	simm.s32 @!p2 $0x0  }
0x16: {  	s3 =	sld [smem:$0x3FDB];
	s0 =	simm.s32 @p2 $0x1  }
0x17: {  	s4 =	simm.s32 $0x1BF5;
	[smem:$0x3FB5] =	sst s0  }
0x18: {  	s0 =	sld [smem:$0x3F98];
	_ =	swait.ge [sflag:s4], $0x0  }
0x19: {  	s7 =	sld [smem:$0x3F99]  }
0x1a: {  	s8 =	sadd.s32 $0xFFFFE003, lr  }
0x1b: {  	s9 =	sadd.s32 $0xFFFFFEF7, lr;
	s5 =	simm.s32 $0xFFFFFFFF;
	p2 =	slt.u32 s8, $0xFFFFF086  }
0x1c: {  	p1 =	slt.u32 s9, $0xF7A;
	s5 =	simm.s32 @!p2 $0x0  }
0x1d: {  	s5 =	simm.s32 @p1 $0x1;
	p0 =	seq.s32 s7, s2  }
0x1e: {  	s7 =	smul.u32 @!p0 $0xF7A, s2;
	p2 =	seq.s32 @!p0 s5, $0x0  }
0x1f: {  	s9 =	smul.u32 $0xF7A, s1;
	s8 =	simm.s32 @!p0 $0x1BF5;
	p2 =	por !p2, p0  }
0x20: {  	[sflag:s8] =	ssyncset.s32 @!p0 $0xFFFFF086;
	s6 =	sadd.s32 @!p0 s3, s7;
	s7 =	simm.s32 @!p0 $0x108  }
0x21: {  	s3 =	sadd.s32 s3, s9;
	s6 =	sadd.s32 @!p0 $0x88, s6;
	s7 =	simm.s32 @p2 $0x1082  }
0x22: {  	[simem:s7], [sflag:s8] =	dma.local @!p0 [hbm:s6], $0xF7A  }
0x23: {  	s9 =	sor.u32 $0xD0000000, s2;
	s6 =	simm.s32 $0x108;
	_ =	swait.ge @!p0 [sflag:s8], $0x0  }
0x24: {  	s3 =	sadd.s32 $0x88, s3;
	s6 =	simm.s32 @!p1 $0x1082;
	[sflag:s4] =	ssyncset.s32 $0xFFFFF086  }
0x25: {  	[simem:s6], [sflag:s4] =	dma.local [hbm:s3], $0xF7A  }
0x26: {  	[smem:$0x3F99] =	sst s1;
	(tag) =	ssettag s2;
	_ =	strace s9  }
0x27: {  	s1 =	sld [smem:$0x3FA9]  }
0x28: {  	s2 =	sld [smem:$0x3FAA]  }
0x29: {  	s4 =	sld [smem:$0x3FAC]  }
0x2a: {  	p0 =	seq.s32 s5, $0x0;
	s5 =	sld [smem:$0x3FAD]  }
0x2b: {  	s6 =	sld [smem:$0x3FAE]  }
0x2c: {  	s7 =	sld [smem:$0x3FAF]  }
0x2d: {  	s3 =	simm.s32 $0x108;
	s8 =	sld [smem:$0x3FB0]  }
0x2e: {  	s3 =	simm.s32 @!p0 $0x1082;
	s9 =	sld [smem:$0x3FB1]  }
0x2f: {  	lr =	sadd.s32 s0, s3;
	s0 =	sld [smem:$0x3FA8]  }
0x30: {  	s3 =	sld [smem:$0x3FAB]  }
0x31: {  	[smem:$0x3FB4] =	sst s10  }
0x32: {  	s10 =	sld [smem:$0x3FB2];
	_ =	sdelay $0x3  }
0x33: {  	p0 =	seq.s32 s10, $0x1;
	s10 =	sld [smem:$0x3FB4];
	_ =	sdelay $0x3  }
0x34: {  	[smem:$0x3FB4] =	sst s10  }
0x35: {  	s10 =	sld [smem:$0x3FB3];
	_ =	sdelay $0x3  }
0x36: {  	p1 =	seq.s32 s10, $0x1;
	s10 =	sld [smem:$0x3FB4];
	_ =	sdelay $0x3  }
0x37: {  	[smem:$0x3FB4] =	sst s10  }
0x38: {  	s10 =	sld [smem:$0x3FB5]  }
0x39: {  	_ = 	snop;
	(pc) =	sbr.ind lr, $3  }
0x3a: {  	_ = 	snop  }
0x3b: {  	_ = 	snop  }
0x3c: {  	p2 =	seq.s32 s10, $0x1;
	s10 =	sld [smem:$0x3FB4]  }
0x3d: {  	_ =	shalt  }
0x3e: {  	_ =	shalt  }
0x3f: {  	_ =	shalt  }
0x40: {  	_ =	shalt  }
0x41: {  	_ =	shalt  }
0x42: {  	_ =	shalt  }
0x43: {  	_ =	shalt  }
0x44: {  	_ =	shalt  }
0x45: {  	_ =	shalt  }
0x46: {  	_ =	shalt  }
0x47: {  	_ =	shalt  }
0x48: {  	_ =	shalt  }
0x49: {  	_ =	shalt  }
0x4a: {  	_ =	shalt  }
0x4b: {  	_ =	shalt  }
0x4c: {  	_ =	shalt  }
0x4d: {  	_ =	shalt  }
0x4e: {  	_ =	shalt  }
0x4f: {  	_ =	shalt  }
0x50: {  	_ =	shalt  }
0x51: {  	_ =	shalt  }
0x52: {  	_ =	shalt  }
0x53: {  	_ =	shalt  }
0x54: {  	_ =	shalt  }
0x55: {  	_ =	shalt  }
0x56: {  	_ =	shalt  }
0x57: {  	_ =	shalt  }
0x58: {  	_ =	shalt  }
0x59: {  	_ =	shalt  }
0x5a: {  	_ =	shalt  }
0x5b: {  	_ =	shalt  }
0x5c: {  	_ =	shalt  }
0x5d: {  	_ =	shalt  }
0x5e: {  	_ =	shalt  }
0x5f: {  	_ =	shalt  }
0x60: {  	_ =	shalt  }
0x61: {  	_ =	shalt  }
0x62: {  	_ =	shalt  }
0x63: {  	_ =	shalt  }
0x64: {  	_ =	shalt  }
0x65: {  	_ =	shalt  }
0x66: {  	_ =	shalt  }
0x67: {  	_ =	shalt  }
0x68: {  	_ =	shalt  }
0x69: {  	_ =	shalt  }
0x6a: {  	_ =	shalt  }
0x6b: {  	_ =	shalt  }
0x6c: {  	_ =	shalt  }
0x6d: {  	_ =	shalt  }
0x6e: {  	_ =	shalt  }
0x6f: {  	_ =	shalt  }
0x70: {  	_ =	shalt  }
0x71: {  	_ =	shalt  }
0x72: {  	_ =	shalt  }
0x73: {  	_ =	shalt  }
0x74: {  	_ =	shalt  }
0x75: {  	_ =	shalt  }
0x76: {  	_ =	shalt  }
0x77: {  	_ =	shalt  }
0x78: {  	_ =	shalt  }
0x79: {  	_ =	shalt  }
0x7a: {  	_ =	shalt  }
0x7b: {  	_ =	shalt  }
0x7c: {  	_ =	shalt  }
0x7d: {  	_ =	shalt  }
0x7e: {  	_ =	shalt  }
0x7f: {  	_ =	shalt  }
0x80: {  	_ =	shalt  }
0x81: {  	_ =	shalt  }
0x82: {  	_ =	shalt  }
0x83: {  	_ =	shalt  }
0x84: {  	_ =	shalt  }
0x85: {  	_ =	shalt  }
0x86: {  	_ =	shalt  }
0x87: {  	_ =	shalt  }
.Lfunc_end0:
.L_simem_size_0:
called_computation.5_lowered:
.L_overlay_start_0:
0x88: {  	s2 =	sld [smem:$0x3FD9]  }
0x89: {  	s3 =	sld [smem:$0x3FFE];
	_ =	sdelay $0x1  }
0x8a: {  	s1 =	srdreg.scid  }
0x8b: {  	s0 =	sand.u32 $0x1, s1  }
0x8c: {  	s15 =	sshll.u32 s0, $0xA;
	s2 =	sadd.s32 s3, s2  }
0x8d: {  	s2 =	sadd.s32 s2, s15  }
0x8e: {  	[smem:$0x3FC0] =	sst s2  }
0x8f: {  	_ = 	snop  }
0x90: {  	s2 =	sld [smem:$0x3FD0];
	_ =	sdelay $0x2  }
0x91: {  	s16 =	simm.s32 $0xB;
	s4 =	simm.s32 $0x10  }
0x92: {  	[smem:s4], [sflag:s16] =	dma.local [hbm:s2], $0x1  }
0x93: {  	_ =	swait.eq [sflag:s16], $0x1  }
0x94: {  	[sflag:s16] =	ssyncset.done $0x0  }
0x95: {  	[sflag:s16] =	ssyncadd.s32 $0xFFFFFFFF  }
0x96: {  	s17 =	sld [smem:$0x10];
	(tm) =	ssettm $0x1  }
0x97: {  	s18 =	sld [smem:$0x3FFB];
	_ =	sdelay $0x3  }
0x98: {  	_ =	strace s18  }
0x99: {  	s2 =	sld [smem:$0x3FFC];
	_ =	sdelay $0x3  }
0x9a: {  	_ =	strace s2  }
0x9b: {  	s2 =	sld [smem:$0x3FFD];
	_ =	sdelay $0x3  }
0x9c: {  	_ =	strace s2  }
0x9d: {  	_ =	strace $0x8FFFFFFF  }
0x9e: {  	s19 =	sld [smem:$0x3FDB];
	_ =	sdelay $0x1  }
0x9f: {  	s20 =	simm.s32 $_scs_section_size  }
0xa0: {  	s5 =	simm.s32 $_size__tile_overlayer_lowered;
	s6 =	simm.s32 $_tile_overlayer_lowered  }
0xa1: {  	s7 =	simm.s32 $0x1BFF;
	s21 =	sshll.u32 s6, $0x1;
	s4 =	sadd.s32 s20, s19  }
0xa2: {  	s22 =	simm.s32 $0x0;
	s5 =	sshll.u32 s5, $0x1;
	s6 =	sadd.s32 s21, s4  }
0xa3: {  	[timem:s22], [sflag:s7] =	dma.local [hbm:s6], s5  }
0xa4: {  	_ =	swait.ge [sflag:s7], s5  }
0xa5: {  	s5 =	ssub.s32 $0x0, s5;
	[sflag:s7] =	ssyncset.done $0x0  }
0xa6: {  	[sflag:s7] =	ssyncadd.s32 s5;
	_ =	sdelay $0x1  }
0xa7: {  	s23 =	simm.s32 $0x1B8B  }
0xa8: {  	_ =	swait.ge [sflag:s23], $0x1  }
0xa9: {  	[sflag:s23] =	ssyncset.done $0x0  }
0xaa: {  	[sflag:s23] =	ssyncadd.s32 $0xFFFFFFFF  }
0xab: {  	s5 =	sld [smem:$0x0]  }
0xac: {  	s6 =	sand.u32 $0xFFFFFFFE, s1  }
0xad: {  	p0 =	sne.s32 s1, s6  }
0xae: {  	s6 =	sshll.u32 @p0 s6, $0xE  }
0xaf: {  	s6 =	sadd.s32 @p0 $0x11B8D, s6;
	s7 =	sshll.u32 @p0 s5, $0x11  }
0xb0: {  	s6 =	sor.u32 @p0 s7, s6  }
0xb1: {  	[sflag:s6] =	ssyncadd.remote.s32 @p0 $0x1;
	_ =	sdelay $0x1  }
0xb2: {  	s6 =	simm.s32 @p0 $0x1B8D  }
0xb3: {  	_ =	swait.eq @p0 [sflag:s6], $0x1  }
0xb4: {  	[sflag:s6] =	ssyncadd.s32 @p0 $0xFFFFFFFF  }
0xb5: {  	s7 =	sshll.u32 @!p0 s1, $0xE  }
0xb6: {  	s7 =	sor.u32 @!p0 $0x4000, s7;
	s6 =	simm.s32 @!p0 $0x1B8D  }
0xb7: {  	s5 =	sshll.u32 @!p0 s5, $0x11;
	s7 =	sadd.s32 @!p0 $0x11B8D, s7;
	_ =	swait.eq @!p0 [sflag:s6], $0x1  }
0xb8: {  	s5 =	sor.u32 @!p0 s5, s7;
	[sflag:s6] =	ssyncadd.s32 @!p0 $0xFFFFFFFF  }
0xb9: {  	s25 =	simm.s32 $0x1B8E;
	s24 =	sld [smem:$0x3FFE];
	[sflag:s5] =	ssyncadd.remote.s32 @!p0 $0x1  }
0xba: {  	s26 =	simm.s32 $execute0_lowered;
	[smem:$0x3FD2] =	sst s25  }
0xbb: {  	s6 =	sshll.u32 s26, $0x1;
	_ =	strace $0x80000052;
	[dreg:$0x1] =	wrdreg $0xFFFFFFFF  }
0xbc: {  	s28 =	simm.s32 $_size_execute0_lowered;
	s4 =	sadd.s32 s4, s6;
	[dreg:$0x0] =	wrdreg $0x0  }
0xbd: {  	s6 =	sshll.u32 s28, $0x1;
	[dreg:$0x2] =	wrdreg s4  }
0xbe: {  	[dreg:$0x3] =	wrdreg s6  }
0xbf: {  	[dreg:$0x4] =	wrdreg $0xC0  }
0xc0: {  	_ =	task [dreg:s22], $0x5FFFF  }
0xc1: {  	[dreg:$0x1] =	wrdreg $0xFFFFFFFF  }
0xc2: {  	[dreg:$0x0] =	wrdreg $0x60  }
0xc3: {  	[dreg:$0x2] =	wrdreg s17  }
0xc4: {  	[dreg:$0x3] =	wrdreg s24  }
0xc5: {  	[dreg:$0x4] =	wrdreg $0x29800  }
0xc6: {  	[dreg:$0x5] =	wrdreg $0xA  }
0xc7: {  	_ =	task.clear_ibuf [dreg:s22], $0x6FFFF;
	_ =	strace $0x90000052  }
0xc8: {  	s29 =	simm.s32 $0xA;
	_ =	strace $0x80000054  }
0xc9: {  	_ =	swait.ge [sflag:s29], $0x1  }
0xca: {  	[sflag:s29] =	ssyncadd.s32 $0xFFFFFFFF  }
0xcb: {  	_ =	strace $0x90000054  }
0xcc: {  	_ =	sfence  }
0xcd: {  	s30 =	sld [smem:$0x0];
	_ =	sdelay $0x2  }
0xce: {  	s31 =	sshll.u32 s1, $0xD;
	s1 =	sshrl.u32 s1, $0x2  }
0xcf: {  	s4 =	sand.u32 $0x4000, s31;
	s1 =	sadd.s32 s1, s30  }
0xd0: {  	s0 =	sor.u32 s4, s0;
	s1 =	sshll.u32 s1, $0x11  }
0xd1: {  	s0 =	sor.u32 s1, s0  }
0xd2: {  	s0 =	sadd.s32 $0x8F2B, s0  }
0xd3: {  	[sflag:s0] =	ssyncadd.remote.s32 $0x1  }
0xd4: {  	_ =	sfence.sel $0xFFFF  }
0xd5: {  	[dreg:$0x0] =	wrdreg $0xFFFFFFFF;
	(pc) =	sbr.abs _section_cstart, $3  }
0xd6: {  	[dreg:$0x1] =	wrdreg $0xFFFFFFFF  }
0xd7: {  	_ =	task.clear_ibuf [dreg:s22], $0x2FFFF;
	_ =	strace $0x9FFFFFFF  }
0xd8: {  	(tm) =	ssettm $0x7FFFFFFF  }
0xd9: {  	_ =	shalt  }
tec
execute0_lowered:
.L_overlay_start_1:
0x0: {  	(tag) =	ssettag $0x1  }
0x1: {  	s2 =	rddreg [dreg:$0x0]  }
0x2: {  	s6 =	rddreg [dreg:$0x1]  }
0x3: {  	s3 =	rddreg [dreg:$0x2]  }
0x4: {  	s0 =	rddreg [dreg:$0x3]  }
0x5: {  	s1 =	stileid.u32;
	s7 =	srdreg.scid  }
0x6: {  	s4 =	simm.s32 $0x0;
	s14 =	simm.s32 $0x2;
	s15 =	simm.s32 $0x80  }
0x7: {  	s16 =	simm.s32 $0x50;
	s17 =	simm.s32 $0x100;
	s5 =	smul.u32 $0x4E2, s1  }
0x8: {  	s19 =	simm.s32 $0x1;
	s20 =	simm.s32 $0x0;
	s8 =	smul.u32 $0x4E000, s1  }
0x9: {  	s7 =	sand.u32 $0x1, s7;
	[smem:$0x7FF] =	sst s4;
	s10 =	smul.u32 $0x270, s1  }
0xa: {  	p0 =	seq.s32 s1, $0xF;
	s18 =	smul.u32 $0x2710, s7;
	_ =	strace $0x80000053  }
0xb: {  	s9 =	ssub.s32 $0x2, s7;
	s7 =	smul.u32 $0x138800, s7;
	s11 =	sadd.s32 s5, s6  }
0xc: {  	s12 =	sshrl.u32 s9, $0x1;
	s5 =	sadd.s32 $0x16000, s6;
	s6 =	sadd.s32 $0x18800, s6  }
0xd: {  	s8 =	sshrl.u32 s8, $0x2;
	s9 =	ssub.s32 s9, s12;
	s10 =	sadd.s32 s10, s18  }
0xe: {  	s7 =	sshrl.u32 s7, $0x3;
	s13 =	sadd.s32 s8, s3;
	s12 =	sadd.s32 $0x124800, s3  }
0xf: {  	v0 =	vmov s18;
	s18 =	simm.s32 $0x180;
	s31 =	sshll.u32 s10, $0x4;
	s7 =	sadd.s32 s6, s7  }
0x10: {  	s8 =	smax.u32 s9, $0x1;
	s9 =	sadd.s32 $0x7000, s11;
	s10 =	sadd.s32 $0x2000, s11  }
0x11: {  	s11 =	sshrl.u32 @p0 s12, $0x3;
	s12 =	sshll.u32 @!p0 s1, $0x6;
	s13 =	sshrl.u32 @!p0 s13, $0x3  }
0x12: {  	s6 =	sadd.s32 s6, s31;
	s7 =	sadd.s32 $0x24900, s7;
	s12 =	sor.u32 @!p0 $0x1C02, s12  }
.LBB2_1:
0x13: {  	s21 =	simm.s32 @p0 $0x1FC2  }
0x14: {  	[spmem:s11], [sflag:s21] =	dma.local @p0 [hbm:s5], $0x2800  }
0x15: {  	s21 =	simm.s32 @p0 $0x2  }
0x16: {  	_ =	swait.ge @p0 [sflag:s21], $0x2800  }
0x17: {  	[sflag:s21] =	ssyncset.done @p0 $0x0  }
0x18: {  	[sflag:s21] =	ssyncadd.s32 @p0 $0xFFFFD800;
	s21 =	simm.s32 @!p0 $0x2  }
0x19: {  	[spmem:s13], [sflag:s12] =	dma.local @!p0 [hbm:s5], $0x2700  }
0x1a: {  	_ =	swait.ge @!p0 [sflag:s21], $0x2700  }
0x1b: {  	[sflag:s21] =	ssyncset.done @!p0 $0x0  }
0x1c: {  	[sflag:s21] =	ssyncadd.s32 @!p0 $0xFFFFD900  }
0x1d: {  	s30 =	sadd.s32 $0x0, s10;
	[bflag:$0x0] =	sbarrier.arrive $0xFFFF  }
0x1e: {  	[tilespmem:s4], [sflag:$0x2] =	stream.linear.gather [hbm4b:s30+s4], $0x50, $0x38;
	[tilespmem:$0x16200] =	vst v63  }
0x1f: {  	_ =	swait.ge [sflag:s14], $0x50  }
0x20: {  	[sflag:s14] =	ssyncset.done $0x0  }
0x21: {  	s31 =	sadd.s32 $0x0, s9;
	[sflag:s14] =	ssyncadd.s32 $0xFFFFFFB0  }
0x22: {  	[tilespmem:s15], [sflag:$0x2] =	stream.linear.gather [hbm4b:s31+s4], $0x50, $0x38;
	[tilespmem:$0x16200] =	vst v63  }
0x23: {  	_ =	swait.ge [sflag:s14], $0x50  }
0x24: {  	[sflag:s14] =	ssyncset.done $0x0  }
0x25: {  	[sflag:s14] =	ssyncadd.s32 $0xFFFFFFB0  }
0x26: {  	v1 =	vld [tilespmem:$0x40]  }
0x27: {  	v2 =	vld [tilespmem:$0x20]  }
0x28: {  	v3 =	vld [tilespmem:$0x30]  }
0x29: {  	v4 =	vld [tilespmem:$0x10]  }
0x2a: {  	v5 =	vld [tilespmem:$0x0]  }
0x2b: {  	v1 =	vadd.s32 v0, v1  }
0x2c: {  	v2 =	vadd.s32 v0, v2;
	[tilespmem:$0x140] =	vst v1  }
0x2d: {  	[tilespmem:$0x120] =	vst v2;
	v1 =	vadd.s32 v0, v3  }
0x2e: {  	v2 =	vadd.s32 v0, v4;
	[tilespmem:$0x130] =	vst v1  }
0x2f: {  	v1 =	vadd.s32 v0, v5;
	[tilespmem:$0x110] =	vst v2  }
0x30: {  	[tilespmem:$0x100] =	vst v1  }
0x31: {  	[tilespmem:s18], [sflag:$0x1] =	stream.indirect.gather [hbm4b:s2+s16], $0x80, s17, s16, $0xb8;
	[tilespmem:$0x16200] =	vst v63  }
0x32: {  	_ =	swait.ge [sflag:s19], $0x2800  }
0x33: {  	s21 =	simm.s32 $0xA;
	[sflag:s19] =	ssyncset.done $0x0  }
.LBB2_2:
0x34: {  	p1 =	sne.s32 s21, $0x4D8  }
0x35: {  	[sflag:s19] =	ssyncadd.s32 $0xFFFFD800;
	s22 =	smov.u32 s21;
	s21 =	sadd.s32 $0xA, s21  }
0x36: {  	[spmem:s3] =	stream.indirect.scatter.add.f32 [tilespmem:s18], [sflag:$0x2], $0x80, s15, s16, $0xb8;
	[tilespmem:$0x16200] =	vst v63  }
0x37: {  	_ =	swait.ge [sflag:s14], $0x2800  }
0x38: {  	[sflag:s14] =	ssyncset.done $0x0  }
0x39: {  	s23 =	sadd.s32 s22, s10;
	[sflag:s14] =	ssyncadd.s32 $0xFFFFD800  }
0x3a: {  	[tilespmem:s4], [sflag:$0x2] =	stream.linear.gather [hbm4b:s23+s4], $0x50, $0x38;
	[tilespmem:$0x16200] =	vst v63  }
0x3b: {  	_ =	swait.ge [sflag:s14], $0x50  }
0x3c: {  	[sflag:s14] =	ssyncset.done $0x0  }
0x3d: {  	s22 =	sadd.s32 s22, s9;
	[sflag:s14] =	ssyncadd.s32 $0xFFFFFFB0  }
0x3e: {  	[tilespmem:s15], [sflag:$0x2] =	stream.linear.gather [hbm4b:s22+s4], $0x50, $0x38;
	[tilespmem:$0x16200] =	vst v63  }
0x3f: {  	_ =	swait.ge [sflag:s14], $0x50  }
0x40: {  	[sflag:s14] =	ssyncset.done $0x0  }
0x41: {  	[sflag:s14] =	ssyncadd.s32 $0xFFFFFFB0  }
0x42: {  	v1 =	vld [tilespmem:$0x40]  }
0x43: {  	v2 =	vld [tilespmem:$0x20]  }
0x44: {  	v3 =	vld [tilespmem:$0x30]  }
0x45: {  	v4 =	vld [tilespmem:$0x10]  }
0x46: {  	v5 =	vld [tilespmem:$0x0]  }
0x47: {  	v1 =	vadd.s32 v0, v1  }
0x48: {  	v2 =	vadd.s32 v0, v2;
	[tilespmem:$0x140] =	vst v1  }
0x49: {  	[tilespmem:$0x120] =	vst v2;
	v1 =	vadd.s32 v0, v3  }
0x4a: {  	v2 =	vadd.s32 v0, v4;
	[tilespmem:$0x130] =	vst v1  }
.Ltmp0:
0x4b: {  	v1 =	vadd.s32 v0, v5;
	[tilespmem:$0x110] =	vst v2;
	(pc) =	sbr.rel @p1 .LBB2_2-.Ltmp0, $4  }
0x4c: {  	[tilespmem:$0x100] =	vst v1  }
0x4d: {  	[tilespmem:s18], [sflag:$0x1] =	stream.indirect.gather [hbm4b:s2+s16], $0x80, s17, s16, $0xb8;
	[tilespmem:$0x16200] =	vst v63  }
0x4e: {  	_ =	swait.ge [sflag:s19], $0x2800  }
0x4f: {  	[sflag:s19] =	ssyncset.done $0x0  }
0x50: {  	[sflag:s19] =	ssyncadd.s32 $0xFFFFD800  }
0x51: {  	[spmem:s3] =	stream.indirect.scatter.add.f32 [tilespmem:s18], [sflag:$0x2], $0x80, s15, s16, $0xb8;
	[tilespmem:$0x16200] =	vst v63  }
0x52: {  	_ =	swait.ge [sflag:s14], $0x2800  }
0x53: {  	[sflag:s14] =	ssyncset.done $0x0  }
0x54: {  	[sflag:s14] =	ssyncadd.s32 $0xFFFFD800  }
0x55: {  	s21 =	simm.s32 @p0 $0x1FC2;
	[bflag:$0x0] =	sbarrier.arrive $0xFFFF  }
0x56: {  	[hbm:s7], [sflag:s21] =	dma.local @p0 [spmem:s11], $0x2800  }
0x57: {  	s21 =	simm.s32 @p0 $0x2  }
0x58: {  	s20 =	sadd.s32 $0x1, s20;
	_ =	swait.ge @p0 [sflag:s21], $0x2800  }
0x59: {  	p1 =	sne.s32 s20, s8;
	[sflag:s21] =	ssyncset.done @p0 $0x0  }
.Ltmp1:
0x5a: {  	[sflag:s21] =	ssyncadd.s32 @p0 $0xFFFFD800;
	s21 =	simm.s32 @!p0 $0x2;
	(pc) =	sbr.rel @p1 .LBB2_1-.Ltmp1, $4  }
0x5b: {  	[hbm:s6], [sflag:s12] =	dma.local @!p0 [spmem:s13], $0x2700  }
0x5c: {  	_ =	swait.ge @!p0 [sflag:s21], $0x2700  }
0x5d: {  	[sflag:s21] =	ssyncset.done @!p0 $0x0  }
0x5e: {  	[sflag:s21] =	ssyncadd.s32 @!p0 $0xFFFFD900  }
0x5f: {  	_ =	sfence.sel $0x180000  }
0x60: {  	[bflag:$0x0] =	sbarrier.arrive $0xFFFF  }
0x61: {  	p0 =	sne.s32 s1, $0x0;
	_ =	strace $0x90000053  }
0x62: {  	s0 =	sadd.s32 @!p0 $0x100000, s0;
	[bflag:$0x2] =	sbarrier.arrive $0xFFFF  }
0x63: {  	[sflag:s0] =	ssyncadd.tile.s32 @!p0 $0x1;
	_ =	shalt  }
.Lfunc_end2:
_tile_overlayer_lowered:
.L_overlay_start_2:
0x64: {  	(tag) =	ssettag $0x2  }
0x65: {  	s0 =	rddreg [dreg:$0x0];
	s2 =	stileid.u32  }
0x66: {  	s1 =	rddreg [dreg:$0x1];
	p0 =	sne.s32 s2, $0x0  }
0x67: {  	s3 =	rddreg [dreg:$0x2];
	[bflag:$0x3] =	sbarrier.arrive $0xFFFF;
	s2 =	simm.s32 @!p0 $0x1C02  }
0x68: {  	[timem:s3], [sflag:s2] =	dma.local @!p0 [hbm:s0], s1  }
0x69: {  	s0 =	simm.s32 @!p0 $0x2  }
0x6a: {  	_ =	swait.ge @!p0 [sflag:s0], s1  }
0x6b: {  	s1 =	ssub.s32 @!p0 $0x0, s1;
	[sflag:s0] =	ssyncset.done @!p0 $0x0  }
0x6c: {  	[sflag:s0] =	ssyncadd.s32 @!p0 s1  }
0x6d: {  	[bflag:$0x3] =	sbarrier.arrive $0xFFFF  }
0x6e: {  	_ =	shalt  }

</sc_bundles>
